<compile_context>
chip_gen: v7x
topology: tpu7x:2x2x1
jax: 0.10.2.dev20260603
libtpu: 0.0.44.dev20260713+nightly
codegen_flags: <defaults>
</compile_context>

<pallas_src>
import functools

import jax
import jax.numpy as jnp
from jax.experimental import pallas as pl
from jax.experimental.pallas import tpu as pltpu
from jax.experimental.pallas import tpu_sc as plsc

TM = 256
NE = 8

_VECTOR_MESH = plsc.VectorSubcoreMesh(core_axis_name="core",
                                      subcore_axis_name="subcore")


def _sc_compiler_params():
    return pltpu.CompilerParams(needs_layout_passes=False)


_W = 128


def _chunk_idx(idx, split):
    n = idx.shape[0]
    sub = idx.reshape(n // _W, 1, 1, _W) * split
    return sub + jnp.arange(split, dtype=idx.dtype).reshape(1, split, 1, 1)


def _sc_row_gather(x, idx, split):
    n = idx.shape[0]
    h = x.shape[1]
    hc = h // split
    xs = x.reshape(x.shape[0] * split, hc)
    idx4 = _chunk_idx(idx, split)

    @functools.partial(
        pl.kernel,
        out_type=jax.ShapeDtypeStruct((n, h), x.dtype),
        mesh=_VECTOR_MESH,
        compiler_params=_sc_compiler_params(),
    )
    def gather_kernel(x_hbm, i_hbm, o_hbm):
        def body(i_vmem, o_vmem):
            pltpu.sync_copy(x_hbm.at[i_vmem.at[0, 0, 0]], o_vmem)

        pltpu.emit_pipeline(
            body,
            grid=(n // _W, split),
            in_specs=[pl.BlockSpec((1, 1, 1, _W),
                                   index_map=lambda i, j: (i, j, 0, 0))],
            out_specs=[pl.BlockSpec((_W, hc), index_map=lambda i, j: (i, j))],
            core_axis_name=("core", "subcore"),
            dimension_semantics=(pltpu.PARALLEL, pltpu.PARALLEL),
        )(i_hbm, o_hbm)

    return gather_kernel(xs, idx4)


def _sc_row_scatter(y, idx, n_out, split):
    n, h = y.shape
    hc = h // split
    idx8 = _chunk_idx(idx, split)

    @functools.partial(
        pl.kernel,
        out_type=jax.ShapeDtypeStruct((n_out * split, hc), y.dtype),
        mesh=_VECTOR_MESH,
        compiler_params=_sc_compiler_params(),
    )
    def scatter_kernel(y_hbm, i_hbm, o_hbm):
        def body(y_vmem, i_vmem):
            pltpu.sync_copy(y_vmem, o_hbm.at[i_vmem.at[0, 0, 0]])

        pltpu.emit_pipeline(
            body,
            grid=(n // _W, split),
            in_specs=[
                pl.BlockSpec((_W, hc), index_map=lambda i, j: (i, j)),
                pl.BlockSpec((1, 1, 1, _W),
                             index_map=lambda i, j: (i, j, 0, 0)),
            ],
            out_specs=[],
            core_axis_name=("core", "subcore"),
            dimension_semantics=(pltpu.PARALLEL, pltpu.PARALLEL),
        )(y_hbm, i_hbm)

    return scatter_kernel(y, idx8).reshape(n_out, h)


def _mlp1_body(te_ref, x_ref, wg_ref, wu_ref, o_ref):
    x = x_ref[...].astype(jnp.bfloat16)
    g = jax.lax.dot_general(x, wg_ref[0], (((1,), (0,)), ((), ())),
                            preferred_element_type=jnp.float32)
    u = jax.lax.dot_general(x, wu_ref[0], (((1,), (0,)), ((), ())),
                            preferred_element_type=jnp.float32)
    o_ref[...] = ((g * jax.lax.logistic(g)) * u).astype(jnp.bfloat16)


def _mlp2_body(te_ref, h_ref, wd_ref, o_ref):
    o_ref[...] = jax.lax.dot_general(h_ref[...], wd_ref[0],
                                     (((1,), (0,)), ((), ())),
                                     preferred_element_type=jnp.float32)


def kernel(hidden_states, gate_proj, up_proj, down_proj, token_ids, token_to_expert):
    Bb, Ss, H = hidden_states.shape
    nE, _, EI = gate_proj.shape
    V = token_to_expert.shape[0]
    T = Bb * Ss
    P = T + nE * TM
    NT = P // TM

    flat_x = hidden_states.reshape(T, H)
    ids = jnp.clip(token_ids.reshape(-1), 0, V - 1)
    eids = jnp.take(token_to_expert, ids, axis=0)

    order = jnp.argsort(eids, stable=True)
    sorted_e = eids[order]
    counts = jnp.bincount(eids, length=nE)
    padded = ((counts + TM - 1) // TM) * TM
    start = jnp.concatenate([jnp.zeros(1, jnp.int32),
                             jnp.cumsum(padded)[:-1].astype(jnp.int32)])
    cstart = jnp.concatenate([jnp.zeros(1, jnp.int32),
                              jnp.cumsum(counts)[:-1].astype(jnp.int32)])
    pos = start[sorted_e] + (jnp.arange(T, dtype=jnp.int32) - cstart[sorted_e])
    tile_ids = jnp.arange(NT, dtype=jnp.int32) * TM
    ends = jnp.cumsum(padded).astype(jnp.int32)
    tile_expert = jnp.minimum(jnp.searchsorted(ends, tile_ids, side="right"),
                              nE - 1).astype(jnp.int32)
    total_padded = ends[-1]
    first_e = sorted_e[0]
    tile_expert = jnp.where(tile_ids < total_padded, tile_expert, first_e)
    clone_tok = order[jnp.clip(cstart[tile_expert], 0, T - 1)]
    perm = jnp.repeat(clone_tok, TM, total_repeat_length=P)
    perm = perm.at[pos].set(order)

    x_sorted = _sc_row_gather(flat_x, perm, 8)

    grid1 = pltpu.PrefetchScalarGridSpec(
        num_scalar_prefetch=1,
        grid=(NT,),
        in_specs=[
            pl.BlockSpec((TM, H), lambda i, te: (i, 0)),
            pl.BlockSpec((1, H, EI), lambda i, te: (te[i], 0, 0)),
            pl.BlockSpec((1, H, EI), lambda i, te: (te[i], 0, 0)),
        ],
        out_specs=pl.BlockSpec((TM, EI), lambda i, te: (i, 0)),
    )
    inter = pl.pallas_call(
        _mlp1_body, grid_spec=grid1,
        out_shape=jax.ShapeDtypeStruct((P, EI), jnp.bfloat16),
    )(tile_expert, x_sorted, gate_proj.astype(jnp.bfloat16),
      up_proj.astype(jnp.bfloat16))

    grid2 = pltpu.PrefetchScalarGridSpec(
        num_scalar_prefetch=1,
        grid=(NT,),
        in_specs=[
            pl.BlockSpec((TM, EI), lambda i, te: (i, 0)),
            pl.BlockSpec((1, EI, H), lambda i, te: (te[i], 0, 0)),
        ],
        out_specs=pl.BlockSpec((TM, H), lambda i, te: (i, 0)),
    )
    y_sorted = pl.pallas_call(
        _mlp2_body, grid_spec=grid2,
        out_shape=jax.ShapeDtypeStruct((P, H), jnp.float32),
    )(tile_expert, inter, down_proj.astype(jnp.bfloat16))

    out = _sc_row_scatter(y_sorted, perm, T, 8)
    return out.reshape(Bb, Ss, H)

# --- scband reference (transcript-rebuilt; emitter-appended) ---
"""Pipeline reference for scband-persistent-token-routed-mlp-76209899700399 (READ-ONLY COPY).

The authoritative reference and input builder live on the scoring server;
editing this copy changes nothing except your own understanding.
"""

import jax, jax.numpy as jnp
import numpy as np

B, S, HIDDEN = 4, 4096, 2048
INTER = 8192
E = 8
VOCAB = 100000
EI = INTER // E  # expert_intermediate_size = 1024


def setup_inputs(seed: int = 0) -> dict:
    key = jax.random.key(seed)
    k1, k2, k3, k4, k5 = jax.random.split(key, 5)
    hidden_states = jax.random.normal(k1, (B, S, HIDDEN), dtype=jnp.float32)
    token_ids = jax.random.randint(k2, (B, S), 0, VOCAB, dtype=jnp.int32)
    gate_proj = jax.random.normal(k3, (E, HIDDEN, EI), dtype=jnp.float32) * 0.02
    up_proj = jax.random.normal(k4, (E, HIDDEN, EI), dtype=jnp.float32) * 0.02
    down_proj = jax.random.normal(k5, (E, EI, HIDDEN), dtype=jnp.float32) * 0.02
    # static token->expert mapping: vocab split into contiguous chunks per expert
    tpe = VOCAB // E
    token_to_expert = jnp.clip(jnp.arange(VOCAB, dtype=jnp.int32) // tpe, 0, E - 1).astype(jnp.int32)
    return {
        "hidden_states": hidden_states,
        "gate_proj": gate_proj,
        "up_proj": up_proj,
        "down_proj": down_proj,
        "token_ids": token_ids,
        "token_to_expert": token_to_expert,
    }


def reference(hidden_states, gate_proj, up_proj, down_proj, token_ids, token_to_expert):
    Bb, Ss, H = hidden_states.shape
    nE = gate_proj.shape[0]
    V = token_to_expert.shape[0]
    # route tokens to experts via static mapping
    ids = jnp.clip(token_ids, 0, V - 1)
    expert_ids = jnp.take(token_to_expert, ids, axis=0).reshape(-1)
    flat_hidden = hidden_states.reshape(-1, H)
    # grouped SwiGLU MLP per expert via fixed-shape masked selection
    output = jnp.zeros_like(flat_hidden)
    for e in range(nE):
        gate_out = flat_hidden @ gate_proj[e]
        up_out = flat_hidden @ up_proj[e]
        intermediate = jax.nn.silu(gate_out) * up_out
        expert_out = intermediate @ down_proj[e]
        mask = (expert_ids == e)[:, None]
        output = jnp.where(mask, expert_out, output)
    return output.reshape(Bb, Ss, H)

if __name__ == "__main__":
    import jax
    _d = setup_inputs()
    print(jax.jit(kernel)(*tuple(_d.values())))

</pallas_src>

<mosaic_0001>
#map = affine_map<(d0, d1) -> (0, 0)>
#map1 = affine_map<(d0, d1) -> (0, 0, 0, 0)>
module attributes {stable_mosaic.version = 14 : i64} {
  func.func @scatter_kernel(%arg0: i32, %arg1: i32, %arg2: memref<18432x2048xf32, #tpu.memory_space<hbm>>, %arg3: memref<144x8x1x128xi32, #tpu.memory_space<hbm>>, %arg4: memref<131072x256xf32, #tpu.memory_space<hbm>>) attributes {dimension_semantics = [#tpu.dimension_semantics<core_parallel>, #tpu.dimension_semantics<subcore_parallel>], iteration_bounds = array<i64: 2, 16>, scalar_prefetch = 0 : i64, scratch_operands = 0 : i64, tpu.core_type = #tpu.core_type<sc_vector_subcore>, window_params = [{transform_indices = #map}, {transform_indices = #map1}, {transform_indices = #map}]} {
    %mul3A = arith.constant 1 : i32
    %mul3A_0 = arith.muli %arg1, %mul3A : i32
    %add3A = arith.constant 0 : i32
    %add3A_1 = arith.addi %add3A, %mul3A_0 : i32
    %mul3A_2 = arith.constant 16 : i32
    %mul3A_3 = arith.muli %arg0, %mul3A_2 : i32
    %add3A_4 = arith.addi %add3A_1, %mul3A_3 : i32
    %lt3A = arith.constant 16 : i32
    %lt3A_5 = arith.cmpi slt, %add3A_4, %lt3A : i32
    %jit3A = arith.constant 5 : i32
    %jit3A_6 = arith.constant 4 : i32
    %select_n3A = arith.select %lt3A_5, %jit3A, %jit3A_6 : i32
    %lt3A_7 = arith.constant 16 : i32
    %lt3A_8 = arith.cmpi slt, %add3A_4, %lt3A_7 : i32
    %mul3A_9 = arith.muli %add3A_4, %select_n3A : i32
    %mul3A_10 = arith.constant 4 : i32
    %mul3A_11 = arith.muli %add3A_4, %mul3A_10 : i32
    %add3A_12 = arith.constant 16 : i32
    %add3A_13 = arith.addi %mul3A_11, %add3A_12 : i32
    %select_n3A_14 = arith.select %lt3A_8, %mul3A_9, %add3A_13 : i32
    %mul3A_15 = arith.constant 1 : i32
    %mul3A_16 = arith.muli %mul3A_15, %select_n3A : i32
    %mul3A_17 = arith.constant 8 : i32
    %mul3A_18 = arith.muli %mul3A_16, %mul3A_17 : i32
    "tpu.region"() ({
      %run_scoped3A = memref.alloca() : memref<2x128x256xf32, #tpu.memory_space<vmem>>
      %run_scoped3A_19 = tpu.sem_alloc : memref<2x!tpu.dma_semaphore, #tpu.memory_space<semaphore_mem>>
      %run_scoped3A_20 = memref.alloca() : memref<2x1x1x1x128xi32, #tpu.memory_space<vmem>>
      %run_scoped3A_21 = tpu.sem_alloc : memref<2x!tpu.dma_semaphore, #tpu.memory_space<semaphore_mem>>
      %gt3A = arith.constant 0 : i32
      %gt3A_22 = arith.cmpi sgt, %mul3A_18, %gt3A : i32
      %convert_element_type3A = arith.extui %gt3A_22 : i1 to i32
      %cond3A = arith.constant 0 : i32
      %cond3A_23 = arith.cmpi ne, %convert_element_type3A, %cond3A : i32
      scf.if %cond3A_23 {
        %mul3A_24 = arith.constant 1 : i32
        %mul3A_25 = arith.muli %mul3A_24, %select_n3A : i32
        %mul3A_26 = arith.constant 8 : i32
        %mul3A_27 = arith.muli %mul3A_25, %mul3A_26 : i32
        %sub3A = arith.constant 1 : i32
        %sub3A_28 = arith.subi %mul3A_27, %sub3A : i32
        %eq3A = arith.constant 0 : i32
        %eq3A_29 = arith.cmpi eq, %sub3A_28, %eq3A : i32
        %add3A_30 = arith.constant 0 : i32
        %add3A_31 = arith.addi %add3A_30, %select_n3A_14 : i32
        %select_n3A_32 = arith.constant true
        %select_n3A_33 = arith.constant 0 : i32
        %select_n3A_34 = arith.constant -1 : i32
        %select_n3A_35 = arith.select %select_n3A_32, %select_n3A_34, %select_n3A_33 : i32
        %eq3A_36 = arith.constant -1 : i32
        %eq3A_37 = arith.cmpi eq, %select_n3A_35, %eq3A_36 : i32
        %select_n3A_38 = arith.constant 7 : i32
        %select_n3A_39 = arith.select %eq3A_37, %select_n3A_38, %select_n3A_35 : i32
        %select_n3A_40 = arith.constant 0 : i32
        %select_n3A_41 = arith.constant -1 : i32
        %select_n3A_42 = arith.select %eq3A_37, %select_n3A_41, %select_n3A_40 : i32
        %eq3A_43 = arith.constant -1 : i32
        %eq3A_44 = arith.cmpi eq, %select_n3A_42, %eq3A_43 : i32
        %sub3A_45 = arith.constant 1 : i32
        %sub3A_46 = arith.subi %select_n3A, %sub3A_45 : i32
        %select_n3A_47 = arith.select %eq3A_44, %sub3A_46, %select_n3A_42 : i32
        %add3A_48 = arith.addi %select_n3A_47, %select_n3A_14 : i32
        %add3A_49 = arith.constant 0 : i32
        %add3A_50 = arith.addi %select_n3A_39, %add3A_49 : i32
        %select_n3A_51 = arith.constant true
        %select_n3A_52 = arith.constant 0 : i32
        %select_n3A_53 = arith.constant 1 : i32
        %select_n3A_54 = arith.select %select_n3A_51, %select_n3A_53, %select_n3A_52 : i32
        %eq3A_55 = arith.constant 8 : i32
        %eq3A_56 = arith.cmpi eq, %select_n3A_54, %eq3A_55 : i32
        %select_n3A_57 = arith.constant 0 : i32
        %select_n3A_58 = arith.select %eq3A_56, %select_n3A_57, %select_n3A_54 : i32
        %select_n3A_59 = arith.constant 0 : i32
        %select_n3A_60 = arith.constant 1 : i32
        %select_n3A_61 = arith.select %eq3A_56, %select_n3A_60, %select_n3A_59 : i32
        %eq3A_62 = arith.cmpi eq, %select_n3A_61, %select_n3A : i32
        %select_n3A_63 = arith.constant 0 : i32
        %select_n3A_64 = arith.select %eq3A_62, %select_n3A_63, %select_n3A_61 : i32
        %add3A_65 = arith.addi %select_n3A_64, %select_n3A_14 : i32
        %add3A_66 = arith.constant 0 : i32
        %add3A_67 = arith.addi %select_n3A_58, %add3A_66 : i32
        %add3A_68 = arith.constant 1 : i32
        %add3A_69 = arith.addi %select_n3A_58, %add3A_68 : i32
        %select_n3A_70 = arith.constant true
        %select_n3A_71 = arith.select %select_n3A_70, %add3A_69, %select_n3A_58 : i32
        %eq3A_72 = arith.constant 8 : i32
        %eq3A_73 = arith.cmpi eq, %select_n3A_71, %eq3A_72 : i32
        %select_n3A_74 = arith.constant 0 : i32
        %select_n3A_75 = arith.select %eq3A_73, %select_n3A_74, %select_n3A_71 : i32
        %add3A_76 = arith.constant 1 : i32
        %add3A_77 = arith.addi %select_n3A_64, %add3A_76 : i32
        %select_n3A_78 = arith.select %eq3A_73, %add3A_77, %select_n3A_64 : i32
        %eq3A_79 = arith.cmpi eq, %select_n3A_78, %select_n3A : i32
        %select_n3A_80 = arith.constant 0 : i32
        %select_n3A_81 = arith.select %eq3A_79, %select_n3A_80, %select_n3A_78 : i32
        %add3A_82 = arith.addi %select_n3A_81, %select_n3A_14 : i32
        %add3A_83 = arith.constant 0 : i32
        %add3A_84 = arith.addi %select_n3A_75, %add3A_83 : i32
        "tpu.trace_start"() <{level = 10 : i32, message = "ep_initialize_0"}> : () -> ()
        %rem3A = arith.constant 0 : i32
        %rem3A_85 = arith.constant 2 : i32
        %rem3A_86 = arith.remui %rem3A, %rem3A_85 : i32
        %mul3A_87 = arith.constant 128 : i32
        %mul3A_88 = arith.muli %mul3A_87, %add3A_31 : i32
        %dma_start3A = arith.constant 0 : i32
        %dma_start3A_89 = arith.constant 0 : i32
        %dma_start3A_90 = tpu.memref_slice %run_scoped3A[%rem3A_86, %dma_start3A, %dma_start3A_89] : memref<2x128x256xf32, #tpu.memory_space<vmem>> -> memref<1x128x256xf32, #tpu.memory_space<vmem>>
        %dma_start3A_91 = tpu.memref_squeeze %dma_start3A_90 : memref<1x128x256xf32, #tpu.memory_space<vmem>> -> memref<128x256xf32, #tpu.memory_space<vmem>>
        %dma_start3A_92 = arith.constant 0 : i32
        %dma_start3A_93 = tpu.memref_slice %arg2[%mul3A_88, %dma_start3A_92] : memref<18432x2048xf32, #tpu.memory_space<hbm>> -> memref<128x256xf32, #tpu.memory_space<hbm>>
        %dma_start3A_94 = tpu.memref_slice %run_scoped3A_19[%rem3A_86] : memref<2x!tpu.dma_semaphore, #tpu.memory_space<semaphore_mem>> -> memref<1x!tpu.dma_semaphore, #tpu.memory_space<semaphore_mem>>
        %dma_start3A_95 = tpu.memref_squeeze %dma_start3A_94 : memref<1x!tpu.dma_semaphore, #tpu.memory_space<semaphore_mem>> -> memref<!tpu.dma_semaphore, #tpu.memory_space<semaphore_mem>>
        %dma_start3A_96 = arith.constant 0 : i32
        %dma_start3A_97 = arith.constant 0 : i32
        %dma_start3A_98 = tpu.memref_slice %run_scoped3A[%rem3A_86, %dma_start3A_96, %dma_start3A_97] : memref<2x128x256xf32, #tpu.memory_space<vmem>> -> memref<1x128x256xf32, #tpu.memory_space<vmem>>
        %dma_start3A_99 = tpu.memref_squeeze %dma_start3A_98 : memref<1x128x256xf32, #tpu.memory_space<vmem>> -> memref<128x256xf32, #tpu.memory_space<vmem>>
        %dma_start3A_100 = arith.constant 0 : i32
        %dma_start3A_101 = tpu.memref_slice %arg2[%mul3A_88, %dma_start3A_100] : memref<18432x2048xf32, #tpu.memory_space<hbm>> -> memref<128x256xf32, #tpu.memory_space<hbm>>
        tpu.enqueue_dma source(%dma_start3A_101 : memref<128x256xf32, #tpu.memory_space<hbm>>) target(%dma_start3A_99 : memref<128x256xf32, #tpu.memory_space<vmem>>) target_semaphore(%dma_start3A_95 : memref<!tpu.dma_semaphore, #tpu.memory_space<semaphore_mem>>)
        %add3A_102 = arith.constant 0 : i32
        %add3A_103 = arith.constant 1 : i32
        %add3A_104 = arith.addi %add3A_102, %add3A_103 : i32
        %select_n3A_105 = arith.constant true
        %select_n3A_106 = arith.constant 0 : i32
        %select_n3A_107 = arith.select %select_n3A_105, %add3A_104, %select_n3A_106 : i32
        %rem3A_108 = arith.constant 0 : i32
        %rem3A_109 = arith.constant 2 : i32
        %rem3A_110 = arith.remui %rem3A_108, %rem3A_109 : i32
        %mul3A_111 = arith.constant 1 : i32
        %mul3A_112 = arith.muli %mul3A_111, %add3A_31 : i32
        %dma_start3A_113 = arith.constant 0 : i32
        %dma_start3A_114 = arith.constant 0 : i32
        %dma_start3A_115 = arith.constant 0 : i32
        %dma_start3A_116 = arith.constant 0 : i32
        %dma_start3A_117 = tpu.memref_slice %run_scoped3A_20[%rem3A_110, %dma_start3A_113, %dma_start3A_114, %dma_start3A_115, %dma_start3A_116] : memref<2x1x1x1x128xi32, #tpu.memory_space<vmem>> -> memref<1x1x1x1x128xi32, #tpu.memory_space<vmem>>
        %dma_start3A_118 = tpu.memref_squeeze %dma_start3A_117 : memref<1x1x1x1x128xi32, #tpu.memory_space<vmem>> -> memref<1x1x1x128xi32, #tpu.memory_space<vmem>>
        %dma_start3A_119 = arith.constant 0 : i32
        %dma_start3A_120 = arith.constant 0 : i32
        %dma_start3A_121 = arith.constant 0 : i32
        %dma_start3A_122 = tpu.memref_slice %arg3[%mul3A_112, %dma_start3A_119, %dma_start3A_120, %dma_start3A_121] : memref<144x8x1x128xi32, #tpu.memory_space<hbm>> -> memref<1x1x1x128xi32, #tpu.memory_space<hbm>>
        %dma_start3A_123 = tpu.memref_slice %run_scoped3A_21[%rem3A_110] : memref<2x!tpu.dma_semaphore, #tpu.memory_space<semaphore_mem>> -> memref<1x!tpu.dma_semaphore, #tpu.memory_space<semaphore_mem>>
        %dma_start3A_124 = tpu.memref_squeeze %dma_start3A_123 : memref<1x!tpu.dma_semaphore, #tpu.memory_space<semaphore_mem>> -> memref<!tpu.dma_semaphore, #tpu.memory_space<semaphore_mem>>
        %dma_start3A_125 = arith.constant 0 : i32
        %dma_start3A_126 = arith.constant 0 : i32
        %dma_start3A_127 = arith.constant 0 : i32
        %dma_start3A_128 = arith.constant 0 : i32
        %dma_start3A_129 = tpu.memref_slice %run_scoped3A_20[%rem3A_110, %dma_start3A_125, %dma_start3A_126, %dma_start3A_127, %dma_start3A_128] : memref<2x1x1x1x128xi32, #tpu.memory_space<vmem>> -> memref<1x1x1x1x128xi32, #tpu.memory_space<vmem>>
        %dma_start3A_130 = tpu.memref_squeeze %dma_start3A_129 : memref<1x1x1x1x128xi32, #tpu.memory_space<vmem>> -> memref<1x1x1x128xi32, #tpu.memory_space<vmem>>
        %dma_start3A_131 = arith.constant 0 : i32
        %dma_start3A_132 = arith.constant 0 : i32
        %dma_start3A_133 = arith.constant 0 : i32
        %dma_start3A_134 = tpu.memref_slice %arg3[%mul3A_112, %dma_start3A_131, %dma_start3A_132, %dma_start3A_133] : memref<144x8x1x128xi32, #tpu.memory_space<hbm>> -> memref<1x1x1x128xi32, #tpu.memory_space<hbm>>
        tpu.enqueue_dma source(%dma_start3A_134 : memref<1x1x1x128xi32, #tpu.memory_space<hbm>>) target(%dma_start3A_130 : memref<1x1x1x128xi32, #tpu.memory_space<vmem>>) target_semaphore(%dma_start3A_124 : memref<!tpu.dma_semaphore, #tpu.memory_space<semaphore_mem>>)
        %add3A_135 = arith.constant 0 : i32
        %add3A_136 = arith.constant 1 : i32
        %add3A_137 = arith.addi %add3A_135, %add3A_136 : i32
        %select_n3A_138 = arith.constant true
        %select_n3A_139 = arith.constant 0 : i32
        %select_n3A_140 = arith.select %select_n3A_138, %add3A_137, %select_n3A_139 : i32
        %while3A = arith.constant 0 : i32
        %while3A_141 = arith.constant 0 : i32
        %while3A_142 = arith.constant 0 : i32
        %while3A_143 = arith.constant 0 : i32
        %while3A_144 = arith.constant 0 : i32
        "tpu.trace_stop"() : () -> ()
        %while3A_145 = arith.subi %mul3A_18, %while3A : i32
        %while3A_146 = arith.addi %while3A, %while3A_145 : i32
        %while3A_147 = arith.constant 1 : i32
        %while3A_148 = arith.divsi %while3A_145, %while3A_147 : i32
        %while3A_149 = arith.muli %while3A_148, %while3A_147 : i32
        %while3A_150 = arith.addi %while3A, %while3A_149 : i32
        %while3A_151 = arith.constant 1 : i32
        %while3A_152:6 = scf.for %while3A_244 = %while3A to %while3A_150 step %while3A_151 iter_args(%while3A_245 = %select_n3A_107, %while3A_246 = %while3A_141, %while3A_247 = %select_n3A_140, %while3A_248 = %while3A_142, %while3A_249 = %while3A_143, %while3A_250 = %while3A_144) -> (i32, i32, i32, i32, i32, i32)  : i32 {
          %mul3A_251 = arith.constant 1 : i32
          %mul3A_252 = arith.muli %mul3A_251, %select_n3A : i32
          %mul3A_253 = arith.constant 8 : i32
          %mul3A_254 = arith.muli %mul3A_252, %mul3A_253 : i32
          %eq3A_255 = arith.constant 0 : i32
          %eq3A_256 = arith.cmpi eq, %while3A_244, %eq3A_255 : i32
          %sub3A_257 = arith.constant 1 : i32
          %sub3A_258 = arith.subi %mul3A_254, %sub3A_257 : i32
          %eq3A_259 = arith.cmpi eq, %while3A_244, %sub3A_258 : i32
          %add3A_260 = arith.addi %while3A_249, %select_n3A_14 : i32
          %add3A_261 = arith.constant 0 : i32
          %add3A_262 = arith.addi %while3A_250, %add3A_261 : i32
          %sub3A_263 = arith.constant 1 : i32
          %sub3A_264 = arith.subi %while3A_250, %sub3A_263 : i32
          %select_n3A_265 = arith.constant true
          %select_n3A_266 = arith.select %select_n3A_265, %sub3A_264, %while3A_250 : i32
          %eq3A_267 = arith.constant -1 : i32
          %eq3A_268 = arith.cmpi eq, %select_n3A_266, %eq3A_267 : i32
          %select_n3A_269 = arith.constant 7 : i32
          %select_n3A_270 = arith.select %eq3A_268, %select_n3A_269, %select_n3A_266 : i32
          %sub3A_271 = arith.constant 1 : i32
          %sub3A_272 = arith.subi %while3A_249, %sub3A_271 : i32
          %select_n3A_273 = arith.select %eq3A_268, %sub3A_272, %while3A_249 : i32
          %eq3A_274 = arith.constant -1 : i32
          %eq3A_275 = arith.cmpi eq, %select_n3A_273, %eq3A_274 : i32
          %sub3A_276 = arith.constant 1 : i32
          %sub3A_277 = arith.subi %select_n3A, %sub3A_276 : i32
          %select_n3A_278 = arith.select %eq3A_275, %sub3A_277, %select_n3A_273 : i32
          %add3A_279 = arith.addi %select_n3A_278, %select_n3A_14 : i32
          %add3A_280 = arith.constant 0 : i32
          %add3A_281 = arith.addi %select_n3A_270, %add3A_280 : i32
          %add3A_282 = arith.constant 1 : i32
          %add3A_283 = arith.addi %while3A_250, %add3A_282 : i32
          %select_n3A_284 = arith.constant true
          %select_n3A_285 = arith.select %select_n3A_284, %add3A_283, %while3A_250 : i32
          %eq3A_286 = arith.constant 8 : i32
          %eq3A_287 = arith.cmpi eq, %select_n3A_285, %eq3A_286 : i32
          %select_n3A_288 = arith.constant 0 : i32
          %select_n3A_289 = arith.select %eq3A_287, %select_n3A_288, %select_n3A_285 : i32
          %add3A_290 = arith.constant 1 : i32
          %add3A_291 = arith.addi %while3A_249, %add3A_290 : i32
          %select_n3A_292 = arith.select %eq3A_287, %add3A_291, %while3A_249 : i32
          %eq3A_293 = arith.cmpi eq, %select_n3A_292, %select_n3A : i32
          %select_n3A_294 = arith.constant 0 : i32
          %select_n3A_295 = arith.select %eq3A_293, %select_n3A_294, %select_n3A_292 : i32
          %add3A_296 = arith.addi %select_n3A_295, %select_n3A_14 : i32
          %add3A_297 = arith.constant 0 : i32
          %add3A_298 = arith.addi %select_n3A_289, %add3A_297 : i32
          %add3A_299 = arith.constant 1 : i32
          %add3A_300 = arith.addi %select_n3A_289, %add3A_299 : i32
          %select_n3A_301 = arith.constant true
          %select_n3A_302 = arith.select %select_n3A_301, %add3A_300, %select_n3A_289 : i32
          %eq3A_303 = arith.constant 8 : i32
          %eq3A_304 = arith.cmpi eq, %select_n3A_302, %eq3A_303 : i32
          %select_n3A_305 = arith.constant 0 : i32
          %select_n3A_306 = arith.select %eq3A_304, %select_n3A_305, %select_n3A_302 : i32
          %add3A_307 = arith.constant 1 : i32
          %add3A_308 = arith.addi %select_n3A_295, %add3A_307 : i32
          %select_n3A_309 = arith.select %eq3A_304, %add3A_308, %select_n3A_295 : i32
          %eq3A_310 = arith.cmpi eq, %select_n3A_309, %select_n3A : i32
          %select_n3A_311 = arith.constant 0 : i32
          %select_n3A_312 = arith.select %eq3A_310, %select_n3A_311, %select_n3A_309 : i32
          %add3A_313 = arith.addi %select_n3A_312, %select_n3A_14 : i32
          %add3A_314 = arith.constant 0 : i32
          %add3A_315 = arith.addi %select_n3A_306, %add3A_314 : i32
          %ne3A = arith.cmpi ne, %add3A_260, %add3A_296 : i32
          %ne3A_316 = arith.cmpi ne, %add3A_262, %add3A_298 : i32
          %or3A = arith.constant false
          %or3A_317 = arith.ori %or3A, %ne3A : i1
          %or3A_318 = arith.ori %or3A_317, %ne3A_316 : i1
          %sub3A_319 = arith.constant 2 : i32
          %sub3A_320 = arith.subi %mul3A_254, %sub3A_319 : i32
          %add3A_321 = arith.constant 1 : i32
          %add3A_322 = arith.addi %sub3A_320, %add3A_321 : i32
          %ge3A = arith.cmpi sge, %while3A_244, %add3A_322 : i32
          %not3A = arith.constant true
          %not3A_323 = arith.xori %ge3A, %not3A : i1
          %and3A = arith.andi %or3A_318, %not3A_323 : i1
          %convert_element_type3A_324 = arith.extui %and3A : i1 to i32
          %cond3A_325 = arith.constant 0 : i32
          %cond3A_326 = arith.cmpi ne, %convert_element_type3A_324, %cond3A_325 : i32
          scf.if %cond3A_326 {
            "tpu.trace_start"() <{level = 10 : i32, message = "ep_copy_in"}> : () -> ()
            %rem3A_478 = arith.constant 2 : i32
            %rem3A_479 = arith.remui %while3A_245, %rem3A_478 : i32
            %mul3A_480 = arith.constant 128 : i32
            %mul3A_481 = arith.muli %mul3A_480, %add3A_296 : i32
            %mul3A_482 = arith.constant 256 : i32
            %mul3A_483 = arith.muli %mul3A_482, %add3A_298 : i32
            %dma_start3A_484 = arith.constant 0 : i32
            %dma_start3A_485 = arith.constant 0 : i32
            %dma_start3A_486 = tpu.memref_slice %run_scoped3A[%rem3A_479, %dma_start3A_484, %dma_start3A_485] : memref<2x128x256xf32, #tpu.memory_space<vmem>> -> memref<1x128x256xf32, #tpu.memory_space<vmem>>
            %dma_start3A_487 = tpu.memref_squeeze %dma_start3A_486 : memref<1x128x256xf32, #tpu.memory_space<vmem>> -> memref<128x256xf32, #tpu.memory_space<vmem>>
            %dma_start3A_488 = tpu.memref_slice %arg2[%mul3A_481, %mul3A_483] : memref<18432x2048xf32, #tpu.memory_space<hbm>> -> memref<128x256xf32, #tpu.memory_space<hbm>>
            %dma_start3A_489 = tpu.memref_slice %run_scoped3A_19[%rem3A_479] : memref<2x!tpu.dma_semaphore, #tpu.memory_space<semaphore_mem>> -> memref<1x!tpu.dma_semaphore, #tpu.memory_space<semaphore_mem>>
            %dma_start3A_490 = tpu.memref_squeeze %dma_start3A_489 : memref<1x!tpu.dma_semaphore, #tpu.memory_space<semaphore_mem>> -> memref<!tpu.dma_semaphore, #tpu.memory_space<semaphore_mem>>
            %dma_start3A_491 = arith.constant 0 : i32
            %dma_start3A_492 = arith.constant 0 : i32
            %dma_start3A_493 = tpu.memref_slice %run_scoped3A[%rem3A_479, %dma_start3A_491, %dma_start3A_492] : memref<2x128x256xf32, #tpu.memory_space<vmem>> -> memref<1x128x256xf32, #tpu.memory_space<vmem>>
            %dma_start3A_494 = tpu.memref_squeeze %dma_start3A_493 : memref<1x128x256xf32, #tpu.memory_space<vmem>> -> memref<128x256xf32, #tpu.memory_space<vmem>>
            %dma_start3A_495 = tpu.memref_slice %arg2[%mul3A_481, %mul3A_483] : memref<18432x2048xf32, #tpu.memory_space<hbm>> -> memref<128x256xf32, #tpu.memory_space<hbm>>
            tpu.enqueue_dma source(%dma_start3A_495 : memref<128x256xf32, #tpu.memory_space<hbm>>) target(%dma_start3A_494 : memref<128x256xf32, #tpu.memory_space<vmem>>) target_semaphore(%dma_start3A_490 : memref<!tpu.dma_semaphore, #tpu.memory_space<semaphore_mem>>)
            "tpu.trace_stop"() : () -> ()
          } else {
          }
          %and3A_327 = arith.constant true
          %and3A_328 = arith.andi %and3A, %and3A_327 : i1
          %add3A_329 = arith.constant 1 : i32
          %add3A_330 = arith.addi %while3A_245, %add3A_329 : i32
          %select_n3A_331 = arith.select %and3A_328, %add3A_330, %while3A_245 : i32
          %ne3A_332 = arith.cmpi ne, %add3A_260, %add3A_296 : i32
          %ne3A_333 = arith.cmpi ne, %add3A_262, %add3A_298 : i32
          %or3A_334 = arith.constant false
          %or3A_335 = arith.ori %or3A_334, %ne3A_332 : i1
          %or3A_336 = arith.ori %or3A_335, %ne3A_333 : i1
          %or3A_337 = arith.constant false
          %or3A_338 = arith.ori %or3A_336, %or3A_337 : i1
          %or3A_339 = arith.constant false
          %or3A_340 = arith.ori %or3A_338, %or3A_339 : i1
          %sub3A_341 = arith.constant 2 : i32
          %sub3A_342 = arith.subi %mul3A_254, %sub3A_341 : i32
          %add3A_343 = arith.constant 1 : i32
          %add3A_344 = arith.addi %sub3A_342, %add3A_343 : i32
          %ge3A_345 = arith.cmpi sge, %while3A_244, %add3A_344 : i32
          %not3A_346 = arith.constant true
          %not3A_347 = arith.xori %ge3A_345, %not3A_346 : i1
          %and3A_348 = arith.andi %or3A_340, %not3A_347 : i1
          %convert_element_type3A_349 = arith.extui %and3A_348 : i1 to i32
          %cond3A_350 = arith.constant 0 : i32
          %cond3A_351 = arith.cmpi ne, %convert_element_type3A_349, %cond3A_350 : i32
          scf.if %cond3A_351 {
            "tpu.trace_start"() <{level = 10 : i32, message = "ep_copy_in"}> : () -> ()
            %rem3A_478 = arith.constant 2 : i32
            %rem3A_479 = arith.remui %while3A_247, %rem3A_478 : i32
            %mul3A_480 = arith.constant 1 : i32
            %mul3A_481 = arith.muli %mul3A_480, %add3A_296 : i32
            %mul3A_482 = arith.constant 1 : i32
            %mul3A_483 = arith.muli %mul3A_482, %add3A_298 : i32
            %dma_start3A_484 = arith.constant 0 : i32
            %dma_start3A_485 = arith.constant 0 : i32
            %dma_start3A_486 = arith.constant 0 : i32
            %dma_start3A_487 = arith.constant 0 : i32
            %dma_start3A_488 = tpu.memref_slice %run_scoped3A_20[%rem3A_479, %dma_start3A_484, %dma_start3A_485, %dma_start3A_486, %dma_start3A_487] : memref<2x1x1x1x128xi32, #tpu.memory_space<vmem>> -> memref<1x1x1x1x128xi32, #tpu.memory_space<vmem>>
            %dma_start3A_489 = tpu.memref_squeeze %dma_start3A_488 : memref<1x1x1x1x128xi32, #tpu.memory_space<vmem>> -> memref<1x1x1x128xi32, #tpu.memory_space<vmem>>
            %dma_start3A_490 = arith.constant 0 : i32
            %dma_start3A_491 = arith.constant 0 : i32
            %dma_start3A_492 = tpu.memref_slice %arg3[%mul3A_481, %mul3A_483, %dma_start3A_490, %dma_start3A_491] : memref<144x8x1x128xi32, #tpu.memory_space<hbm>> -> memref<1x1x1x128xi32, #tpu.memory_space<hbm>>
            %dma_start3A_493 = tpu.memref_slice %run_scoped3A_21[%rem3A_479] : memref<2x!tpu.dma_semaphore, #tpu.memory_space<semaphore_mem>> -> memref<1x!tpu.dma_semaphore, #tpu.memory_space<semaphore_mem>>
            %dma_start3A_494 = tpu.memref_squeeze %dma_start3A_493 : memref<1x!tpu.dma_semaphore, #tpu.memory_space<semaphore_mem>> -> memref<!tpu.dma_semaphore, #tpu.memory_space<semaphore_mem>>
            %dma_start3A_495 = arith.constant 0 : i32
            %dma_start3A_496 = arith.constant 0 : i32
            %dma_start3A_497 = arith.constant 0 : i32
            %dma_start3A_498 = arith.constant 0 : i32
            %dma_start3A_499 = tpu.memref_slice %run_scoped3A_20[%rem3A_479, %dma_start3A_495, %dma_start3A_496, %dma_start3A_497, %dma_start3A_498] : memref<2x1x1x1x128xi32, #tpu.memory_space<vmem>> -> memref<1x1x1x1x128xi32, #tpu.memory_space<vmem>>
            %dma_start3A_500 = tpu.memref_squeeze %dma_start3A_499 : memref<1x1x1x1x128xi32, #tpu.memory_space<vmem>> -> memref<1x1x1x128xi32, #tpu.memory_space<vmem>>
            %dma_start3A_501 = arith.constant 0 : i32
            %dma_start3A_502 = arith.constant 0 : i32
            %dma_start3A_503 = tpu.memref_slice %arg3[%mul3A_481, %mul3A_483, %dma_start3A_501, %dma_start3A_502] : memref<144x8x1x128xi32, #tpu.memory_space<hbm>> -> memref<1x1x1x128xi32, #tpu.memory_space<hbm>>
            tpu.enqueue_dma source(%dma_start3A_503 : memref<1x1x1x128xi32, #tpu.memory_space<hbm>>) target(%dma_start3A_500 : memref<1x1x1x128xi32, #tpu.memory_space<vmem>>) target_semaphore(%dma_start3A_494 : memref<!tpu.dma_semaphore, #tpu.memory_space<semaphore_mem>>)
            "tpu.trace_stop"() : () -> ()
          } else {
          }
          %and3A_352 = arith.constant true
          %and3A_353 = arith.andi %and3A_348, %and3A_352 : i1
          %add3A_354 = arith.constant 1 : i32
          %add3A_355 = arith.addi %while3A_247, %add3A_354 : i32
          %select_n3A_356 = arith.select %and3A_353, %add3A_355, %while3A_247 : i32
          %ne3A_357 = arith.cmpi ne, %add3A_260, %add3A_279 : i32
          %ne3A_358 = arith.cmpi ne, %add3A_262, %add3A_281 : i32
          %or3A_359 = arith.constant false
          %or3A_360 = arith.ori %or3A_359, %ne3A_357 : i1
          %or3A_361 = arith.ori %or3A_360, %ne3A_358 : i1
          %or3A_362 = arith.ori %or3A_361, %eq3A_256 : i1
          %convert_element_type3A_363 = arith.extui %or3A_362 : i1 to i32
          %cond3A_364 = arith.constant 0 : i32
          %cond3A_365 = arith.cmpi ne, %convert_element_type3A_363, %cond3A_364 : i32
          scf.if %cond3A_365 {
            "tpu.trace_start"() <{level = 10 : i32, message = "ep_wait_in"}> : () -> ()
            %mul3A_478 = arith.constant 128 : i32
            %mul3A_479 = arith.muli %mul3A_478, %add3A_260 : i32
            %mul3A_480 = arith.constant 256 : i32
            %mul3A_481 = arith.muli %mul3A_480, %add3A_262 : i32
            %rem3A_482 = arith.constant 2 : i32
            %rem3A_483 = arith.remui %while3A_246, %rem3A_482 : i32
            %dma_wait3A = arith.constant 0 : i32
            %dma_wait3A_484 = arith.constant 0 : i32
            %dma_wait3A_485 = tpu.memref_slice %run_scoped3A[%rem3A_483, %dma_wait3A, %dma_wait3A_484] : memref<2x128x256xf32, #tpu.memory_space<vmem>> -> memref<1x128x256xf32, #tpu.memory_space<vmem>>
            %dma_wait3A_486 = tpu.memref_squeeze %dma_wait3A_485 : memref<1x128x256xf32, #tpu.memory_space<vmem>> -> memref<128x256xf32, #tpu.memory_space<vmem>>
            %dma_wait3A_487 = tpu.memref_slice %arg2[%mul3A_479, %mul3A_481] : memref<18432x2048xf32, #tpu.memory_space<hbm>> -> memref<128x256xf32, #tpu.memory_space<hbm>>
            %dma_wait3A_488 = tpu.memref_slice %run_scoped3A_19[%rem3A_483] : memref<2x!tpu.dma_semaphore, #tpu.memory_space<semaphore_mem>> -> memref<1x!tpu.dma_semaphore, #tpu.memory_space<semaphore_mem>>
            %dma_wait3A_489 = tpu.memref_squeeze %dma_wait3A_488 : memref<1x!tpu.dma_semaphore, #tpu.memory_space<semaphore_mem>> -> memref<!tpu.dma_semaphore, #tpu.memory_space<semaphore_mem>>
            %dma_wait3A_490 = arith.constant 0 : i32
            %dma_wait3A_491 = arith.constant 0 : i32
            %dma_wait3A_492 = tpu.memref_slice %run_scoped3A[%rem3A_483, %dma_wait3A_490, %dma_wait3A_491] : memref<2x128x256xf32, #tpu.memory_space<vmem>> -> memref<1x128x256xf32, #tpu.memory_space<vmem>>
            %dma_wait3A_493 = tpu.memref_squeeze %dma_wait3A_492 : memref<1x128x256xf32, #tpu.memory_space<vmem>> -> memref<128x256xf32, #tpu.memory_space<vmem>>
            %dma_wait3A_494 = tpu.memref_slice %arg2[%mul3A_479, %mul3A_481] : memref<18432x2048xf32, #tpu.memory_space<hbm>> -> memref<128x256xf32, #tpu.memory_space<hbm>>
            tpu.wait_dma2 semaphore(%dma_wait3A_489 : memref<!tpu.dma_semaphore, #tpu.memory_space<semaphore_mem>>) src(%dma_wait3A_494 : memref<128x256xf32, #tpu.memory_space<hbm>>) dst(%dma_wait3A_493 : memref<128x256xf32, #tpu.memory_space<vmem>>)
            "tpu.trace_stop"() : () -> ()
          } else {
          }
          %ne3A_366 = arith.cmpi ne, %add3A_260, %add3A_279 : i32
          %ne3A_367 = arith.cmpi ne, %add3A_262, %add3A_281 : i32
          %or3A_368 = arith.constant false
          %or3A_369 = arith.ori %or3A_368, %ne3A_366 : i1
          %or3A_370 = arith.ori %or3A_369, %ne3A_367 : i1
          %or3A_371 = arith.constant false
          %or3A_372 = arith.ori %or3A_370, %or3A_371 : i1
          %or3A_373 = arith.constant false
          %or3A_374 = arith.ori %or3A_372, %or3A_373 : i1
          %or3A_375 = arith.ori %or3A_374, %eq3A_256 : i1
          %convert_element_type3A_376 = arith.extui %or3A_375 : i1 to i32
          %cond3A_377 = arith.constant 0 : i32
          %cond3A_378 = arith.cmpi ne, %convert_element_type3A_376, %cond3A_377 : i32
          scf.if %cond3A_378 {
            "tpu.trace_start"() <{level = 10 : i32, message = "ep_wait_in"}> : () -> ()
            %mul3A_478 = arith.constant 1 : i32
            %mul3A_479 = arith.muli %mul3A_478, %add3A_260 : i32
            %mul3A_480 = arith.constant 1 : i32
            %mul3A_481 = arith.muli %mul3A_480, %add3A_262 : i32
            %rem3A_482 = arith.constant 2 : i32
            %rem3A_483 = arith.remui %while3A_248, %rem3A_482 : i32
            %dma_wait3A = arith.constant 0 : i32
            %dma_wait3A_484 = arith.constant 0 : i32
            %dma_wait3A_485 = arith.constant 0 : i32
            %dma_wait3A_486 = arith.constant 0 : i32
            %dma_wait3A_487 = tpu.memref_slice %run_scoped3A_20[%rem3A_483, %dma_wait3A, %dma_wait3A_484, %dma_wait3A_485, %dma_wait3A_486] : memref<2x1x1x1x128xi32, #tpu.memory_space<vmem>> -> memref<1x1x1x1x128xi32, #tpu.memory_space<vmem>>
            %dma_wait3A_488 = tpu.memref_squeeze %dma_wait3A_487 : memref<1x1x1x1x128xi32, #tpu.memory_space<vmem>> -> memref<1x1x1x128xi32, #tpu.memory_space<vmem>>
            %dma_wait3A_489 = arith.constant 0 : i32
            %dma_wait3A_490 = arith.constant 0 : i32
            %dma_wait3A_491 = tpu.memref_slice %arg3[%mul3A_479, %mul3A_481, %dma_wait3A_489, %dma_wait3A_490] : memref<144x8x1x128xi32, #tpu.memory_space<hbm>> -> memref<1x1x1x128xi32, #tpu.memory_space<hbm>>
            %dma_wait3A_492 = tpu.memref_slice %run_scoped3A_21[%rem3A_483] : memref<2x!tpu.dma_semaphore, #tpu.memory_space<semaphore_mem>> -> memref<1x!tpu.dma_semaphore, #tpu.memory_space<semaphore_mem>>
            %dma_wait3A_493 = tpu.memref_squeeze %dma_wait3A_492 : memref<1x!tpu.dma_semaphore, #tpu.memory_space<semaphore_mem>> -> memref<!tpu.dma_semaphore, #tpu.memory_space<semaphore_mem>>
            %dma_wait3A_494 = arith.constant 0 : i32
            %dma_wait3A_495 = arith.constant 0 : i32
            %dma_wait3A_496 = arith.constant 0 : i32
            %dma_wait3A_497 = arith.constant 0 : i32
            %dma_wait3A_498 = tpu.memref_slice %run_scoped3A_20[%rem3A_483, %dma_wait3A_494, %dma_wait3A_495, %dma_wait3A_496, %dma_wait3A_497] : memref<2x1x1x1x128xi32, #tpu.memory_space<vmem>> -> memref<1x1x1x1x128xi32, #tpu.memory_space<vmem>>
            %dma_wait3A_499 = tpu.memref_squeeze %dma_wait3A_498 : memref<1x1x1x1x128xi32, #tpu.memory_space<vmem>> -> memref<1x1x1x128xi32, #tpu.memory_space<vmem>>
            %dma_wait3A_500 = arith.constant 0 : i32
            %dma_wait3A_501 = arith.constant 0 : i32
            %dma_wait3A_502 = tpu.memref_slice %arg3[%mul3A_479, %mul3A_481, %dma_wait3A_500, %dma_wait3A_501] : memref<144x8x1x128xi32, #tpu.memory_space<hbm>> -> memref<1x1x1x128xi32, #tpu.memory_space<hbm>>
            tpu.wait_dma2 semaphore(%dma_wait3A_493 : memref<!tpu.dma_semaphore, #tpu.memory_space<semaphore_mem>>) src(%dma_wait3A_502 : memref<1x1x1x128xi32, #tpu.memory_space<hbm>>) dst(%dma_wait3A_499 : memref<1x1x1x128xi32, #tpu.memory_space<vmem>>)
            "tpu.trace_stop"() : () -> ()
          } else {
          }
          %rem3A_379 = arith.constant 2 : i32
          %rem3A_380 = arith.remui %while3A_246, %rem3A_379 : i32
          %rem3A_381 = arith.constant 2 : i32
          %rem3A_382 = arith.remui %while3A_248, %rem3A_381 : i32
          %run_scoped3A_383 = arith.constant 0 : i32
          %run_scoped3A_384 = arith.constant 0 : i32
          %run_scoped3A_385 = arith.constant 0 : i32
          "tpu.trace_start"() <{level = 10 : i32, message = "ep_run_kernel"}> : () -> ()
          "tpu.region"() ({
            %run_scoped3A_478 = tpu.sem_alloc : memref<!tpu.dma_semaphore, #tpu.memory_space<semaphore_mem>>
            %dma_start3A_479 = arith.constant 0 : i32
            %dma_start3A_480 = arith.constant 0 : i32
            %dma_start3A_481 = tpu.memref_slice %run_scoped3A[%rem3A_380, %dma_start3A_479, %dma_start3A_480] : memref<2x128x256xf32, #tpu.memory_space<vmem>> -> memref<1x128x256xf32, #tpu.memory_space<vmem>>
            %dma_start3A_482 = tpu.memref_squeeze %dma_start3A_481 : memref<1x128x256xf32, #tpu.memory_space<vmem>> -> memref<128x256xf32, #tpu.memory_space<vmem>>
            %dma_start3A_483 = arith.constant 0 : i32
            %dma_start3A_484 = arith.constant 0 : i32
            %dma_start3A_485 = arith.constant 0 : i32
            %dma_start3A_486 = arith.constant 0 : i32
            %dma_start3A_487 = tpu.memref_slice %run_scoped3A_20[%rem3A_382, %dma_start3A_483, %dma_start3A_484, %dma_start3A_485, %dma_start3A_486] : memref<2x1x1x1x128xi32, #tpu.memory_space<vmem>> -> memref<1x1x1x1x128xi32, #tpu.memory_space<vmem>>
            %dma_start3A_488 = tpu.memref_squeeze %dma_start3A_487 : memref<1x1x1x1x128xi32, #tpu.memory_space<vmem>> -> memref<1x1x1x128xi32, #tpu.memory_space<vmem>>
            %dma_start3A_489 = arith.constant 0 : i32
            %dma_start3A_490 = tpu.memref_slice %dma_start3A_488[%run_scoped3A_383, %run_scoped3A_384, %run_scoped3A_385, %dma_start3A_489] : memref<1x1x1x128xi32, #tpu.memory_space<vmem>> -> memref<1x1x1x128xi32, #tpu.memory_space<vmem>>
            %dma_start3A_491 = tpu.memref_squeeze %dma_start3A_490 : memref<1x1x1x128xi32, #tpu.memory_space<vmem>> -> memref<128xi32, #tpu.memory_space<vmem>>
            %dma_start3A_492 = arith.constant 0 : i32
            %dma_start3A_493 = arith.constant 0 : i32
            %dma_start3A_494 = tpu.memref_slice %arg4[%dma_start3A_492, %dma_start3A_493] : memref<131072x256xf32, #tpu.memory_space<hbm>> -> memref<131072x256xf32, #tpu.memory_space<hbm>>
            tpu.enqueue_indirect_dma source(%dma_start3A_482 : memref<128x256xf32, #tpu.memory_space<vmem>>) target(%dma_start3A_494 : memref<131072x256xf32, #tpu.memory_space<hbm>>) offsets(%dma_start3A_491 : memref<128xi32, #tpu.memory_space<vmem>>) semaphore(%run_scoped3A_478 : memref<!tpu.dma_semaphore, #tpu.memory_space<semaphore_mem>>)
            %dma_wait3A = arith.constant 0 : i32
            %dma_wait3A_495 = arith.constant 0 : i32
            %dma_wait3A_496 = tpu.memref_slice %run_scoped3A[%rem3A_380, %dma_wait3A, %dma_wait3A_495] : memref<2x128x256xf32, #tpu.memory_space<vmem>> -> memref<1x128x256xf32, #tpu.memory_space<vmem>>
            %dma_wait3A_497 = tpu.memref_squeeze %dma_wait3A_496 : memref<1x128x256xf32, #tpu.memory_space<vmem>> -> memref<128x256xf32, #tpu.memory_space<vmem>>
            %dma_wait3A_498 = arith.constant 0 : i32
            %dma_wait3A_499 = arith.constant 0 : i32
            %dma_wait3A_500 = arith.constant 0 : i32
            %dma_wait3A_501 = arith.constant 0 : i32
            %dma_wait3A_502 = tpu.memref_slice %run_scoped3A_20[%rem3A_382, %dma_wait3A_498, %dma_wait3A_499, %dma_wait3A_500, %dma_wait3A_501] : memref<2x1x1x1x128xi32, #tpu.memory_space<vmem>> -> memref<1x1x1x1x128xi32, #tpu.memory_space<vmem>>
            %dma_wait3A_503 = tpu.memref_squeeze %dma_wait3A_502 : memref<1x1x1x1x128xi32, #tpu.memory_space<vmem>> -> memref<1x1x1x128xi32, #tpu.memory_space<vmem>>
            %dma_wait3A_504 = arith.constant 0 : i32
            %dma_wait3A_505 = tpu.memref_slice %dma_wait3A_503[%run_scoped3A_383, %run_scoped3A_384, %run_scoped3A_385, %dma_wait3A_504] : memref<1x1x1x128xi32, #tpu.memory_space<vmem>> -> memref<1x1x1x128xi32, #tpu.memory_space<vmem>>
            %dma_wait3A_506 = tpu.memref_squeeze %dma_wait3A_505 : memref<1x1x1x128xi32, #tpu.memory_space<vmem>> -> memref<128xi32, #tpu.memory_space<vmem>>
            %dma_wait3A_507 = arith.constant 0 : i32
            %dma_wait3A_508 = arith.constant 0 : i32
            %dma_wait3A_509 = tpu.memref_slice %arg4[%dma_wait3A_507, %dma_wait3A_508] : memref<131072x256xf32, #tpu.memory_space<hbm>> -> memref<131072x256xf32, #tpu.memory_space<hbm>>
            tpu.wait_indirect_dma semaphore(%run_scoped3A_478 : memref<!tpu.dma_semaphore, #tpu.memory_space<semaphore_mem>>) src(%dma_wait3A_497 : memref<128x256xf32, #tpu.memory_space<vmem>>) dst(%dma_wait3A_509 : memref<131072x256xf32, #tpu.memory_space<hbm>>)
            tpu.yield
          }) : () -> ()
          "tpu.trace_stop"() : () -> ()
          %ne3A_386 = arith.cmpi ne, %add3A_260, %add3A_296 : i32
          %ne3A_387 = arith.cmpi ne, %add3A_262, %add3A_298 : i32
          %or3A_388 = arith.constant false
          %or3A_389 = arith.ori %or3A_388, %ne3A_386 : i1
          %or3A_390 = arith.ori %or3A_389, %ne3A_387 : i1
          %or3A_391 = arith.ori %or3A_390, %eq3A_259 : i1
          %convert_element_type3A_392 = arith.extui %or3A_391 : i1 to i32
          %cond3A_393 = arith.constant 0 : i32
          %cond3A_394 = arith.cmpi ne, %convert_element_type3A_392, %cond3A_393 : i32
          scf.if %cond3A_394 {
          } else {
          }
          %and3A_395 = arith.constant false
          %and3A_396 = arith.andi %or3A_391, %and3A_395 : i1
          %ne3A_397 = arith.cmpi ne, %add3A_260, %add3A_296 : i32
          %ne3A_398 = arith.cmpi ne, %add3A_262, %add3A_298 : i32
          %or3A_399 = arith.constant false
          %or3A_400 = arith.ori %or3A_399, %ne3A_397 : i1
          %or3A_401 = arith.ori %or3A_400, %ne3A_398 : i1
          %or3A_402 = arith.constant false
          %or3A_403 = arith.ori %or3A_401, %or3A_402 : i1
          %or3A_404 = arith.constant false
          %or3A_405 = arith.ori %or3A_403, %or3A_404 : i1
          %or3A_406 = arith.ori %or3A_405, %eq3A_259 : i1
          %convert_element_type3A_407 = arith.extui %or3A_406 : i1 to i32
          %cond3A_408 = arith.constant 0 : i32
          %cond3A_409 = arith.cmpi ne, %convert_element_type3A_407, %cond3A_408 : i32
          scf.if %cond3A_409 {
          } else {
          }
          %and3A_410 = arith.constant false
          %and3A_411 = arith.andi %or3A_406, %and3A_410 : i1
          %ne3A_412 = arith.cmpi ne, %add3A_260, %add3A_279 : i32
          %ne3A_413 = arith.cmpi ne, %add3A_262, %add3A_281 : i32
          %or3A_414 = arith.constant false
          %or3A_415 = arith.ori %or3A_414, %ne3A_412 : i1
          %or3A_416 = arith.ori %or3A_415, %ne3A_413 : i1
          %not3A_417 = arith.constant true
          %not3A_418 = arith.xori %eq3A_256, %not3A_417 : i1
          %and3A_419 = arith.andi %or3A_416, %not3A_418 : i1
          %convert_element_type3A_420 = arith.extui %and3A_419 : i1 to i32
          %cond3A_421 = arith.constant 0 : i32
          %cond3A_422 = arith.cmpi ne, %convert_element_type3A_420, %cond3A_421 : i32
          scf.if %cond3A_422 {
          } else {
          }
          %and3A_423 = arith.constant false
          %and3A_424 = arith.andi %and3A_419, %and3A_423 : i1
          %ne3A_425 = arith.cmpi ne, %add3A_260, %add3A_279 : i32
          %ne3A_426 = arith.cmpi ne, %add3A_262, %add3A_281 : i32
          %or3A_427 = arith.constant false
          %or3A_428 = arith.ori %or3A_427, %ne3A_425 : i1
          %or3A_429 = arith.ori %or3A_428, %ne3A_426 : i1
          %or3A_430 = arith.constant false
          %or3A_431 = arith.ori %or3A_429, %or3A_430 : i1
          %or3A_432 = arith.constant false
          %or3A_433 = arith.ori %or3A_431, %or3A_432 : i1
          %not3A_434 = arith.constant true
          %not3A_435 = arith.xori %eq3A_256, %not3A_434 : i1
          %and3A_436 = arith.andi %or3A_433, %not3A_435 : i1
          %convert_element_type3A_437 = arith.extui %and3A_436 : i1 to i32
          %cond3A_438 = arith.constant 0 : i32
          %cond3A_439 = arith.cmpi ne, %convert_element_type3A_437, %cond3A_438 : i32
          scf.if %cond3A_439 {
          } else {
          }
          %and3A_440 = arith.constant false
          %and3A_441 = arith.andi %and3A_436, %and3A_440 : i1
          %ne3A_442 = arith.cmpi ne, %add3A_260, %add3A_296 : i32
          %ne3A_443 = arith.cmpi ne, %add3A_262, %add3A_298 : i32
          %or3A_444 = arith.constant false
          %or3A_445 = arith.ori %or3A_444, %ne3A_442 : i1
          %or3A_446 = arith.ori %or3A_445, %ne3A_443 : i1
          %or3A_447 = arith.ori %or3A_446, %eq3A_259 : i1
          %add3A_448 = arith.constant 1 : i32
          %add3A_449 = arith.addi %while3A_246, %add3A_448 : i32
          %select_n3A_450 = arith.select %or3A_447, %add3A_449, %while3A_246 : i32
          %ne3A_451 = arith.cmpi ne, %add3A_260, %add3A_296 : i32
          %ne3A_452 = arith.cmpi ne, %add3A_262, %add3A_298 : i32
          %or3A_453 = arith.constant false
          %or3A_454 = arith.ori %or3A_453, %ne3A_451 : i1
          %or3A_455 = arith.ori %or3A_454, %ne3A_452 : i1
          %or3A_456 = arith.constant false
          %or3A_457 = arith.ori %or3A_455, %or3A_456 : i1
          %or3A_458 = arith.constant false
          %or3A_459 = arith.ori %or3A_457, %or3A_458 : i1
          %or3A_460 = arith.ori %or3A_459, %eq3A_259 : i1
          %add3A_461 = arith.constant 1 : i32
          %add3A_462 = arith.addi %while3A_248, %add3A_461 : i32
          %select_n3A_463 = arith.select %or3A_460, %add3A_462, %while3A_248 : i32
          %add3A_464 = arith.constant 1 : i32
          %add3A_465 = arith.addi %while3A_250, %add3A_464 : i32
          %select_n3A_466 = arith.constant true
          %select_n3A_467 = arith.select %select_n3A_466, %add3A_465, %while3A_250 : i32
          %eq3A_468 = arith.constant 8 : i32
          %eq3A_469 = arith.cmpi eq, %select_n3A_467, %eq3A_468 : i32
          %select_n3A_470 = arith.constant 0 : i32
          %select_n3A_471 = arith.select %eq3A_469, %select_n3A_470, %select_n3A_467 : i32
          %add3A_472 = arith.constant 1 : i32
          %add3A_473 = arith.addi %while3A_249, %add3A_472 : i32
          %select_n3A_474 = arith.select %eq3A_469, %add3A_473, %while3A_249 : i32
          %eq3A_475 = arith.cmpi eq, %select_n3A_474, %select_n3A : i32
          %select_n3A_476 = arith.constant 0 : i32
          %select_n3A_477 = arith.select %eq3A_475, %select_n3A_476, %select_n3A_474 : i32
          scf.yield %select_n3A_331, %select_n3A_450, %select_n3A_356, %select_n3A_463, %select_n3A_477, %select_n3A_471 : i32, i32, i32, i32, i32, i32
        }
        %while3A_153 = arith.constant 1 : i32
        %while3A_154:6 = scf.for %while3A_244 = %while3A_150 to %while3A_146 step %while3A_153 iter_args(%while3A_245 = %while3A_152#0, %while3A_246 = %while3A_152#1, %while3A_247 = %while3A_152#2, %while3A_248 = %while3A_152#3, %while3A_249 = %while3A_152#4, %while3A_250 = %while3A_152#5) -> (i32, i32, i32, i32, i32, i32)  : i32 {
          %mul3A_251 = arith.constant 1 : i32
          %mul3A_252 = arith.muli %mul3A_251, %select_n3A : i32
          %mul3A_253 = arith.constant 8 : i32
          %mul3A_254 = arith.muli %mul3A_252, %mul3A_253 : i32
          %eq3A_255 = arith.constant 0 : i32
          %eq3A_256 = arith.cmpi eq, %while3A_244, %eq3A_255 : i32
          %sub3A_257 = arith.constant 1 : i32
          %sub3A_258 = arith.subi %mul3A_254, %sub3A_257 : i32
          %eq3A_259 = arith.cmpi eq, %while3A_244, %sub3A_258 : i32
          %add3A_260 = arith.addi %while3A_249, %select_n3A_14 : i32
          %add3A_261 = arith.constant 0 : i32
          %add3A_262 = arith.addi %while3A_250, %add3A_261 : i32
          %sub3A_263 = arith.constant 1 : i32
          %sub3A_264 = arith.subi %while3A_250, %sub3A_263 : i32
          %select_n3A_265 = arith.constant true
          %select_n3A_266 = arith.select %select_n3A_265, %sub3A_264, %while3A_250 : i32
          %eq3A_267 = arith.constant -1 : i32
          %eq3A_268 = arith.cmpi eq, %select_n3A_266, %eq3A_267 : i32
          %select_n3A_269 = arith.constant 7 : i32
          %select_n3A_270 = arith.select %eq3A_268, %select_n3A_269, %select_n3A_266 : i32
          %sub3A_271 = arith.constant 1 : i32
          %sub3A_272 = arith.subi %while3A_249, %sub3A_271 : i32
          %select_n3A_273 = arith.select %eq3A_268, %sub3A_272, %while3A_249 : i32
          %eq3A_274 = arith.constant -1 : i32
          %eq3A_275 = arith.cmpi eq, %select_n3A_273, %eq3A_274 : i32
          %sub3A_276 = arith.constant 1 : i32
          %sub3A_277 = arith.subi %select_n3A, %sub3A_276 : i32
          %select_n3A_278 = arith.select %eq3A_275, %sub3A_277, %select_n3A_273 : i32
          %add3A_279 = arith.addi %select_n3A_278, %select_n3A_14 : i32
          %add3A_280 = arith.constant 0 : i32
          %add3A_281 = arith.addi %select_n3A_270, %add3A_280 : i32
          %add3A_282 = arith.constant 1 : i32
          %add3A_283 = arith.addi %while3A_250, %add3A_282 : i32
          %select_n3A_284 = arith.constant true
          %select_n3A_285 = arith.select %select_n3A_284, %add3A_283, %while3A_250 : i32
          %eq3A_286 = arith.constant 8 : i32
          %eq3A_287 = arith.cmpi eq, %select_n3A_285, %eq3A_286 : i32
          %select_n3A_288 = arith.constant 0 : i32
          %select_n3A_289 = arith.select %eq3A_287, %select_n3A_288, %select_n3A_285 : i32
          %add3A_290 = arith.constant 1 : i32
          %add3A_291 = arith.addi %while3A_249, %add3A_290 : i32
          %select_n3A_292 = arith.select %eq3A_287, %add3A_291, %while3A_249 : i32
          %eq3A_293 = arith.cmpi eq, %select_n3A_292, %select_n3A : i32
          %select_n3A_294 = arith.constant 0 : i32
          %select_n3A_295 = arith.select %eq3A_293, %select_n3A_294, %select_n3A_292 : i32
          %add3A_296 = arith.addi %select_n3A_295, %select_n3A_14 : i32
          %add3A_297 = arith.constant 0 : i32
          %add3A_298 = arith.addi %select_n3A_289, %add3A_297 : i32
          %add3A_299 = arith.constant 1 : i32
          %add3A_300 = arith.addi %select_n3A_289, %add3A_299 : i32
          %select_n3A_301 = arith.constant true
          %select_n3A_302 = arith.select %select_n3A_301, %add3A_300, %select_n3A_289 : i32
          %eq3A_303 = arith.constant 8 : i32
          %eq3A_304 = arith.cmpi eq, %select_n3A_302, %eq3A_303 : i32
          %select_n3A_305 = arith.constant 0 : i32
          %select_n3A_306 = arith.select %eq3A_304, %select_n3A_305, %select_n3A_302 : i32
          %add3A_307 = arith.constant 1 : i32
          %add3A_308 = arith.addi %select_n3A_295, %add3A_307 : i32
          %select_n3A_309 = arith.select %eq3A_304, %add3A_308, %select_n3A_295 : i32
          %eq3A_310 = arith.cmpi eq, %select_n3A_309, %select_n3A : i32
          %select_n3A_311 = arith.constant 0 : i32
          %select_n3A_312 = arith.select %eq3A_310, %select_n3A_311, %select_n3A_309 : i32
          %add3A_313 = arith.addi %select_n3A_312, %select_n3A_14 : i32
          %add3A_314 = arith.constant 0 : i32
          %add3A_315 = arith.addi %select_n3A_306, %add3A_314 : i32
          %ne3A = arith.cmpi ne, %add3A_260, %add3A_296 : i32
          %ne3A_316 = arith.cmpi ne, %add3A_262, %add3A_298 : i32
          %or3A = arith.constant false
          %or3A_317 = arith.ori %or3A, %ne3A : i1
          %or3A_318 = arith.ori %or3A_317, %ne3A_316 : i1
          %sub3A_319 = arith.constant 2 : i32
          %sub3A_320 = arith.subi %mul3A_254, %sub3A_319 : i32
          %add3A_321 = arith.constant 1 : i32
          %add3A_322 = arith.addi %sub3A_320, %add3A_321 : i32
          %ge3A = arith.cmpi sge, %while3A_244, %add3A_322 : i32
          %not3A = arith.constant true
          %not3A_323 = arith.xori %ge3A, %not3A : i1
          %and3A = arith.andi %or3A_318, %not3A_323 : i1
          %convert_element_type3A_324 = arith.extui %and3A : i1 to i32
          %cond3A_325 = arith.constant 0 : i32
          %cond3A_326 = arith.cmpi ne, %convert_element_type3A_324, %cond3A_325 : i32
          scf.if %cond3A_326 {
            "tpu.trace_start"() <{level = 10 : i32, message = "ep_copy_in"}> : () -> ()
            %rem3A_478 = arith.constant 2 : i32
            %rem3A_479 = arith.remui %while3A_245, %rem3A_478 : i32
            %mul3A_480 = arith.constant 128 : i32
            %mul3A_481 = arith.muli %mul3A_480, %add3A_296 : i32
            %mul3A_482 = arith.constant 256 : i32
            %mul3A_483 = arith.muli %mul3A_482, %add3A_298 : i32
            %dma_start3A_484 = arith.constant 0 : i32
            %dma_start3A_485 = arith.constant 0 : i32
            %dma_start3A_486 = tpu.memref_slice %run_scoped3A[%rem3A_479, %dma_start3A_484, %dma_start3A_485] : memref<2x128x256xf32, #tpu.memory_space<vmem>> -> memref<1x128x256xf32, #tpu.memory_space<vmem>>
            %dma_start3A_487 = tpu.memref_squeeze %dma_start3A_486 : memref<1x128x256xf32, #tpu.memory_space<vmem>> -> memref<128x256xf32, #tpu.memory_space<vmem>>
            %dma_start3A_488 = tpu.memref_slice %arg2[%mul3A_481, %mul3A_483] : memref<18432x2048xf32, #tpu.memory_space<hbm>> -> memref<128x256xf32, #tpu.memory_space<hbm>>
            %dma_start3A_489 = tpu.memref_slice %run_scoped3A_19[%rem3A_479] : memref<2x!tpu.dma_semaphore, #tpu.memory_space<semaphore_mem>> -> memref<1x!tpu.dma_semaphore, #tpu.memory_space<semaphore_mem>>
            %dma_start3A_490 = tpu.memref_squeeze %dma_start3A_489 : memref<1x!tpu.dma_semaphore, #tpu.memory_space<semaphore_mem>> -> memref<!tpu.dma_semaphore, #tpu.memory_space<semaphore_mem>>
            %dma_start3A_491 = arith.constant 0 : i32
            %dma_start3A_492 = arith.constant 0 : i32
            %dma_start3A_493 = tpu.memref_slice %run_scoped3A[%rem3A_479, %dma_start3A_491, %dma_start3A_492] : memref<2x128x256xf32, #tpu.memory_space<vmem>> -> memref<1x128x256xf32, #tpu.memory_space<vmem>>
            %dma_start3A_494 = tpu.memref_squeeze %dma_start3A_493 : memref<1x128x256xf32, #tpu.memory_space<vmem>> -> memref<128x256xf32, #tpu.memory_space<vmem>>
            %dma_start3A_495 = tpu.memref_slice %arg2[%mul3A_481, %mul3A_483] : memref<18432x2048xf32, #tpu.memory_space<hbm>> -> memref<128x256xf32, #tpu.memory_space<hbm>>
            tpu.enqueue_dma source(%dma_start3A_495 : memref<128x256xf32, #tpu.memory_space<hbm>>) target(%dma_start3A_494 : memref<128x256xf32, #tpu.memory_space<vmem>>) target_semaphore(%dma_start3A_490 : memref<!tpu.dma_semaphore, #tpu.memory_space<semaphore_mem>>)
            "tpu.trace_stop"() : () -> ()
          } else {
          }
          %and3A_327 = arith.constant true
          %and3A_328 = arith.andi %and3A, %and3A_327 : i1
          %add3A_329 = arith.constant 1 : i32
          %add3A_330 = arith.addi %while3A_245, %add3A_329 : i32
          %select_n3A_331 = arith.select %and3A_328, %add3A_330, %while3A_245 : i32
          %ne3A_332 = arith.cmpi ne, %add3A_260, %add3A_296 : i32
          %ne3A_333 = arith.cmpi ne, %add3A_262, %add3A_298 : i32
          %or3A_334 = arith.constant false
          %or3A_335 = arith.ori %or3A_334, %ne3A_332 : i1
          %or3A_336 = arith.ori %or3A_335, %ne3A_333 : i1
          %or3A_337 = arith.constant false
          %or3A_338 = arith.ori %or3A_336, %or3A_337 : i1
          %or3A_339 = arith.constant false
          %or3A_340 = arith.ori %or3A_338, %or3A_339 : i1
          %sub3A_341 = arith.constant 2 : i32
          %sub3A_342 = arith.subi %mul3A_254, %sub3A_341 : i32
          %add3A_343 = arith.constant 1 : i32
          %add3A_344 = arith.addi %sub3A_342, %add3A_343 : i32
          %ge3A_345 = arith.cmpi sge, %while3A_244, %add3A_344 : i32
          %not3A_346 = arith.constant true
          %not3A_347 = arith.xori %ge3A_345, %not3A_346 : i1
          %and3A_348 = arith.andi %or3A_340, %not3A_347 : i1
          %convert_element_type3A_349 = arith.extui %and3A_348 : i1 to i32
          %cond3A_350 = arith.constant 0 : i32
          %cond3A_351 = arith.cmpi ne, %convert_element_type3A_349, %cond3A_350 : i32
          scf.if %cond3A_351 {
            "tpu.trace_start"() <{level = 10 : i32, message = "ep_copy_in"}> : () -> ()
            %rem3A_478 = arith.constant 2 : i32
            %rem3A_479 = arith.remui %while3A_247, %rem3A_478 : i32
            %mul3A_480 = arith.constant 1 : i32
            %mul3A_481 = arith.muli %mul3A_480, %add3A_296 : i32
            %mul3A_482 = arith.constant 1 : i32
            %mul3A_483 = arith.muli %mul3A_482, %add3A_298 : i32
            %dma_start3A_484 = arith.constant 0 : i32
            %dma_start3A_485 = arith.constant 0 : i32
            %dma_start3A_486 = arith.constant 0 : i32
            %dma_start3A_487 = arith.constant 0 : i32
            %dma_start3A_488 = tpu.memref_slice %run_scoped3A_20[%rem3A_479, %dma_start3A_484, %dma_start3A_485, %dma_start3A_486, %dma_start3A_487] : memref<2x1x1x1x128xi32, #tpu.memory_space<vmem>> -> memref<1x1x1x1x128xi32, #tpu.memory_space<vmem>>
            %dma_start3A_489 = tpu.memref_squeeze %dma_start3A_488 : memref<1x1x1x1x128xi32, #tpu.memory_space<vmem>> -> memref<1x1x1x128xi32, #tpu.memory_space<vmem>>
            %dma_start3A_490 = arith.constant 0 : i32
            %dma_start3A_491 = arith.constant 0 : i32
            %dma_start3A_492 = tpu.memref_slice %arg3[%mul3A_481, %mul3A_483, %dma_start3A_490, %dma_start3A_491] : memref<144x8x1x128xi32, #tpu.memory_space<hbm>> -> memref<1x1x1x128xi32, #tpu.memory_space<hbm>>
            %dma_start3A_493 = tpu.memref_slice %run_scoped3A_21[%rem3A_479] : memref<2x!tpu.dma_semaphore, #tpu.memory_space<semaphore_mem>> -> memref<1x!tpu.dma_semaphore, #tpu.memory_space<semaphore_mem>>
            %dma_start3A_494 = tpu.memref_squeeze %dma_start3A_493 : memref<1x!tpu.dma_semaphore, #tpu.memory_space<semaphore_mem>> -> memref<!tpu.dma_semaphore, #tpu.memory_space<semaphore_mem>>
            %dma_start3A_495 = arith.constant 0 : i32
            %dma_start3A_496 = arith.constant 0 : i32
            %dma_start3A_497 = arith.constant 0 : i32
            %dma_start3A_498 = arith.constant 0 : i32
            %dma_start3A_499 = tpu.memref_slice %run_scoped3A_20[%rem3A_479, %dma_start3A_495, %dma_start3A_496, %dma_start3A_497, %dma_start3A_498] : memref<2x1x1x1x128xi32, #tpu.memory_space<vmem>> -> memref<1x1x1x1x128xi32, #tpu.memory_space<vmem>>
            %dma_start3A_500 = tpu.memref_squeeze %dma_start3A_499 : memref<1x1x1x1x128xi32, #tpu.memory_space<vmem>> -> memref<1x1x1x128xi32, #tpu.memory_space<vmem>>
            %dma_start3A_501 = arith.constant 0 : i32
            %dma_start3A_502 = arith.constant 0 : i32
            %dma_start3A_503 = tpu.memref_slice %arg3[%mul3A_481, %mul3A_483, %dma_start3A_501, %dma_start3A_502] : memref<144x8x1x128xi32, #tpu.memory_space<hbm>> -> memref<1x1x1x128xi32, #tpu.memory_space<hbm>>
            tpu.enqueue_dma source(%dma_start3A_503 : memref<1x1x1x128xi32, #tpu.memory_space<hbm>>) target(%dma_start3A_500 : memref<1x1x1x128xi32, #tpu.memory_space<vmem>>) target_semaphore(%dma_start3A_494 : memref<!tpu.dma_semaphore, #tpu.memory_space<semaphore_mem>>)
            "tpu.trace_stop"() : () -> ()
          } else {
          }
          %and3A_352 = arith.constant true
          %and3A_353 = arith.andi %and3A_348, %and3A_352 : i1
          %add3A_354 = arith.constant 1 : i32
          %add3A_355 = arith.addi %while3A_247, %add3A_354 : i32
          %select_n3A_356 = arith.select %and3A_353, %add3A_355, %while3A_247 : i32
          %ne3A_357 = arith.cmpi ne, %add3A_260, %add3A_279 : i32
          %ne3A_358 = arith.cmpi ne, %add3A_262, %add3A_281 : i32
          %or3A_359 = arith.constant false
          %or3A_360 = arith.ori %or3A_359, %ne3A_357 : i1
          %or3A_361 = arith.ori %or3A_360, %ne3A_358 : i1
          %or3A_362 = arith.ori %or3A_361, %eq3A_256 : i1
          %convert_element_type3A_363 = arith.extui %or3A_362 : i1 to i32
          %cond3A_364 = arith.constant 0 : i32
          %cond3A_365 = arith.cmpi ne, %convert_element_type3A_363, %cond3A_364 : i32
          scf.if %cond3A_365 {
            "tpu.trace_start"() <{level = 10 : i32, message = "ep_wait_in"}> : () -> ()
            %mul3A_478 = arith.constant 128 : i32
            %mul3A_479 = arith.muli %mul3A_478, %add3A_260 : i32
            %mul3A_480 = arith.constant 256 : i32
            %mul3A_481 = arith.muli %mul3A_480, %add3A_262 : i32
            %rem3A_482 = arith.constant 2 : i32
            %rem3A_483 = arith.remui %while3A_246, %rem3A_482 : i32
            %dma_wait3A = arith.constant 0 : i32
            %dma_wait3A_484 = arith.constant 0 : i32
            %dma_wait3A_485 = tpu.memref_slice %run_scoped3A[%rem3A_483, %dma_wait3A, %dma_wait3A_484] : memref<2x128x256xf32, #tpu.memory_space<vmem>> -> memref<1x128x256xf32, #tpu.memory_space<vmem>>
            %dma_wait3A_486 = tpu.memref_squeeze %dma_wait3A_485 : memref<1x128x256xf32, #tpu.memory_space<vmem>> -> memref<128x256xf32, #tpu.memory_space<vmem>>
            %dma_wait3A_487 = tpu.memref_slice %arg2[%mul3A_479, %mul3A_481] : memref<18432x2048xf32, #tpu.memory_space<hbm>> -> memref<128x256xf32, #tpu.memory_space<hbm>>
            %dma_wait3A_488 = tpu.memref_slice %run_scoped3A_19[%rem3A_483] : memref<2x!tpu.dma_semaphore, #tpu.memory_space<semaphore_mem>> -> memref<1x!tpu.dma_semaphore, #tpu.memory_space<semaphore_mem>>
            %dma_wait3A_489 = tpu.memref_squeeze %dma_wait3A_488 : memref<1x!tpu.dma_semaphore, #tpu.memory_space<semaphore_mem>> -> memref<!tpu.dma_semaphore, #tpu.memory_space<semaphore_mem>>
            %dma_wait3A_490 = arith.constant 0 : i32
            %dma_wait3A_491 = arith.constant 0 : i32
            %dma_wait3A_492 = tpu.memref_slice %run_scoped3A[%rem3A_483, %dma_wait3A_490, %dma_wait3A_491] : memref<2x128x256xf32, #tpu.memory_space<vmem>> -> memref<1x128x256xf32, #tpu.memory_space<vmem>>
            %dma_wait3A_493 = tpu.memref_squeeze %dma_wait3A_492 : memref<1x128x256xf32, #tpu.memory_space<vmem>> -> memref<128x256xf32, #tpu.memory_space<vmem>>
            %dma_wait3A_494 = tpu.memref_slice %arg2[%mul3A_479, %mul3A_481] : memref<18432x2048xf32, #tpu.memory_space<hbm>> -> memref<128x256xf32, #tpu.memory_space<hbm>>
            tpu.wait_dma2 semaphore(%dma_wait3A_489 : memref<!tpu.dma_semaphore, #tpu.memory_space<semaphore_mem>>) src(%dma_wait3A_494 : memref<128x256xf32, #tpu.memory_space<hbm>>) dst(%dma_wait3A_493 : memref<128x256xf32, #tpu.memory_space<vmem>>)
            "tpu.trace_stop"() : () -> ()
          } else {
          }
          %ne3A_366 = arith.cmpi ne, %add3A_260, %add3A_279 : i32
          %ne3A_367 = arith.cmpi ne, %add3A_262, %add3A_281 : i32
          %or3A_368 = arith.constant false
          %or3A_369 = arith.ori %or3A_368, %ne3A_366 : i1
          %or3A_370 = arith.ori %or3A_369, %ne3A_367 : i1
          %or3A_371 = arith.constant false
          %or3A_372 = arith.ori %or3A_370, %or3A_371 : i1
          %or3A_373 = arith.constant false
          %or3A_374 = arith.ori %or3A_372, %or3A_373 : i1
          %or3A_375 = arith.ori %or3A_374, %eq3A_256 : i1
          %convert_element_type3A_376 = arith.extui %or3A_375 : i1 to i32
          %cond3A_377 = arith.constant 0 : i32
          %cond3A_378 = arith.cmpi ne, %convert_element_type3A_376, %cond3A_377 : i32
          scf.if %cond3A_378 {
            "tpu.trace_start"() <{level = 10 : i32, message = "ep_wait_in"}> : () -> ()
            %mul3A_478 = arith.constant 1 : i32
            %mul3A_479 = arith.muli %mul3A_478, %add3A_260 : i32
            %mul3A_480 = arith.constant 1 : i32
            %mul3A_481 = arith.muli %mul3A_480, %add3A_262 : i32
            %rem3A_482 = arith.constant 2 : i32
            %rem3A_483 = arith.remui %while3A_248, %rem3A_482 : i32
            %dma_wait3A = arith.constant 0 : i32
            %dma_wait3A_484 = arith.constant 0 : i32
            %dma_wait3A_485 = arith.constant 0 : i32
            %dma_wait3A_486 = arith.constant 0 : i32
            %dma_wait3A_487 = tpu.memref_slice %run_scoped3A_20[%rem3A_483, %dma_wait3A, %dma_wait3A_484, %dma_wait3A_485, %dma_wait3A_486] : memref<2x1x1x1x128xi32, #tpu.memory_space<vmem>> -> memref<1x1x1x1x128xi32, #tpu.memory_space<vmem>>
            %dma_wait3A_488 = tpu.memref_squeeze %dma_wait3A_487 : memref<1x1x1x1x128xi32, #tpu.memory_space<vmem>> -> memref<1x1x1x128xi32, #tpu.memory_space<vmem>>
            %dma_wait3A_489 = arith.constant 0 : i32
            %dma_wait3A_490 = arith.constant 0 : i32
            %dma_wait3A_491 = tpu.memref_slice %arg3[%mul3A_479, %mul3A_481, %dma_wait3A_489, %dma_wait3A_490] : memref<144x8x1x128xi32, #tpu.memory_space<hbm>> -> memref<1x1x1x128xi32, #tpu.memory_space<hbm>>
            %dma_wait3A_492 = tpu.memref_slice %run_scoped3A_21[%rem3A_483] : memref<2x!tpu.dma_semaphore, #tpu.memory_space<semaphore_mem>> -> memref<1x!tpu.dma_semaphore, #tpu.memory_space<semaphore_mem>>
            %dma_wait3A_493 = tpu.memref_squeeze %dma_wait3A_492 : memref<1x!tpu.dma_semaphore, #tpu.memory_space<semaphore_mem>> -> memref<!tpu.dma_semaphore, #tpu.memory_space<semaphore_mem>>
            %dma_wait3A_494 = arith.constant 0 : i32
            %dma_wait3A_495 = arith.constant 0 : i32
            %dma_wait3A_496 = arith.constant 0 : i32
            %dma_wait3A_497 = arith.constant 0 : i32
            %dma_wait3A_498 = tpu.memref_slice %run_scoped3A_20[%rem3A_483, %dma_wait3A_494, %dma_wait3A_495, %dma_wait3A_496, %dma_wait3A_497] : memref<2x1x1x1x128xi32, #tpu.memory_space<vmem>> -> memref<1x1x1x1x128xi32, #tpu.memory_space<vmem>>
            %dma_wait3A_499 = tpu.memref_squeeze %dma_wait3A_498 : memref<1x1x1x1x128xi32, #tpu.memory_space<vmem>> -> memref<1x1x1x128xi32, #tpu.memory_space<vmem>>
            %dma_wait3A_500 = arith.constant 0 : i32
            %dma_wait3A_501 = arith.constant 0 : i32
            %dma_wait3A_502 = tpu.memref_slice %arg3[%mul3A_479, %mul3A_481, %dma_wait3A_500, %dma_wait3A_501] : memref<144x8x1x128xi32, #tpu.memory_space<hbm>> -> memref<1x1x1x128xi32, #tpu.memory_space<hbm>>
            tpu.wait_dma2 semaphore(%dma_wait3A_493 : memref<!tpu.dma_semaphore, #tpu.memory_space<semaphore_mem>>) src(%dma_wait3A_502 : memref<1x1x1x128xi32, #tpu.memory_space<hbm>>) dst(%dma_wait3A_499 : memref<1x1x1x128xi32, #tpu.memory_space<vmem>>)
            "tpu.trace_stop"() : () -> ()
          } else {
          }
          %rem3A_379 = arith.constant 2 : i32
          %rem3A_380 = arith.remui %while3A_246, %rem3A_379 : i32
          %rem3A_381 = arith.constant 2 : i32
          %rem3A_382 = arith.remui %while3A_248, %rem3A_381 : i32
          %run_scoped3A_383 = arith.constant 0 : i32
          %run_scoped3A_384 = arith.constant 0 : i32
          %run_scoped3A_385 = arith.constant 0 : i32
          "tpu.trace_start"() <{level = 10 : i32, message = "ep_run_kernel"}> : () -> ()
          "tpu.region"() ({
            %run_scoped3A_478 = tpu.sem_alloc : memref<!tpu.dma_semaphore, #tpu.memory_space<semaphore_mem>>
            %dma_start3A_479 = arith.constant 0 : i32
            %dma_start3A_480 = arith.constant 0 : i32
            %dma_start3A_481 = tpu.memref_slice %run_scoped3A[%rem3A_380, %dma_start3A_479, %dma_start3A_480] : memref<2x128x256xf32, #tpu.memory_space<vmem>> -> memref<1x128x256xf32, #tpu.memory_space<vmem>>
            %dma_start3A_482 = tpu.memref_squeeze %dma_start3A_481 : memref<1x128x256xf32, #tpu.memory_space<vmem>> -> memref<128x256xf32, #tpu.memory_space<vmem>>
            %dma_start3A_483 = arith.constant 0 : i32
            %dma_start3A_484 = arith.constant 0 : i32
            %dma_start3A_485 = arith.constant 0 : i32
            %dma_start3A_486 = arith.constant 0 : i32
            %dma_start3A_487 = tpu.memref_slice %run_scoped3A_20[%rem3A_382, %dma_start3A_483, %dma_start3A_484, %dma_start3A_485, %dma_start3A_486] : memref<2x1x1x1x128xi32, #tpu.memory_space<vmem>> -> memref<1x1x1x1x128xi32, #tpu.memory_space<vmem>>
            %dma_start3A_488 = tpu.memref_squeeze %dma_start3A_487 : memref<1x1x1x1x128xi32, #tpu.memory_space<vmem>> -> memref<1x1x1x128xi32, #tpu.memory_space<vmem>>
            %dma_start3A_489 = arith.constant 0 : i32
            %dma_start3A_490 = tpu.memref_slice %dma_start3A_488[%run_scoped3A_383, %run_scoped3A_384, %run_scoped3A_385, %dma_start3A_489] : memref<1x1x1x128xi32, #tpu.memory_space<vmem>> -> memref<1x1x1x128xi32, #tpu.memory_space<vmem>>
            %dma_start3A_491 = tpu.memref_squeeze %dma_start3A_490 : memref<1x1x1x128xi32, #tpu.memory_space<vmem>> -> memref<128xi32, #tpu.memory_space<vmem>>
            %dma_start3A_492 = arith.constant 0 : i32
            %dma_start3A_493 = arith.constant 0 : i32
            %dma_start3A_494 = tpu.memref_slice %arg4[%dma_start3A_492, %dma_start3A_493] : memref<131072x256xf32, #tpu.memory_space<hbm>> -> memref<131072x256xf32, #tpu.memory_space<hbm>>
            tpu.enqueue_indirect_dma source(%dma_start3A_482 : memref<128x256xf32, #tpu.memory_space<vmem>>) target(%dma_start3A_494 : memref<131072x256xf32, #tpu.memory_space<hbm>>) offsets(%dma_start3A_491 : memref<128xi32, #tpu.memory_space<vmem>>) semaphore(%run_scoped3A_478 : memref<!tpu.dma_semaphore, #tpu.memory_space<semaphore_mem>>)
            %dma_wait3A = arith.constant 0 : i32
            %dma_wait3A_495 = arith.constant 0 : i32
            %dma_wait3A_496 = tpu.memref_slice %run_scoped3A[%rem3A_380, %dma_wait3A, %dma_wait3A_495] : memref<2x128x256xf32, #tpu.memory_space<vmem>> -> memref<1x128x256xf32, #tpu.memory_space<vmem>>
            %dma_wait3A_497 = tpu.memref_squeeze %dma_wait3A_496 : memref<1x128x256xf32, #tpu.memory_space<vmem>> -> memref<128x256xf32, #tpu.memory_space<vmem>>
            %dma_wait3A_498 = arith.constant 0 : i32
            %dma_wait3A_499 = arith.constant 0 : i32
            %dma_wait3A_500 = arith.constant 0 : i32
            %dma_wait3A_501 = arith.constant 0 : i32
            %dma_wait3A_502 = tpu.memref_slice %run_scoped3A_20[%rem3A_382, %dma_wait3A_498, %dma_wait3A_499, %dma_wait3A_500, %dma_wait3A_501] : memref<2x1x1x1x128xi32, #tpu.memory_space<vmem>> -> memref<1x1x1x1x128xi32, #tpu.memory_space<vmem>>
            %dma_wait3A_503 = tpu.memref_squeeze %dma_wait3A_502 : memref<1x1x1x1x128xi32, #tpu.memory_space<vmem>> -> memref<1x1x1x128xi32, #tpu.memory_space<vmem>>
            %dma_wait3A_504 = arith.constant 0 : i32
            %dma_wait3A_505 = tpu.memref_slice %dma_wait3A_503[%run_scoped3A_383, %run_scoped3A_384, %run_scoped3A_385, %dma_wait3A_504] : memref<1x1x1x128xi32, #tpu.memory_space<vmem>> -> memref<1x1x1x128xi32, #tpu.memory_space<vmem>>
            %dma_wait3A_506 = tpu.memref_squeeze %dma_wait3A_505 : memref<1x1x1x128xi32, #tpu.memory_space<vmem>> -> memref<128xi32, #tpu.memory_space<vmem>>
            %dma_wait3A_507 = arith.constant 0 : i32
            %dma_wait3A_508 = arith.constant 0 : i32
            %dma_wait3A_509 = tpu.memref_slice %arg4[%dma_wait3A_507, %dma_wait3A_508] : memref<131072x256xf32, #tpu.memory_space<hbm>> -> memref<131072x256xf32, #tpu.memory_space<hbm>>
            tpu.wait_indirect_dma semaphore(%run_scoped3A_478 : memref<!tpu.dma_semaphore, #tpu.memory_space<semaphore_mem>>) src(%dma_wait3A_497 : memref<128x256xf32, #tpu.memory_space<vmem>>) dst(%dma_wait3A_509 : memref<131072x256xf32, #tpu.memory_space<hbm>>)
            tpu.yield
          }) : () -> ()
          "tpu.trace_stop"() : () -> ()
          %ne3A_386 = arith.cmpi ne, %add3A_260, %add3A_296 : i32
          %ne3A_387 = arith.cmpi ne, %add3A_262, %add3A_298 : i32
          %or3A_388 = arith.constant false
          %or3A_389 = arith.ori %or3A_388, %ne3A_386 : i1
          %or3A_390 = arith.ori %or3A_389, %ne3A_387 : i1
          %or3A_391 = arith.ori %or3A_390, %eq3A_259 : i1
          %convert_element_type3A_392 = arith.extui %or3A_391 : i1 to i32
          %cond3A_393 = arith.constant 0 : i32
          %cond3A_394 = arith.cmpi ne, %convert_element_type3A_392, %cond3A_393 : i32
          scf.if %cond3A_394 {
          } else {
          }
          %and3A_395 = arith.constant false
          %and3A_396 = arith.andi %or3A_391, %and3A_395 : i1
          %ne3A_397 = arith.cmpi ne, %add3A_260, %add3A_296 : i32
          %ne3A_398 = arith.cmpi ne, %add3A_262, %add3A_298 : i32
          %or3A_399 = arith.constant false
          %or3A_400 = arith.ori %or3A_399, %ne3A_397 : i1
          %or3A_401 = arith.ori %or3A_400, %ne3A_398 : i1
          %or3A_402 = arith.constant false
          %or3A_403 = arith.ori %or3A_401, %or3A_402 : i1
          %or3A_404 = arith.constant false
          %or3A_405 = arith.ori %or3A_403, %or3A_404 : i1
          %or3A_406 = arith.ori %or3A_405, %eq3A_259 : i1
          %convert_element_type3A_407 = arith.extui %or3A_406 : i1 to i32
          %cond3A_408 = arith.constant 0 : i32
          %cond3A_409 = arith.cmpi ne, %convert_element_type3A_407, %cond3A_408 : i32
          scf.if %cond3A_409 {
          } else {
          }
          %and3A_410 = arith.constant false
          %and3A_411 = arith.andi %or3A_406, %and3A_410 : i1
          %ne3A_412 = arith.cmpi ne, %add3A_260, %add3A_279 : i32
          %ne3A_413 = arith.cmpi ne, %add3A_262, %add3A_281 : i32
          %or3A_414 = arith.constant false
          %or3A_415 = arith.ori %or3A_414, %ne3A_412 : i1
          %or3A_416 = arith.ori %or3A_415, %ne3A_413 : i1
          %not3A_417 = arith.constant true
          %not3A_418 = arith.xori %eq3A_256, %not3A_417 : i1
          %and3A_419 = arith.andi %or3A_416, %not3A_418 : i1
          %convert_element_type3A_420 = arith.extui %and3A_419 : i1 to i32
          %cond3A_421 = arith.constant 0 : i32
          %cond3A_422 = arith.cmpi ne, %convert_element_type3A_420, %cond3A_421 : i32
          scf.if %cond3A_422 {
          } else {
          }
          %and3A_423 = arith.constant false
          %and3A_424 = arith.andi %and3A_419, %and3A_423 : i1
          %ne3A_425 = arith.cmpi ne, %add3A_260, %add3A_279 : i32
          %ne3A_426 = arith.cmpi ne, %add3A_262, %add3A_281 : i32
          %or3A_427 = arith.constant false
          %or3A_428 = arith.ori %or3A_427, %ne3A_425 : i1
          %or3A_429 = arith.ori %or3A_428, %ne3A_426 : i1
          %or3A_430 = arith.constant false
          %or3A_431 = arith.ori %or3A_429, %or3A_430 : i1
          %or3A_432 = arith.constant false
          %or3A_433 = arith.ori %or3A_431, %or3A_432 : i1
          %not3A_434 = arith.constant true
          %not3A_435 = arith.xori %eq3A_256, %not3A_434 : i1
          %and3A_436 = arith.andi %or3A_433, %not3A_435 : i1
          %convert_element_type3A_437 = arith.extui %and3A_436 : i1 to i32
          %cond3A_438 = arith.constant 0 : i32
          %cond3A_439 = arith.cmpi ne, %convert_element_type3A_437, %cond3A_438 : i32
          scf.if %cond3A_439 {
          } else {
          }
          %and3A_440 = arith.constant false
          %and3A_441 = arith.andi %and3A_436, %and3A_440 : i1
          %ne3A_442 = arith.cmpi ne, %add3A_260, %add3A_296 : i32
          %ne3A_443 = arith.cmpi ne, %add3A_262, %add3A_298 : i32
          %or3A_444 = arith.constant false
          %or3A_445 = arith.ori %or3A_444, %ne3A_442 : i1
          %or3A_446 = arith.ori %or3A_445, %ne3A_443 : i1
          %or3A_447 = arith.ori %or3A_446, %eq3A_259 : i1
          %add3A_448 = arith.constant 1 : i32
          %add3A_449 = arith.addi %while3A_246, %add3A_448 : i32
          %select_n3A_450 = arith.select %or3A_447, %add3A_449, %while3A_246 : i32
          %ne3A_451 = arith.cmpi ne, %add3A_260, %add3A_296 : i32
          %ne3A_452 = arith.cmpi ne, %add3A_262, %add3A_298 : i32
          %or3A_453 = arith.constant false
          %or3A_454 = arith.ori %or3A_453, %ne3A_451 : i1
          %or3A_455 = arith.ori %or3A_454, %ne3A_452 : i1
          %or3A_456 = arith.constant false
          %or3A_457 = arith.ori %or3A_455, %or3A_456 : i1
          %or3A_458 = arith.constant false
          %or3A_459 = arith.ori %or3A_457, %or3A_458 : i1
          %or3A_460 = arith.ori %or3A_459, %eq3A_259 : i1
          %add3A_461 = arith.constant 1 : i32
          %add3A_462 = arith.addi %while3A_248, %add3A_461 : i32
          %select_n3A_463 = arith.select %or3A_460, %add3A_462, %while3A_248 : i32
          %add3A_464 = arith.constant 1 : i32
          %add3A_465 = arith.addi %while3A_250, %add3A_464 : i32
          %select_n3A_466 = arith.constant true
          %select_n3A_467 = arith.select %select_n3A_466, %add3A_465, %while3A_250 : i32
          %eq3A_468 = arith.constant 8 : i32
          %eq3A_469 = arith.cmpi eq, %select_n3A_467, %eq3A_468 : i32
          %select_n3A_470 = arith.constant 0 : i32
          %select_n3A_471 = arith.select %eq3A_469, %select_n3A_470, %select_n3A_467 : i32
          %add3A_472 = arith.constant 1 : i32
          %add3A_473 = arith.addi %while3A_249, %add3A_472 : i32
          %select_n3A_474 = arith.select %eq3A_469, %add3A_473, %while3A_249 : i32
          %eq3A_475 = arith.cmpi eq, %select_n3A_474, %select_n3A : i32
          %select_n3A_476 = arith.constant 0 : i32
          %select_n3A_477 = arith.select %eq3A_475, %select_n3A_476, %select_n3A_474 : i32
          scf.yield %select_n3A_331, %select_n3A_450, %select_n3A_356, %select_n3A_463, %select_n3A_477, %select_n3A_471 : i32, i32, i32, i32, i32, i32
        }
        %sub3A_155 = arith.constant 1 : i32
        %sub3A_156 = arith.subi %while3A_154#5, %sub3A_155 : i32
        %select_n3A_157 = arith.constant true
        %select_n3A_158 = arith.select %select_n3A_157, %sub3A_156, %while3A_154#5 : i32
        %eq3A_159 = arith.constant -1 : i32
        %eq3A_160 = arith.cmpi eq, %select_n3A_158, %eq3A_159 : i32
        %select_n3A_161 = arith.constant 7 : i32
        %select_n3A_162 = arith.select %eq3A_160, %select_n3A_161, %select_n3A_158 : i32
        %sub3A_163 = arith.constant 1 : i32
        %sub3A_164 = arith.subi %while3A_154#4, %sub3A_163 : i32
        %select_n3A_165 = arith.select %eq3A_160, %sub3A_164, %while3A_154#4 : i32
        %eq3A_166 = arith.constant -1 : i32
        %eq3A_167 = arith.cmpi eq, %select_n3A_165, %eq3A_166 : i32
        %sub3A_168 = arith.constant 1 : i32
        %sub3A_169 = arith.subi %select_n3A, %sub3A_168 : i32
        %select_n3A_170 = arith.select %eq3A_167, %sub3A_169, %select_n3A_165 : i32
        %sub3A_171 = arith.constant 1 : i32
        %sub3A_172 = arith.subi %mul3A_18, %sub3A_171 : i32
        %mul3A_173 = arith.constant 1 : i32
        %mul3A_174 = arith.muli %mul3A_173, %select_n3A : i32
        %mul3A_175 = arith.constant 8 : i32
        %mul3A_176 = arith.muli %mul3A_174, %mul3A_175 : i32
        %eq3A_177 = arith.constant 0 : i32
        %eq3A_178 = arith.cmpi eq, %sub3A_172, %eq3A_177 : i32
        %sub3A_179 = arith.constant 1 : i32
        %sub3A_180 = arith.subi %mul3A_176, %sub3A_179 : i32
        %eq3A_181 = arith.cmpi eq, %sub3A_172, %sub3A_180 : i32
        %add3A_182 = arith.addi %select_n3A_170, %select_n3A_14 : i32
        %add3A_183 = arith.constant 0 : i32
        %add3A_184 = arith.addi %select_n3A_162, %add3A_183 : i32
        %sub3A_185 = arith.constant 1 : i32
        %sub3A_186 = arith.subi %select_n3A_162, %sub3A_185 : i32
        %select_n3A_187 = arith.constant true
        %select_n3A_188 = arith.select %select_n3A_187, %sub3A_186, %select_n3A_162 : i32
        %eq3A_189 = arith.constant -1 : i32
        %eq3A_190 = arith.cmpi eq, %select_n3A_188, %eq3A_189 : i32
        %select_n3A_191 = arith.constant 7 : i32
        %select_n3A_192 = arith.select %eq3A_190, %select_n3A_191, %select_n3A_188 : i32
        %sub3A_193 = arith.constant 1 : i32
        %sub3A_194 = arith.subi %select_n3A_170, %sub3A_193 : i32
        %select_n3A_195 = arith.select %eq3A_190, %sub3A_194, %select_n3A_170 : i32
        %eq3A_196 = arith.constant -1 : i32
        %eq3A_197 = arith.cmpi eq, %select_n3A_195, %eq3A_196 : i32
        %sub3A_198 = arith.constant 1 : i32
        %sub3A_199 = arith.subi %select_n3A, %sub3A_198 : i32
        %select_n3A_200 = arith.select %eq3A_197, %sub3A_199, %select_n3A_195 : i32
        %add3A_201 = arith.addi %select_n3A_200, %select_n3A_14 : i32
        %add3A_202 = arith.constant 0 : i32
        %add3A_203 = arith.addi %select_n3A_192, %add3A_202 : i32
        %add3A_204 = arith.constant 1 : i32
        %add3A_205 = arith.addi %select_n3A_162, %add3A_204 : i32
        %select_n3A_206 = arith.constant true
        %select_n3A_207 = arith.select %select_n3A_206, %add3A_205, %select_n3A_162 : i32
        %eq3A_208 = arith.constant 8 : i32
        %eq3A_209 = arith.cmpi eq, %select_n3A_207, %eq3A_208 : i32
        %select_n3A_210 = arith.constant 0 : i32
        %select_n3A_211 = arith.select %eq3A_209, %select_n3A_210, %select_n3A_207 : i32
        %add3A_212 = arith.constant 1 : i32
        %add3A_213 = arith.addi %select_n3A_170, %add3A_212 : i32
        %select_n3A_214 = arith.select %eq3A_209, %add3A_213, %select_n3A_170 : i32
        %eq3A_215 = arith.cmpi eq, %select_n3A_214, %select_n3A : i32
        %select_n3A_216 = arith.constant 0 : i32
        %select_n3A_217 = arith.select %eq3A_215, %select_n3A_216, %select_n3A_214 : i32
        %add3A_218 = arith.addi %select_n3A_217, %select_n3A_14 : i32
        %add3A_219 = arith.constant 0 : i32
        %add3A_220 = arith.addi %select_n3A_211, %add3A_219 : i32
        %add3A_221 = arith.constant 1 : i32
        %add3A_222 = arith.addi %select_n3A_211, %add3A_221 : i32
        %select_n3A_223 = arith.constant true
        %select_n3A_224 = arith.select %select_n3A_223, %add3A_222, %select_n3A_211 : i32
        %eq3A_225 = arith.constant 8 : i32
        %eq3A_226 = arith.cmpi eq, %select_n3A_224, %eq3A_225 : i32
        %select_n3A_227 = arith.constant 0 : i32
        %select_n3A_228 = arith.select %eq3A_226, %select_n3A_227, %select_n3A_224 : i32
        %add3A_229 = arith.constant 1 : i32
        %add3A_230 = arith.addi %select_n3A_217, %add3A_229 : i32
        %select_n3A_231 = arith.select %eq3A_226, %add3A_230, %select_n3A_217 : i32
        %eq3A_232 = arith.cmpi eq, %select_n3A_231, %select_n3A : i32
        %select_n3A_233 = arith.constant 0 : i32
        %select_n3A_234 = arith.select %eq3A_232, %select_n3A_233, %select_n3A_231 : i32
        %add3A_235 = arith.addi %select_n3A_234, %select_n3A_14 : i32
        %add3A_236 = arith.constant 0 : i32
        %add3A_237 = arith.addi %select_n3A_228, %add3A_236 : i32
        %convert_element_type3A_238 = arith.extui %eq3A_181 : i1 to i32
        %cond3A_239 = arith.constant 0 : i32
        %cond3A_240 = arith.cmpi ne, %convert_element_type3A_238, %cond3A_239 : i32
        scf.if %cond3A_240 {
        } else {
        }
        %convert_element_type3A_241 = arith.extui %eq3A_181 : i1 to i32
        %cond3A_242 = arith.constant 0 : i32
        %cond3A_243 = arith.cmpi ne, %convert_element_type3A_241, %cond3A_242 : i32
        scf.if %cond3A_243 {
        } else {
        }
      } else {
      }
      tpu.yield
    }) : () -> ()
    return
  }
}

#map = affine_map<(d0, d1) -> (0, 0)>
#map1 = affine_map<(d0, d1) -> (0, 0, 0, 0)>
module attributes {stable_mosaic.version = 14 : i64} {
  func.func @gather_kernel(%arg0: i32, %arg1: i32, %arg2: memref<131072x256xf32, #tpu.memory_space<hbm>>, %arg3: memref<144x8x1x128xi32, #tpu.memory_space<hbm>>, %arg4: memref<18432x2048xf32, #tpu.memory_space<hbm>>) attributes {dimension_semantics = [#tpu.dimension_semantics<core_parallel>, #tpu.dimension_semantics<subcore_parallel>], iteration_bounds = array<i64: 2, 16>, scalar_prefetch = 0 : i64, scratch_operands = 0 : i64, tpu.core_type = #tpu.core_type<sc_vector_subcore>, window_params = [{transform_indices = #map}, {transform_indices = #map1}, {transform_indices = #map}]} {
    %mul3A = arith.constant 1 : i32
    %mul3A_0 = arith.muli %arg1, %mul3A : i32
    %add3A = arith.constant 0 : i32
    %add3A_1 = arith.addi %add3A, %mul3A_0 : i32
    %mul3A_2 = arith.constant 16 : i32
    %mul3A_3 = arith.muli %arg0, %mul3A_2 : i32
    %add3A_4 = arith.addi %add3A_1, %mul3A_3 : i32
    %lt3A = arith.constant 16 : i32
    %lt3A_5 = arith.cmpi slt, %add3A_4, %lt3A : i32
    %jit3A = arith.constant 5 : i32
    %jit3A_6 = arith.constant 4 : i32
    %select_n3A = arith.select %lt3A_5, %jit3A, %jit3A_6 : i32
    %lt3A_7 = arith.constant 16 : i32
    %lt3A_8 = arith.cmpi slt, %add3A_4, %lt3A_7 : i32
    %mul3A_9 = arith.muli %add3A_4, %select_n3A : i32
    %mul3A_10 = arith.constant 4 : i32
    %mul3A_11 = arith.muli %add3A_4, %mul3A_10 : i32
    %add3A_12 = arith.constant 16 : i32
    %add3A_13 = arith.addi %mul3A_11, %add3A_12 : i32
    %select_n3A_14 = arith.select %lt3A_8, %mul3A_9, %add3A_13 : i32
    %mul3A_15 = arith.constant 1 : i32
    %mul3A_16 = arith.muli %mul3A_15, %select_n3A : i32
    %mul3A_17 = arith.constant 8 : i32
    %mul3A_18 = arith.muli %mul3A_16, %mul3A_17 : i32
    "tpu.region"() ({
      %run_scoped3A = memref.alloca() : memref<2x1x1x1x128xi32, #tpu.memory_space<vmem>>
      %run_scoped3A_19 = tpu.sem_alloc : memref<2x!tpu.dma_semaphore, #tpu.memory_space<semaphore_mem>>
      %run_scoped3A_20 = memref.alloca() : memref<2x128x256xf32, #tpu.memory_space<vmem>>
      %run_scoped3A_21 = tpu.sem_alloc : memref<2x!tpu.dma_semaphore, #tpu.memory_space<semaphore_mem>>
      %gt3A = arith.constant 0 : i32
      %gt3A_22 = arith.cmpi sgt, %mul3A_18, %gt3A : i32
      %convert_element_type3A = arith.extui %gt3A_22 : i1 to i32
      %cond3A = arith.constant 0 : i32
      %cond3A_23 = arith.cmpi ne, %convert_element_type3A, %cond3A : i32
      scf.if %cond3A_23 {
        %mul3A_24 = arith.constant 1 : i32
        %mul3A_25 = arith.muli %mul3A_24, %select_n3A : i32
        %mul3A_26 = arith.constant 8 : i32
        %mul3A_27 = arith.muli %mul3A_25, %mul3A_26 : i32
        %sub3A = arith.constant 1 : i32
        %sub3A_28 = arith.subi %mul3A_27, %sub3A : i32
        %eq3A = arith.constant 0 : i32
        %eq3A_29 = arith.cmpi eq, %sub3A_28, %eq3A : i32
        %add3A_30 = arith.constant 0 : i32
        %add3A_31 = arith.addi %add3A_30, %select_n3A_14 : i32
        %select_n3A_32 = arith.constant true
        %select_n3A_33 = arith.constant 0 : i32
        %select_n3A_34 = arith.constant -1 : i32
        %select_n3A_35 = arith.select %select_n3A_32, %select_n3A_34, %select_n3A_33 : i32
        %eq3A_36 = arith.constant -1 : i32
        %eq3A_37 = arith.cmpi eq, %select_n3A_35, %eq3A_36 : i32
        %select_n3A_38 = arith.constant 7 : i32
        %select_n3A_39 = arith.select %eq3A_37, %select_n3A_38, %select_n3A_35 : i32
        %select_n3A_40 = arith.constant 0 : i32
        %select_n3A_41 = arith.constant -1 : i32
        %select_n3A_42 = arith.select %eq3A_37, %select_n3A_41, %select_n3A_40 : i32
        %eq3A_43 = arith.constant -1 : i32
        %eq3A_44 = arith.cmpi eq, %select_n3A_42, %eq3A_43 : i32
        %sub3A_45 = arith.constant 1 : i32
        %sub3A_46 = arith.subi %select_n3A, %sub3A_45 : i32
        %select_n3A_47 = arith.select %eq3A_44, %sub3A_46, %select_n3A_42 : i32
        %add3A_48 = arith.addi %select_n3A_47, %select_n3A_14 : i32
        %add3A_49 = arith.constant 0 : i32
        %add3A_50 = arith.addi %select_n3A_39, %add3A_49 : i32
        %select_n3A_51 = arith.constant true
        %select_n3A_52 = arith.constant 0 : i32
        %select_n3A_53 = arith.constant 1 : i32
        %select_n3A_54 = arith.select %select_n3A_51, %select_n3A_53, %select_n3A_52 : i32
        %eq3A_55 = arith.constant 8 : i32
        %eq3A_56 = arith.cmpi eq, %select_n3A_54, %eq3A_55 : i32
        %select_n3A_57 = arith.constant 0 : i32
        %select_n3A_58 = arith.select %eq3A_56, %select_n3A_57, %select_n3A_54 : i32
        %select_n3A_59 = arith.constant 0 : i32
        %select_n3A_60 = arith.constant 1 : i32
        %select_n3A_61 = arith.select %eq3A_56, %select_n3A_60, %select_n3A_59 : i32
        %eq3A_62 = arith.cmpi eq, %select_n3A_61, %select_n3A : i32
        %select_n3A_63 = arith.constant 0 : i32
        %select_n3A_64 = arith.select %eq3A_62, %select_n3A_63, %select_n3A_61 : i32
        %add3A_65 = arith.addi %select_n3A_64, %select_n3A_14 : i32
        %add3A_66 = arith.constant 0 : i32
        %add3A_67 = arith.addi %select_n3A_58, %add3A_66 : i32
        %add3A_68 = arith.constant 1 : i32
        %add3A_69 = arith.addi %select_n3A_58, %add3A_68 : i32
        %select_n3A_70 = arith.constant true
        %select_n3A_71 = arith.select %select_n3A_70, %add3A_69, %select_n3A_58 : i32
        %eq3A_72 = arith.constant 8 : i32
        %eq3A_73 = arith.cmpi eq, %select_n3A_71, %eq3A_72 : i32
        %select_n3A_74 = arith.constant 0 : i32
        %select_n3A_75 = arith.select %eq3A_73, %select_n3A_74, %select_n3A_71 : i32
        %add3A_76 = arith.constant 1 : i32
        %add3A_77 = arith.addi %select_n3A_64, %add3A_76 : i32
        %select_n3A_78 = arith.select %eq3A_73, %add3A_77, %select_n3A_64 : i32
        %eq3A_79 = arith.cmpi eq, %select_n3A_78, %select_n3A : i32
        %select_n3A_80 = arith.constant 0 : i32
        %select_n3A_81 = arith.select %eq3A_79, %select_n3A_80, %select_n3A_78 : i32
        %add3A_82 = arith.addi %select_n3A_81, %select_n3A_14 : i32
        %add3A_83 = arith.constant 0 : i32
        %add3A_84 = arith.addi %select_n3A_75, %add3A_83 : i32
        "tpu.trace_start"() <{level = 10 : i32, message = "ep_initialize_0"}> : () -> ()
        %rem3A = arith.constant 0 : i32
        %rem3A_85 = arith.constant 2 : i32
        %rem3A_86 = arith.remui %rem3A, %rem3A_85 : i32
        %mul3A_87 = arith.constant 1 : i32
        %mul3A_88 = arith.muli %mul3A_87, %add3A_31 : i32
        %dma_start3A = arith.constant 0 : i32
        %dma_start3A_89 = arith.constant 0 : i32
        %dma_start3A_90 = arith.constant 0 : i32
        %dma_start3A_91 = arith.constant 0 : i32
        %dma_start3A_92 = tpu.memref_slice %run_scoped3A[%rem3A_86, %dma_start3A, %dma_start3A_89, %dma_start3A_90, %dma_start3A_91] : memref<2x1x1x1x128xi32, #tpu.memory_space<vmem>> -> memref<1x1x1x1x128xi32, #tpu.memory_space<vmem>>
        %dma_start3A_93 = tpu.memref_squeeze %dma_start3A_92 : memref<1x1x1x1x128xi32, #tpu.memory_space<vmem>> -> memref<1x1x1x128xi32, #tpu.memory_space<vmem>>
        %dma_start3A_94 = arith.constant 0 : i32
        %dma_start3A_95 = arith.constant 0 : i32
        %dma_start3A_96 = arith.constant 0 : i32
        %dma_start3A_97 = tpu.memref_slice %arg3[%mul3A_88, %dma_start3A_94, %dma_start3A_95, %dma_start3A_96] : memref<144x8x1x128xi32, #tpu.memory_space<hbm>> -> memref<1x1x1x128xi32, #tpu.memory_space<hbm>>
        %dma_start3A_98 = tpu.memref_slice %run_scoped3A_19[%rem3A_86] : memref<2x!tpu.dma_semaphore, #tpu.memory_space<semaphore_mem>> -> memref<1x!tpu.dma_semaphore, #tpu.memory_space<semaphore_mem>>
        %dma_start3A_99 = tpu.memref_squeeze %dma_start3A_98 : memref<1x!tpu.dma_semaphore, #tpu.memory_space<semaphore_mem>> -> memref<!tpu.dma_semaphore, #tpu.memory_space<semaphore_mem>>
        %dma_start3A_100 = arith.constant 0 : i32
        %dma_start3A_101 = arith.constant 0 : i32
        %dma_start3A_102 = arith.constant 0 : i32
        %dma_start3A_103 = arith.constant 0 : i32
        %dma_start3A_104 = tpu.memref_slice %run_scoped3A[%rem3A_86, %dma_start3A_100, %dma_start3A_101, %dma_start3A_102, %dma_start3A_103] : memref<2x1x1x1x128xi32, #tpu.memory_space<vmem>> -> memref<1x1x1x1x128xi32, #tpu.memory_space<vmem>>
        %dma_start3A_105 = tpu.memref_squeeze %dma_start3A_104 : memref<1x1x1x1x128xi32, #tpu.memory_space<vmem>> -> memref<1x1x1x128xi32, #tpu.memory_space<vmem>>
        %dma_start3A_106 = arith.constant 0 : i32
        %dma_start3A_107 = arith.constant 0 : i32
        %dma_start3A_108 = arith.constant 0 : i32
        %dma_start3A_109 = tpu.memref_slice %arg3[%mul3A_88, %dma_start3A_106, %dma_start3A_107, %dma_start3A_108] : memref<144x8x1x128xi32, #tpu.memory_space<hbm>> -> memref<1x1x1x128xi32, #tpu.memory_space<hbm>>
        tpu.enqueue_dma source(%dma_start3A_109 : memref<1x1x1x128xi32, #tpu.memory_space<hbm>>) target(%dma_start3A_105 : memref<1x1x1x128xi32, #tpu.memory_space<vmem>>) target_semaphore(%dma_start3A_99 : memref<!tpu.dma_semaphore, #tpu.memory_space<semaphore_mem>>)
        %add3A_110 = arith.constant 0 : i32
        %add3A_111 = arith.constant 1 : i32
        %add3A_112 = arith.addi %add3A_110, %add3A_111 : i32
        %select_n3A_113 = arith.constant true
        %select_n3A_114 = arith.constant 0 : i32
        %select_n3A_115 = arith.select %select_n3A_113, %add3A_112, %select_n3A_114 : i32
        %while3A = arith.constant 0 : i32
        %while3A_116 = arith.constant 0 : i32
        %while3A_117 = arith.constant 0 : i32
        %while3A_118 = arith.constant 0 : i32
        %while3A_119 = arith.constant 0 : i32
        %while3A_120 = arith.constant 0 : i32
        "tpu.trace_stop"() : () -> ()
        %while3A_121 = arith.subi %mul3A_18, %while3A : i32
        %while3A_122 = arith.addi %while3A, %while3A_121 : i32
        %while3A_123 = arith.constant 1 : i32
        %while3A_124 = arith.divsi %while3A_121, %while3A_123 : i32
        %while3A_125 = arith.muli %while3A_124, %while3A_123 : i32
        %while3A_126 = arith.addi %while3A, %while3A_125 : i32
        %while3A_127 = arith.constant 1 : i32
        %while3A_128:6 = scf.for %while3A_220 = %while3A to %while3A_126 step %while3A_127 iter_args(%while3A_221 = %select_n3A_115, %while3A_222 = %while3A_116, %while3A_223 = %while3A_117, %while3A_224 = %while3A_118, %while3A_225 = %while3A_119, %while3A_226 = %while3A_120) -> (i32, i32, i32, i32, i32, i32)  : i32 {
          %mul3A_227 = arith.constant 1 : i32
          %mul3A_228 = arith.muli %mul3A_227, %select_n3A : i32
          %mul3A_229 = arith.constant 8 : i32
          %mul3A_230 = arith.muli %mul3A_228, %mul3A_229 : i32
          %eq3A_231 = arith.constant 0 : i32
          %eq3A_232 = arith.cmpi eq, %while3A_220, %eq3A_231 : i32
          %sub3A_233 = arith.constant 1 : i32
          %sub3A_234 = arith.subi %mul3A_230, %sub3A_233 : i32
          %eq3A_235 = arith.cmpi eq, %while3A_220, %sub3A_234 : i32
          %add3A_236 = arith.addi %while3A_225, %select_n3A_14 : i32
          %add3A_237 = arith.constant 0 : i32
          %add3A_238 = arith.addi %while3A_226, %add3A_237 : i32
          %sub3A_239 = arith.constant 1 : i32
          %sub3A_240 = arith.subi %while3A_226, %sub3A_239 : i32
          %select_n3A_241 = arith.constant true
          %select_n3A_242 = arith.select %select_n3A_241, %sub3A_240, %while3A_226 : i32
          %eq3A_243 = arith.constant -1 : i32
          %eq3A_244 = arith.cmpi eq, %select_n3A_242, %eq3A_243 : i32
          %select_n3A_245 = arith.constant 7 : i32
          %select_n3A_246 = arith.select %eq3A_244, %select_n3A_245, %select_n3A_242 : i32
          %sub3A_247 = arith.constant 1 : i32
          %sub3A_248 = arith.subi %while3A_225, %sub3A_247 : i32
          %select_n3A_249 = arith.select %eq3A_244, %sub3A_248, %while3A_225 : i32
          %eq3A_250 = arith.constant -1 : i32
          %eq3A_251 = arith.cmpi eq, %select_n3A_249, %eq3A_250 : i32
          %sub3A_252 = arith.constant 1 : i32
          %sub3A_253 = arith.subi %select_n3A, %sub3A_252 : i32
          %select_n3A_254 = arith.select %eq3A_251, %sub3A_253, %select_n3A_249 : i32
          %add3A_255 = arith.addi %select_n3A_254, %select_n3A_14 : i32
          %add3A_256 = arith.constant 0 : i32
          %add3A_257 = arith.addi %select_n3A_246, %add3A_256 : i32
          %add3A_258 = arith.constant 1 : i32
          %add3A_259 = arith.addi %while3A_226, %add3A_258 : i32
          %select_n3A_260 = arith.constant true
          %select_n3A_261 = arith.select %select_n3A_260, %add3A_259, %while3A_226 : i32
          %eq3A_262 = arith.constant 8 : i32
          %eq3A_263 = arith.cmpi eq, %select_n3A_261, %eq3A_262 : i32
          %select_n3A_264 = arith.constant 0 : i32
          %select_n3A_265 = arith.select %eq3A_263, %select_n3A_264, %select_n3A_261 : i32
          %add3A_266 = arith.constant 1 : i32
          %add3A_267 = arith.addi %while3A_225, %add3A_266 : i32
          %select_n3A_268 = arith.select %eq3A_263, %add3A_267, %while3A_225 : i32
          %eq3A_269 = arith.cmpi eq, %select_n3A_268, %select_n3A : i32
          %select_n3A_270 = arith.constant 0 : i32
          %select_n3A_271 = arith.select %eq3A_269, %select_n3A_270, %select_n3A_268 : i32
          %add3A_272 = arith.addi %select_n3A_271, %select_n3A_14 : i32
          %add3A_273 = arith.constant 0 : i32
          %add3A_274 = arith.addi %select_n3A_265, %add3A_273 : i32
          %add3A_275 = arith.constant 1 : i32
          %add3A_276 = arith.addi %select_n3A_265, %add3A_275 : i32
          %select_n3A_277 = arith.constant true
          %select_n3A_278 = arith.select %select_n3A_277, %add3A_276, %select_n3A_265 : i32
          %eq3A_279 = arith.constant 8 : i32
          %eq3A_280 = arith.cmpi eq, %select_n3A_278, %eq3A_279 : i32
          %select_n3A_281 = arith.constant 0 : i32
          %select_n3A_282 = arith.select %eq3A_280, %select_n3A_281, %select_n3A_278 : i32
          %add3A_283 = arith.constant 1 : i32
          %add3A_284 = arith.addi %select_n3A_271, %add3A_283 : i32
          %select_n3A_285 = arith.select %eq3A_280, %add3A_284, %select_n3A_271 : i32
          %eq3A_286 = arith.cmpi eq, %select_n3A_285, %select_n3A : i32
          %select_n3A_287 = arith.constant 0 : i32
          %select_n3A_288 = arith.select %eq3A_286, %select_n3A_287, %select_n3A_285 : i32
          %add3A_289 = arith.addi %select_n3A_288, %select_n3A_14 : i32
          %add3A_290 = arith.constant 0 : i32
          %add3A_291 = arith.addi %select_n3A_282, %add3A_290 : i32
          %ne3A = arith.cmpi ne, %add3A_236, %add3A_272 : i32
          %ne3A_292 = arith.cmpi ne, %add3A_238, %add3A_274 : i32
          %or3A = arith.constant false
          %or3A_293 = arith.ori %or3A, %ne3A : i1
          %or3A_294 = arith.ori %or3A_293, %ne3A_292 : i1
          %or3A_295 = arith.constant false
          %or3A_296 = arith.ori %or3A_294, %or3A_295 : i1
          %or3A_297 = arith.constant false
          %or3A_298 = arith.ori %or3A_296, %or3A_297 : i1
          %sub3A_299 = arith.constant 2 : i32
          %sub3A_300 = arith.subi %mul3A_230, %sub3A_299 : i32
          %add3A_301 = arith.constant 1 : i32
          %add3A_302 = arith.addi %sub3A_300, %add3A_301 : i32
          %ge3A = arith.cmpi sge, %while3A_220, %add3A_302 : i32
          %not3A = arith.constant true
          %not3A_303 = arith.xori %ge3A, %not3A : i1
          %and3A = arith.andi %or3A_298, %not3A_303 : i1
          %convert_element_type3A_304 = arith.extui %and3A : i1 to i32
          %cond3A_305 = arith.constant 0 : i32
          %cond3A_306 = arith.cmpi ne, %convert_element_type3A_304, %cond3A_305 : i32
          scf.if %cond3A_306 {
            "tpu.trace_start"() <{level = 10 : i32, message = "ep_copy_in"}> : () -> ()
            %rem3A_443 = arith.constant 2 : i32
            %rem3A_444 = arith.remui %while3A_221, %rem3A_443 : i32
            %mul3A_445 = arith.constant 1 : i32
            %mul3A_446 = arith.muli %mul3A_445, %add3A_272 : i32
            %mul3A_447 = arith.constant 1 : i32
            %mul3A_448 = arith.muli %mul3A_447, %add3A_274 : i32
            %dma_start3A_449 = arith.constant 0 : i32
            %dma_start3A_450 = arith.constant 0 : i32
            %dma_start3A_451 = arith.constant 0 : i32
            %dma_start3A_452 = arith.constant 0 : i32
            %dma_start3A_453 = tpu.memref_slice %run_scoped3A[%rem3A_444, %dma_start3A_449, %dma_start3A_450, %dma_start3A_451, %dma_start3A_452] : memref<2x1x1x1x128xi32, #tpu.memory_space<vmem>> -> memref<1x1x1x1x128xi32, #tpu.memory_space<vmem>>
            %dma_start3A_454 = tpu.memref_squeeze %dma_start3A_453 : memref<1x1x1x1x128xi32, #tpu.memory_space<vmem>> -> memref<1x1x1x128xi32, #tpu.memory_space<vmem>>
            %dma_start3A_455 = arith.constant 0 : i32
            %dma_start3A_456 = arith.constant 0 : i32
            %dma_start3A_457 = tpu.memref_slice %arg3[%mul3A_446, %mul3A_448, %dma_start3A_455, %dma_start3A_456] : memref<144x8x1x128xi32, #tpu.memory_space<hbm>> -> memref<1x1x1x128xi32, #tpu.memory_space<hbm>>
            %dma_start3A_458 = tpu.memref_slice %run_scoped3A_19[%rem3A_444] : memref<2x!tpu.dma_semaphore, #tpu.memory_space<semaphore_mem>> -> memref<1x!tpu.dma_semaphore, #tpu.memory_space<semaphore_mem>>
            %dma_start3A_459 = tpu.memref_squeeze %dma_start3A_458 : memref<1x!tpu.dma_semaphore, #tpu.memory_space<semaphore_mem>> -> memref<!tpu.dma_semaphore, #tpu.memory_space<semaphore_mem>>
            %dma_start3A_460 = arith.constant 0 : i32
            %dma_start3A_461 = arith.constant 0 : i32
            %dma_start3A_462 = arith.constant 0 : i32
            %dma_start3A_463 = arith.constant 0 : i32
            %dma_start3A_464 = tpu.memref_slice %run_scoped3A[%rem3A_444, %dma_start3A_460, %dma_start3A_461, %dma_start3A_462, %dma_start3A_463] : memref<2x1x1x1x128xi32, #tpu.memory_space<vmem>> -> memref<1x1x1x1x128xi32, #tpu.memory_space<vmem>>
            %dma_start3A_465 = tpu.memref_squeeze %dma_start3A_464 : memref<1x1x1x1x128xi32, #tpu.memory_space<vmem>> -> memref<1x1x1x128xi32, #tpu.memory_space<vmem>>
            %dma_start3A_466 = arith.constant 0 : i32
            %dma_start3A_467 = arith.constant 0 : i32
            %dma_start3A_468 = tpu.memref_slice %arg3[%mul3A_446, %mul3A_448, %dma_start3A_466, %dma_start3A_467] : memref<144x8x1x128xi32, #tpu.memory_space<hbm>> -> memref<1x1x1x128xi32, #tpu.memory_space<hbm>>
            tpu.enqueue_dma source(%dma_start3A_468 : memref<1x1x1x128xi32, #tpu.memory_space<hbm>>) target(%dma_start3A_465 : memref<1x1x1x128xi32, #tpu.memory_space<vmem>>) target_semaphore(%dma_start3A_459 : memref<!tpu.dma_semaphore, #tpu.memory_space<semaphore_mem>>)
            "tpu.trace_stop"() : () -> ()
          } else {
          }
          %and3A_307 = arith.constant true
          %and3A_308 = arith.andi %and3A, %and3A_307 : i1
          %add3A_309 = arith.constant 1 : i32
          %add3A_310 = arith.addi %while3A_221, %add3A_309 : i32
          %select_n3A_311 = arith.select %and3A_308, %add3A_310, %while3A_221 : i32
          %ne3A_312 = arith.cmpi ne, %add3A_236, %add3A_272 : i32
          %ne3A_313 = arith.cmpi ne, %add3A_238, %add3A_274 : i32
          %or3A_314 = arith.constant false
          %or3A_315 = arith.ori %or3A_314, %ne3A_312 : i1
          %or3A_316 = arith.ori %or3A_315, %ne3A_313 : i1
          %sub3A_317 = arith.constant 2 : i32
          %sub3A_318 = arith.subi %mul3A_230, %sub3A_317 : i32
          %add3A_319 = arith.constant 1 : i32
          %add3A_320 = arith.addi %sub3A_318, %add3A_319 : i32
          %ge3A_321 = arith.cmpi sge, %while3A_220, %add3A_320 : i32
          %not3A_322 = arith.constant true
          %not3A_323 = arith.xori %ge3A_321, %not3A_322 : i1
          %and3A_324 = arith.andi %or3A_316, %not3A_323 : i1
          %ne3A_325 = arith.cmpi ne, %add3A_236, %add3A_255 : i32
          %ne3A_326 = arith.cmpi ne, %add3A_238, %add3A_257 : i32
          %or3A_327 = arith.constant false
          %or3A_328 = arith.ori %or3A_327, %ne3A_325 : i1
          %or3A_329 = arith.ori %or3A_328, %ne3A_326 : i1
          %or3A_330 = arith.constant false
          %or3A_331 = arith.ori %or3A_329, %or3A_330 : i1
          %or3A_332 = arith.constant false
          %or3A_333 = arith.ori %or3A_331, %or3A_332 : i1
          %or3A_334 = arith.ori %or3A_333, %eq3A_232 : i1
          %convert_element_type3A_335 = arith.extui %or3A_334 : i1 to i32
          %cond3A_336 = arith.constant 0 : i32
          %cond3A_337 = arith.cmpi ne, %convert_element_type3A_335, %cond3A_336 : i32
          scf.if %cond3A_337 {
            "tpu.trace_start"() <{level = 10 : i32, message = "ep_wait_in"}> : () -> ()
            %mul3A_443 = arith.constant 1 : i32
            %mul3A_444 = arith.muli %mul3A_443, %add3A_236 : i32
            %mul3A_445 = arith.constant 1 : i32
            %mul3A_446 = arith.muli %mul3A_445, %add3A_238 : i32
            %rem3A_447 = arith.constant 2 : i32
            %rem3A_448 = arith.remui %while3A_222, %rem3A_447 : i32
            %dma_wait3A = arith.constant 0 : i32
            %dma_wait3A_449 = arith.constant 0 : i32
            %dma_wait3A_450 = arith.constant 0 : i32
            %dma_wait3A_451 = arith.constant 0 : i32
            %dma_wait3A_452 = tpu.memref_slice %run_scoped3A[%rem3A_448, %dma_wait3A, %dma_wait3A_449, %dma_wait3A_450, %dma_wait3A_451] : memref<2x1x1x1x128xi32, #tpu.memory_space<vmem>> -> memref<1x1x1x1x128xi32, #tpu.memory_space<vmem>>
            %dma_wait3A_453 = tpu.memref_squeeze %dma_wait3A_452 : memref<1x1x1x1x128xi32, #tpu.memory_space<vmem>> -> memref<1x1x1x128xi32, #tpu.memory_space<vmem>>
            %dma_wait3A_454 = arith.constant 0 : i32
            %dma_wait3A_455 = arith.constant 0 : i32
            %dma_wait3A_456 = tpu.memref_slice %arg3[%mul3A_444, %mul3A_446, %dma_wait3A_454, %dma_wait3A_455] : memref<144x8x1x128xi32, #tpu.memory_space<hbm>> -> memref<1x1x1x128xi32, #tpu.memory_space<hbm>>
            %dma_wait3A_457 = tpu.memref_slice %run_scoped3A_19[%rem3A_448] : memref<2x!tpu.dma_semaphore, #tpu.memory_space<semaphore_mem>> -> memref<1x!tpu.dma_semaphore, #tpu.memory_space<semaphore_mem>>
            %dma_wait3A_458 = tpu.memref_squeeze %dma_wait3A_457 : memref<1x!tpu.dma_semaphore, #tpu.memory_space<semaphore_mem>> -> memref<!tpu.dma_semaphore, #tpu.memory_space<semaphore_mem>>
            %dma_wait3A_459 = arith.constant 0 : i32
            %dma_wait3A_460 = arith.constant 0 : i32
            %dma_wait3A_461 = arith.constant 0 : i32
            %dma_wait3A_462 = arith.constant 0 : i32
            %dma_wait3A_463 = tpu.memref_slice %run_scoped3A[%rem3A_448, %dma_wait3A_459, %dma_wait3A_460, %dma_wait3A_461, %dma_wait3A_462] : memref<2x1x1x1x128xi32, #tpu.memory_space<vmem>> -> memref<1x1x1x1x128xi32, #tpu.memory_space<vmem>>
            %dma_wait3A_464 = tpu.memref_squeeze %dma_wait3A_463 : memref<1x1x1x1x128xi32, #tpu.memory_space<vmem>> -> memref<1x1x1x128xi32, #tpu.memory_space<vmem>>
            %dma_wait3A_465 = arith.constant 0 : i32
            %dma_wait3A_466 = arith.constant 0 : i32
            %dma_wait3A_467 = tpu.memref_slice %arg3[%mul3A_444, %mul3A_446, %dma_wait3A_465, %dma_wait3A_466] : memref<144x8x1x128xi32, #tpu.memory_space<hbm>> -> memref<1x1x1x128xi32, #tpu.memory_space<hbm>>
            tpu.wait_dma2 semaphore(%dma_wait3A_458 : memref<!tpu.dma_semaphore, #tpu.memory_space<semaphore_mem>>) src(%dma_wait3A_467 : memref<1x1x1x128xi32, #tpu.memory_space<hbm>>) dst(%dma_wait3A_464 : memref<1x1x1x128xi32, #tpu.memory_space<vmem>>)
            "tpu.trace_stop"() : () -> ()
          } else {
          }
          %ne3A_338 = arith.cmpi ne, %add3A_236, %add3A_255 : i32
          %ne3A_339 = arith.cmpi ne, %add3A_238, %add3A_257 : i32
          %or3A_340 = arith.constant false
          %or3A_341 = arith.ori %or3A_340, %ne3A_338 : i1
          %or3A_342 = arith.ori %or3A_341, %ne3A_339 : i1
          %or3A_343 = arith.ori %or3A_342, %eq3A_232 : i1
          %convert_element_type3A_344 = arith.extui %or3A_343 : i1 to i32
          %cond3A_345 = arith.constant 0 : i32
          %cond3A_346 = arith.cmpi ne, %convert_element_type3A_344, %cond3A_345 : i32
          scf.if %cond3A_346 {
          } else {
          }
          %rem3A_347 = arith.constant 2 : i32
          %rem3A_348 = arith.remui %while3A_222, %rem3A_347 : i32
          %rem3A_349 = arith.constant 2 : i32
          %rem3A_350 = arith.remui %while3A_223, %rem3A_349 : i32
          %run_scoped3A_351 = arith.constant 0 : i32
          %run_scoped3A_352 = arith.constant 0 : i32
          %run_scoped3A_353 = arith.constant 0 : i32
          "tpu.trace_start"() <{level = 10 : i32, message = "ep_run_kernel"}> : () -> ()
          "tpu.region"() ({
            %run_scoped3A_443 = tpu.sem_alloc : memref<!tpu.dma_semaphore, #tpu.memory_space<semaphore_mem>>
            %dma_start3A_444 = arith.constant 0 : i32
            %dma_start3A_445 = arith.constant 0 : i32
            %dma_start3A_446 = tpu.memref_slice %run_scoped3A_20[%rem3A_350, %dma_start3A_444, %dma_start3A_445] : memref<2x128x256xf32, #tpu.memory_space<vmem>> -> memref<1x128x256xf32, #tpu.memory_space<vmem>>
            %dma_start3A_447 = tpu.memref_squeeze %dma_start3A_446 : memref<1x128x256xf32, #tpu.memory_space<vmem>> -> memref<128x256xf32, #tpu.memory_space<vmem>>
            %dma_start3A_448 = arith.constant 0 : i32
            %dma_start3A_449 = arith.constant 0 : i32
            %dma_start3A_450 = arith.constant 0 : i32
            %dma_start3A_451 = arith.constant 0 : i32
            %dma_start3A_452 = tpu.memref_slice %run_scoped3A[%rem3A_348, %dma_start3A_448, %dma_start3A_449, %dma_start3A_450, %dma_start3A_451] : memref<2x1x1x1x128xi32, #tpu.memory_space<vmem>> -> memref<1x1x1x1x128xi32, #tpu.memory_space<vmem>>
            %dma_start3A_453 = tpu.memref_squeeze %dma_start3A_452 : memref<1x1x1x1x128xi32, #tpu.memory_space<vmem>> -> memref<1x1x1x128xi32, #tpu.memory_space<vmem>>
            %dma_start3A_454 = arith.constant 0 : i32
            %dma_start3A_455 = tpu.memref_slice %dma_start3A_453[%run_scoped3A_351, %run_scoped3A_352, %run_scoped3A_353, %dma_start3A_454] : memref<1x1x1x128xi32, #tpu.memory_space<vmem>> -> memref<1x1x1x128xi32, #tpu.memory_space<vmem>>
            %dma_start3A_456 = tpu.memref_squeeze %dma_start3A_455 : memref<1x1x1x128xi32, #tpu.memory_space<vmem>> -> memref<128xi32, #tpu.memory_space<vmem>>
            %dma_start3A_457 = arith.constant 0 : i32
            %dma_start3A_458 = arith.constant 0 : i32
            %dma_start3A_459 = tpu.memref_slice %arg2[%dma_start3A_457, %dma_start3A_458] : memref<131072x256xf32, #tpu.memory_space<hbm>> -> memref<131072x256xf32, #tpu.memory_space<hbm>>
            tpu.enqueue_indirect_dma source(%dma_start3A_459 : memref<131072x256xf32, #tpu.memory_space<hbm>>) target(%dma_start3A_447 : memref<128x256xf32, #tpu.memory_space<vmem>>) offsets(%dma_start3A_456 : memref<128xi32, #tpu.memory_space<vmem>>) semaphore(%run_scoped3A_443 : memref<!tpu.dma_semaphore, #tpu.memory_space<semaphore_mem>>)
            %dma_wait3A = arith.constant 0 : i32
            %dma_wait3A_460 = arith.constant 0 : i32
            %dma_wait3A_461 = tpu.memref_slice %run_scoped3A_20[%rem3A_350, %dma_wait3A, %dma_wait3A_460] : memref<2x128x256xf32, #tpu.memory_space<vmem>> -> memref<1x128x256xf32, #tpu.memory_space<vmem>>
            %dma_wait3A_462 = tpu.memref_squeeze %dma_wait3A_461 : memref<1x128x256xf32, #tpu.memory_space<vmem>> -> memref<128x256xf32, #tpu.memory_space<vmem>>
            %dma_wait3A_463 = arith.constant 0 : i32
            %dma_wait3A_464 = arith.constant 0 : i32
            %dma_wait3A_465 = arith.constant 0 : i32
            %dma_wait3A_466 = arith.constant 0 : i32
            %dma_wait3A_467 = tpu.memref_slice %run_scoped3A[%rem3A_348, %dma_wait3A_463, %dma_wait3A_464, %dma_wait3A_465, %dma_wait3A_466] : memref<2x1x1x1x128xi32, #tpu.memory_space<vmem>> -> memref<1x1x1x1x128xi32, #tpu.memory_space<vmem>>
            %dma_wait3A_468 = tpu.memref_squeeze %dma_wait3A_467 : memref<1x1x1x1x128xi32, #tpu.memory_space<vmem>> -> memref<1x1x1x128xi32, #tpu.memory_space<vmem>>
            %dma_wait3A_469 = arith.constant 0 : i32
            %dma_wait3A_470 = tpu.memref_slice %dma_wait3A_468[%run_scoped3A_351, %run_scoped3A_352, %run_scoped3A_353, %dma_wait3A_469] : memref<1x1x1x128xi32, #tpu.memory_space<vmem>> -> memref<1x1x1x128xi32, #tpu.memory_space<vmem>>
            %dma_wait3A_471 = tpu.memref_squeeze %dma_wait3A_470 : memref<1x1x1x128xi32, #tpu.memory_space<vmem>> -> memref<128xi32, #tpu.memory_space<vmem>>
            %dma_wait3A_472 = arith.constant 0 : i32
            %dma_wait3A_473 = arith.constant 0 : i32
            %dma_wait3A_474 = tpu.memref_slice %arg2[%dma_wait3A_472, %dma_wait3A_473] : memref<131072x256xf32, #tpu.memory_space<hbm>> -> memref<131072x256xf32, #tpu.memory_space<hbm>>
            tpu.wait_indirect_dma semaphore(%run_scoped3A_443 : memref<!tpu.dma_semaphore, #tpu.memory_space<semaphore_mem>>) src(%dma_wait3A_474 : memref<131072x256xf32, #tpu.memory_space<hbm>>) dst(%dma_wait3A_462 : memref<128x256xf32, #tpu.memory_space<vmem>>)
            tpu.yield
          }) : () -> ()
          "tpu.trace_stop"() : () -> ()
          %ne3A_354 = arith.cmpi ne, %add3A_236, %add3A_272 : i32
          %ne3A_355 = arith.cmpi ne, %add3A_238, %add3A_274 : i32
          %or3A_356 = arith.constant false
          %or3A_357 = arith.ori %or3A_356, %ne3A_354 : i1
          %or3A_358 = arith.ori %or3A_357, %ne3A_355 : i1
          %or3A_359 = arith.constant false
          %or3A_360 = arith.ori %or3A_358, %or3A_359 : i1
          %or3A_361 = arith.constant false
          %or3A_362 = arith.ori %or3A_360, %or3A_361 : i1
          %or3A_363 = arith.ori %or3A_362, %eq3A_235 : i1
          %convert_element_type3A_364 = arith.extui %or3A_363 : i1 to i32
          %cond3A_365 = arith.constant 0 : i32
          %cond3A_366 = arith.cmpi ne, %convert_element_type3A_364, %cond3A_365 : i32
          scf.if %cond3A_366 {
          } else {
          }
          %and3A_367 = arith.constant false
          %and3A_368 = arith.andi %or3A_363, %and3A_367 : i1
          %ne3A_369 = arith.cmpi ne, %add3A_236, %add3A_272 : i32
          %ne3A_370 = arith.cmpi ne, %add3A_238, %add3A_274 : i32
          %or3A_371 = arith.constant false
          %or3A_372 = arith.ori %or3A_371, %ne3A_369 : i1
          %or3A_373 = arith.ori %or3A_372, %ne3A_370 : i1
          %or3A_374 = arith.ori %or3A_373, %eq3A_235 : i1
          %convert_element_type3A_375 = arith.extui %or3A_374 : i1 to i32
          %cond3A_376 = arith.constant 0 : i32
          %cond3A_377 = arith.cmpi ne, %convert_element_type3A_375, %cond3A_376 : i32
          scf.if %cond3A_377 {
            "tpu.trace_start"() <{level = 10 : i32, message = "ep_copy_out"}> : () -> ()
            %rem3A_443 = arith.constant 2 : i32
            %rem3A_444 = arith.remui %while3A_223, %rem3A_443 : i32
            %mul3A_445 = arith.constant 128 : i32
            %mul3A_446 = arith.muli %mul3A_445, %add3A_236 : i32
            %mul3A_447 = arith.constant 256 : i32
            %mul3A_448 = arith.muli %mul3A_447, %add3A_238 : i32
            %dma_start3A_449 = arith.constant 0 : i32
            %dma_start3A_450 = arith.constant 0 : i32
            %dma_start3A_451 = tpu.memref_slice %run_scoped3A_20[%rem3A_444, %dma_start3A_449, %dma_start3A_450] : memref<2x128x256xf32, #tpu.memory_space<vmem>> -> memref<1x128x256xf32, #tpu.memory_space<vmem>>
            %dma_start3A_452 = tpu.memref_squeeze %dma_start3A_451 : memref<1x128x256xf32, #tpu.memory_space<vmem>> -> memref<128x256xf32, #tpu.memory_space<vmem>>
            %dma_start3A_453 = tpu.memref_slice %arg4[%mul3A_446, %mul3A_448] : memref<18432x2048xf32, #tpu.memory_space<hbm>> -> memref<128x256xf32, #tpu.memory_space<hbm>>
            %dma_start3A_454 = tpu.memref_slice %run_scoped3A_21[%rem3A_444] : memref<2x!tpu.dma_semaphore, #tpu.memory_space<semaphore_mem>> -> memref<1x!tpu.dma_semaphore, #tpu.memory_space<semaphore_mem>>
            %dma_start3A_455 = tpu.memref_squeeze %dma_start3A_454 : memref<1x!tpu.dma_semaphore, #tpu.memory_space<semaphore_mem>> -> memref<!tpu.dma_semaphore, #tpu.memory_space<semaphore_mem>>
            %dma_start3A_456 = tpu.memref_slice %arg4[%mul3A_446, %mul3A_448] : memref<18432x2048xf32, #tpu.memory_space<hbm>> -> memref<128x256xf32, #tpu.memory_space<hbm>>
            %dma_start3A_457 = arith.constant 0 : i32
            %dma_start3A_458 = arith.constant 0 : i32
            %dma_start3A_459 = tpu.memref_slice %run_scoped3A_20[%rem3A_444, %dma_start3A_457, %dma_start3A_458] : memref<2x128x256xf32, #tpu.memory_space<vmem>> -> memref<1x128x256xf32, #tpu.memory_space<vmem>>
            %dma_start3A_460 = tpu.memref_squeeze %dma_start3A_459 : memref<1x128x256xf32, #tpu.memory_space<vmem>> -> memref<128x256xf32, #tpu.memory_space<vmem>>
            tpu.enqueue_dma source(%dma_start3A_460 : memref<128x256xf32, #tpu.memory_space<vmem>>) target(%dma_start3A_456 : memref<128x256xf32, #tpu.memory_space<hbm>>) target_semaphore(%dma_start3A_455 : memref<!tpu.dma_semaphore, #tpu.memory_space<semaphore_mem>>)
            "tpu.trace_stop"() : () -> ()
          } else {
          }
          %and3A_378 = arith.constant true
          %and3A_379 = arith.andi %or3A_374, %and3A_378 : i1
          %add3A_380 = arith.constant 1 : i32
          %add3A_381 = arith.addi %while3A_223, %add3A_380 : i32
          %select_n3A_382 = arith.select %and3A_379, %add3A_381, %while3A_223 : i32
          %ne3A_383 = arith.cmpi ne, %add3A_236, %add3A_255 : i32
          %ne3A_384 = arith.cmpi ne, %add3A_238, %add3A_257 : i32
          %or3A_385 = arith.constant false
          %or3A_386 = arith.ori %or3A_385, %ne3A_383 : i1
          %or3A_387 = arith.ori %or3A_386, %ne3A_384 : i1
          %or3A_388 = arith.constant false
          %or3A_389 = arith.ori %or3A_387, %or3A_388 : i1
          %or3A_390 = arith.constant false
          %or3A_391 = arith.ori %or3A_389, %or3A_390 : i1
          %not3A_392 = arith.constant true
          %not3A_393 = arith.xori %eq3A_232, %not3A_392 : i1
          %and3A_394 = arith.andi %or3A_391, %not3A_393 : i1
          %convert_element_type3A_395 = arith.extui %and3A_394 : i1 to i32
          %cond3A_396 = arith.constant 0 : i32
          %cond3A_397 = arith.cmpi ne, %convert_element_type3A_395, %cond3A_396 : i32
          scf.if %cond3A_397 {
          } else {
          }
          %and3A_398 = arith.constant false
          %and3A_399 = arith.andi %and3A_394, %and3A_398 : i1
          %ne3A_400 = arith.cmpi ne, %add3A_236, %add3A_255 : i32
          %ne3A_401 = arith.cmpi ne, %add3A_238, %add3A_257 : i32
          %or3A_402 = arith.constant false
          %or3A_403 = arith.ori %or3A_402, %ne3A_400 : i1
          %or3A_404 = arith.ori %or3A_403, %ne3A_401 : i1
          %not3A_405 = arith.constant true
          %not3A_406 = arith.xori %eq3A_232, %not3A_405 : i1
          %and3A_407 = arith.andi %or3A_404, %not3A_406 : i1
          %convert_element_type3A_408 = arith.extui %and3A_407 : i1 to i32
          %cond3A_409 = arith.constant 0 : i32
          %cond3A_410 = arith.cmpi ne, %convert_element_type3A_408, %cond3A_409 : i32
          scf.if %cond3A_410 {
            "tpu.trace_start"() <{level = 10 : i32, message = "ep_wait_out"}> : () -> ()
            %rem3A_443 = arith.constant 2 : i32
            %rem3A_444 = arith.remui %while3A_224, %rem3A_443 : i32
            %mul3A_445 = arith.constant 128 : i32
            %mul3A_446 = arith.muli %mul3A_445, %add3A_255 : i32
            %mul3A_447 = arith.constant 256 : i32
            %mul3A_448 = arith.muli %mul3A_447, %add3A_257 : i32
            %dma_wait3A = arith.constant 0 : i32
            %dma_wait3A_449 = arith.constant 0 : i32
            %dma_wait3A_450 = tpu.memref_slice %run_scoped3A_20[%rem3A_444, %dma_wait3A, %dma_wait3A_449] : memref<2x128x256xf32, #tpu.memory_space<vmem>> -> memref<1x128x256xf32, #tpu.memory_space<vmem>>
            %dma_wait3A_451 = tpu.memref_squeeze %dma_wait3A_450 : memref<1x128x256xf32, #tpu.memory_space<vmem>> -> memref<128x256xf32, #tpu.memory_space<vmem>>
            %dma_wait3A_452 = tpu.memref_slice %arg4[%mul3A_446, %mul3A_448] : memref<18432x2048xf32, #tpu.memory_space<hbm>> -> memref<128x256xf32, #tpu.memory_space<hbm>>
            %dma_wait3A_453 = tpu.memref_slice %run_scoped3A_21[%rem3A_444] : memref<2x!tpu.dma_semaphore, #tpu.memory_space<semaphore_mem>> -> memref<1x!tpu.dma_semaphore, #tpu.memory_space<semaphore_mem>>
            %dma_wait3A_454 = tpu.memref_squeeze %dma_wait3A_453 : memref<1x!tpu.dma_semaphore, #tpu.memory_space<semaphore_mem>> -> memref<!tpu.dma_semaphore, #tpu.memory_space<semaphore_mem>>
            %dma_wait3A_455 = tpu.memref_slice %arg4[%mul3A_446, %mul3A_448] : memref<18432x2048xf32, #tpu.memory_space<hbm>> -> memref<128x256xf32, #tpu.memory_space<hbm>>
            %dma_wait3A_456 = arith.constant 0 : i32
            %dma_wait3A_457 = arith.constant 0 : i32
            %dma_wait3A_458 = tpu.memref_slice %run_scoped3A_20[%rem3A_444, %dma_wait3A_456, %dma_wait3A_457] : memref<2x128x256xf32, #tpu.memory_space<vmem>> -> memref<1x128x256xf32, #tpu.memory_space<vmem>>
            %dma_wait3A_459 = tpu.memref_squeeze %dma_wait3A_458 : memref<1x128x256xf32, #tpu.memory_space<vmem>> -> memref<128x256xf32, #tpu.memory_space<vmem>>
            tpu.wait_dma2 semaphore(%dma_wait3A_454 : memref<!tpu.dma_semaphore, #tpu.memory_space<semaphore_mem>>) src(%dma_wait3A_459 : memref<128x256xf32, #tpu.memory_space<vmem>>) dst(%dma_wait3A_455 : memref<128x256xf32, #tpu.memory_space<hbm>>)
            "tpu.trace_stop"() : () -> ()
          } else {
          }
          %and3A_411 = arith.constant true
          %and3A_412 = arith.andi %and3A_407, %and3A_411 : i1
          %add3A_413 = arith.constant 1 : i32
          %add3A_414 = arith.addi %while3A_224, %add3A_413 : i32
          %select_n3A_415 = arith.select %and3A_412, %add3A_414, %while3A_224 : i32
          %ne3A_416 = arith.cmpi ne, %add3A_236, %add3A_272 : i32
          %ne3A_417 = arith.cmpi ne, %add3A_238, %add3A_274 : i32
          %or3A_418 = arith.constant false
          %or3A_419 = arith.ori %or3A_418, %ne3A_416 : i1
          %or3A_420 = arith.ori %or3A_419, %ne3A_417 : i1
          %or3A_421 = arith.constant false
          %or3A_422 = arith.ori %or3A_420, %or3A_421 : i1
          %or3A_423 = arith.constant false
          %or3A_424 = arith.ori %or3A_422, %or3A_423 : i1
          %or3A_425 = arith.ori %or3A_424, %eq3A_235 : i1
          %add3A_426 = arith.constant 1 : i32
          %add3A_427 = arith.addi %while3A_222, %add3A_426 : i32
          %select_n3A_428 = arith.select %or3A_425, %add3A_427, %while3A_222 : i32
          %add3A_429 = arith.constant 1 : i32
          %add3A_430 = arith.addi %while3A_226, %add3A_429 : i32
          %select_n3A_431 = arith.constant true
          %select_n3A_432 = arith.select %select_n3A_431, %add3A_430, %while3A_226 : i32
          %eq3A_433 = arith.constant 8 : i32
          %eq3A_434 = arith.cmpi eq, %select_n3A_432, %eq3A_433 : i32
          %select_n3A_435 = arith.constant 0 : i32
          %select_n3A_436 = arith.select %eq3A_434, %select_n3A_435, %select_n3A_432 : i32
          %add3A_437 = arith.constant 1 : i32
          %add3A_438 = arith.addi %while3A_225, %add3A_437 : i32
          %select_n3A_439 = arith.select %eq3A_434, %add3A_438, %while3A_225 : i32
          %eq3A_440 = arith.cmpi eq, %select_n3A_439, %select_n3A : i32
          %select_n3A_441 = arith.constant 0 : i32
          %select_n3A_442 = arith.select %eq3A_440, %select_n3A_441, %select_n3A_439 : i32
          scf.yield %select_n3A_311, %select_n3A_428, %select_n3A_382, %select_n3A_415, %select_n3A_442, %select_n3A_436 : i32, i32, i32, i32, i32, i32
        }
        %while3A_129 = arith.constant 1 : i32
        %while3A_130:6 = scf.for %while3A_220 = %while3A_126 to %while3A_122 step %while3A_129 iter_args(%while3A_221 = %while3A_128#0, %while3A_222 = %while3A_128#1, %while3A_223 = %while3A_128#2, %while3A_224 = %while3A_128#3, %while3A_225 = %while3A_128#4, %while3A_226 = %while3A_128#5) -> (i32, i32, i32, i32, i32, i32)  : i32 {
          %mul3A_227 = arith.constant 1 : i32
          %mul3A_228 = arith.muli %mul3A_227, %select_n3A : i32
          %mul3A_229 = arith.constant 8 : i32
          %mul3A_230 = arith.muli %mul3A_228, %mul3A_229 : i32
          %eq3A_231 = arith.constant 0 : i32
          %eq3A_232 = arith.cmpi eq, %while3A_220, %eq3A_231 : i32
          %sub3A_233 = arith.constant 1 : i32
          %sub3A_234 = arith.subi %mul3A_230, %sub3A_233 : i32
          %eq3A_235 = arith.cmpi eq, %while3A_220, %sub3A_234 : i32
          %add3A_236 = arith.addi %while3A_225, %select_n3A_14 : i32
          %add3A_237 = arith.constant 0 : i32
          %add3A_238 = arith.addi %while3A_226, %add3A_237 : i32
          %sub3A_239 = arith.constant 1 : i32
          %sub3A_240 = arith.subi %while3A_226, %sub3A_239 : i32
          %select_n3A_241 = arith.constant true
          %select_n3A_242 = arith.select %select_n3A_241, %sub3A_240, %while3A_226 : i32
          %eq3A_243 = arith.constant -1 : i32
          %eq3A_244 = arith.cmpi eq, %select_n3A_242, %eq3A_243 : i32
          %select_n3A_245 = arith.constant 7 : i32
          %select_n3A_246 = arith.select %eq3A_244, %select_n3A_245, %select_n3A_242 : i32
          %sub3A_247 = arith.constant 1 : i32
          %sub3A_248 = arith.subi %while3A_225, %sub3A_247 : i32
          %select_n3A_249 = arith.select %eq3A_244, %sub3A_248, %while3A_225 : i32
          %eq3A_250 = arith.constant -1 : i32
          %eq3A_251 = arith.cmpi eq, %select_n3A_249, %eq3A_250 : i32
          %sub3A_252 = arith.constant 1 : i32
          %sub3A_253 = arith.subi %select_n3A, %sub3A_252 : i32
          %select_n3A_254 = arith.select %eq3A_251, %sub3A_253, %select_n3A_249 : i32
          %add3A_255 = arith.addi %select_n3A_254, %select_n3A_14 : i32
          %add3A_256 = arith.constant 0 : i32
          %add3A_257 = arith.addi %select_n3A_246, %add3A_256 : i32
          %add3A_258 = arith.constant 1 : i32
          %add3A_259 = arith.addi %while3A_226, %add3A_258 : i32
          %select_n3A_260 = arith.constant true
          %select_n3A_261 = arith.select %select_n3A_260, %add3A_259, %while3A_226 : i32
          %eq3A_262 = arith.constant 8 : i32
          %eq3A_263 = arith.cmpi eq, %select_n3A_261, %eq3A_262 : i32
          %select_n3A_264 = arith.constant 0 : i32
          %select_n3A_265 = arith.select %eq3A_263, %select_n3A_264, %select_n3A_261 : i32
          %add3A_266 = arith.constant 1 : i32
          %add3A_267 = arith.addi %while3A_225, %add3A_266 : i32
          %select_n3A_268 = arith.select %eq3A_263, %add3A_267, %while3A_225 : i32
          %eq3A_269 = arith.cmpi eq, %select_n3A_268, %select_n3A : i32
          %select_n3A_270 = arith.constant 0 : i32
          %select_n3A_271 = arith.select %eq3A_269, %select_n3A_270, %select_n3A_268 : i32
          %add3A_272 = arith.addi %select_n3A_271, %select_n3A_14 : i32
          %add3A_273 = arith.constant 0 : i32
          %add3A_274 = arith.addi %select_n3A_265, %add3A_273 : i32
          %add3A_275 = arith.constant 1 : i32
          %add3A_276 = arith.addi %select_n3A_265, %add3A_275 : i32
          %select_n3A_277 = arith.constant true
          %select_n3A_278 = arith.select %select_n3A_277, %add3A_276, %select_n3A_265 : i32
          %eq3A_279 = arith.constant 8 : i32
          %eq3A_280 = arith.cmpi eq, %select_n3A_278, %eq3A_279 : i32
          %select_n3A_281 = arith.constant 0 : i32
          %select_n3A_282 = arith.select %eq3A_280, %select_n3A_281, %select_n3A_278 : i32
          %add3A_283 = arith.constant 1 : i32
          %add3A_284 = arith.addi %select_n3A_271, %add3A_283 : i32
          %select_n3A_285 = arith.select %eq3A_280, %add3A_284, %select_n3A_271 : i32
          %eq3A_286 = arith.cmpi eq, %select_n3A_285, %select_n3A : i32
          %select_n3A_287 = arith.constant 0 : i32
          %select_n3A_288 = arith.select %eq3A_286, %select_n3A_287, %select_n3A_285 : i32
          %add3A_289 = arith.addi %select_n3A_288, %select_n3A_14 : i32
          %add3A_290 = arith.constant 0 : i32
          %add3A_291 = arith.addi %select_n3A_282, %add3A_290 : i32
          %ne3A = arith.cmpi ne, %add3A_236, %add3A_272 : i32
          %ne3A_292 = arith.cmpi ne, %add3A_238, %add3A_274 : i32
          %or3A = arith.constant false
          %or3A_293 = arith.ori %or3A, %ne3A : i1
          %or3A_294 = arith.ori %or3A_293, %ne3A_292 : i1
          %or3A_295 = arith.constant false
          %or3A_296 = arith.ori %or3A_294, %or3A_295 : i1
          %or3A_297 = arith.constant false
          %or3A_298 = arith.ori %or3A_296, %or3A_297 : i1
          %sub3A_299 = arith.constant 2 : i32
          %sub3A_300 = arith.subi %mul3A_230, %sub3A_299 : i32
          %add3A_301 = arith.constant 1 : i32
          %add3A_302 = arith.addi %sub3A_300, %add3A_301 : i32
          %ge3A = arith.cmpi sge, %while3A_220, %add3A_302 : i32
          %not3A = arith.constant true
          %not3A_303 = arith.xori %ge3A, %not3A : i1
          %and3A = arith.andi %or3A_298, %not3A_303 : i1
          %convert_element_type3A_304 = arith.extui %and3A : i1 to i32
          %cond3A_305 = arith.constant 0 : i32
          %cond3A_306 = arith.cmpi ne, %convert_element_type3A_304, %cond3A_305 : i32
          scf.if %cond3A_306 {
            "tpu.trace_start"() <{level = 10 : i32, message = "ep_copy_in"}> : () -> ()
            %rem3A_443 = arith.constant 2 : i32
            %rem3A_444 = arith.remui %while3A_221, %rem3A_443 : i32
            %mul3A_445 = arith.constant 1 : i32
            %mul3A_446 = arith.muli %mul3A_445, %add3A_272 : i32
            %mul3A_447 = arith.constant 1 : i32
            %mul3A_448 = arith.muli %mul3A_447, %add3A_274 : i32
            %dma_start3A_449 = arith.constant 0 : i32
            %dma_start3A_450 = arith.constant 0 : i32
            %dma_start3A_451 = arith.constant 0 : i32
            %dma_start3A_452 = arith.constant 0 : i32
            %dma_start3A_453 = tpu.memref_slice %run_scoped3A[%rem3A_444, %dma_start3A_449, %dma_start3A_450, %dma_start3A_451, %dma_start3A_452] : memref<2x1x1x1x128xi32, #tpu.memory_space<vmem>> -> memref<1x1x1x1x128xi32, #tpu.memory_space<vmem>>
            %dma_start3A_454 = tpu.memref_squeeze %dma_start3A_453 : memref<1x1x1x1x128xi32, #tpu.memory_space<vmem>> -> memref<1x1x1x128xi32, #tpu.memory_space<vmem>>
            %dma_start3A_455 = arith.constant 0 : i32
            %dma_start3A_456 = arith.constant 0 : i32
            %dma_start3A_457 = tpu.memref_slice %arg3[%mul3A_446, %mul3A_448, %dma_start3A_455, %dma_start3A_456] : memref<144x8x1x128xi32, #tpu.memory_space<hbm>> -> memref<1x1x1x128xi32, #tpu.memory_space<hbm>>
            %dma_start3A_458 = tpu.memref_slice %run_scoped3A_19[%rem3A_444] : memref<2x!tpu.dma_semaphore, #tpu.memory_space<semaphore_mem>> -> memref<1x!tpu.dma_semaphore, #tpu.memory_space<semaphore_mem>>
            %dma_start3A_459 = tpu.memref_squeeze %dma_start3A_458 : memref<1x!tpu.dma_semaphore, #tpu.memory_space<semaphore_mem>> -> memref<!tpu.dma_semaphore, #tpu.memory_space<semaphore_mem>>
            %dma_start3A_460 = arith.constant 0 : i32
            %dma_start3A_461 = arith.constant 0 : i32
            %dma_start3A_462 = arith.constant 0 : i32
            %dma_start3A_463 = arith.constant 0 : i32
            %dma_start3A_464 = tpu.memref_slice %run_scoped3A[%rem3A_444, %dma_start3A_460, %dma_start3A_461, %dma_start3A_462, %dma_start3A_463] : memref<2x1x1x1x128xi32, #tpu.memory_space<vmem>> -> memref<1x1x1x1x128xi32, #tpu.memory_space<vmem>>
            %dma_start3A_465 = tpu.memref_squeeze %dma_start3A_464 : memref<1x1x1x1x128xi32, #tpu.memory_space<vmem>> -> memref<1x1x1x128xi32, #tpu.memory_space<vmem>>
            %dma_start3A_466 = arith.constant 0 : i32
            %dma_start3A_467 = arith.constant 0 : i32
            %dma_start3A_468 = tpu.memref_slice %arg3[%mul3A_446, %mul3A_448, %dma_start3A_466, %dma_start3A_467] : memref<144x8x1x128xi32, #tpu.memory_space<hbm>> -> memref<1x1x1x128xi32, #tpu.memory_space<hbm>>
            tpu.enqueue_dma source(%dma_start3A_468 : memref<1x1x1x128xi32, #tpu.memory_space<hbm>>) target(%dma_start3A_465 : memref<1x1x1x128xi32, #tpu.memory_space<vmem>>) target_semaphore(%dma_start3A_459 : memref<!tpu.dma_semaphore, #tpu.memory_space<semaphore_mem>>)
            "tpu.trace_stop"() : () -> ()
          } else {
          }
          %and3A_307 = arith.constant true
          %and3A_308 = arith.andi %and3A, %and3A_307 : i1
          %add3A_309 = arith.constant 1 : i32
          %add3A_310 = arith.addi %while3A_221, %add3A_309 : i32
          %select_n3A_311 = arith.select %and3A_308, %add3A_310, %while3A_221 : i32
          %ne3A_312 = arith.cmpi ne, %add3A_236, %add3A_272 : i32
          %ne3A_313 = arith.cmpi ne, %add3A_238, %add3A_274 : i32
          %or3A_314 = arith.constant false
          %or3A_315 = arith.ori %or3A_314, %ne3A_312 : i1
          %or3A_316 = arith.ori %or3A_315, %ne3A_313 : i1
          %sub3A_317 = arith.constant 2 : i32
          %sub3A_318 = arith.subi %mul3A_230, %sub3A_317 : i32
          %add3A_319 = arith.constant 1 : i32
          %add3A_320 = arith.addi %sub3A_318, %add3A_319 : i32
          %ge3A_321 = arith.cmpi sge, %while3A_220, %add3A_320 : i32
          %not3A_322 = arith.constant true
          %not3A_323 = arith.xori %ge3A_321, %not3A_322 : i1
          %and3A_324 = arith.andi %or3A_316, %not3A_323 : i1
          %ne3A_325 = arith.cmpi ne, %add3A_236, %add3A_255 : i32
          %ne3A_326 = arith.cmpi ne, %add3A_238, %add3A_257 : i32
          %or3A_327 = arith.constant false
          %or3A_328 = arith.ori %or3A_327, %ne3A_325 : i1
          %or3A_329 = arith.ori %or3A_328, %ne3A_326 : i1
          %or3A_330 = arith.constant false
          %or3A_331 = arith.ori %or3A_329, %or3A_330 : i1
          %or3A_332 = arith.constant false
          %or3A_333 = arith.ori %or3A_331, %or3A_332 : i1
          %or3A_334 = arith.ori %or3A_333, %eq3A_232 : i1
          %convert_element_type3A_335 = arith.extui %or3A_334 : i1 to i32
          %cond3A_336 = arith.constant 0 : i32
          %cond3A_337 = arith.cmpi ne, %convert_element_type3A_335, %cond3A_336 : i32
          scf.if %cond3A_337 {
            "tpu.trace_start"() <{level = 10 : i32, message = "ep_wait_in"}> : () -> ()
            %mul3A_443 = arith.constant 1 : i32
            %mul3A_444 = arith.muli %mul3A_443, %add3A_236 : i32
            %mul3A_445 = arith.constant 1 : i32
            %mul3A_446 = arith.muli %mul3A_445, %add3A_238 : i32
            %rem3A_447 = arith.constant 2 : i32
            %rem3A_448 = arith.remui %while3A_222, %rem3A_447 : i32
            %dma_wait3A = arith.constant 0 : i32
            %dma_wait3A_449 = arith.constant 0 : i32
            %dma_wait3A_450 = arith.constant 0 : i32
            %dma_wait3A_451 = arith.constant 0 : i32
            %dma_wait3A_452 = tpu.memref_slice %run_scoped3A[%rem3A_448, %dma_wait3A, %dma_wait3A_449, %dma_wait3A_450, %dma_wait3A_451] : memref<2x1x1x1x128xi32, #tpu.memory_space<vmem>> -> memref<1x1x1x1x128xi32, #tpu.memory_space<vmem>>
            %dma_wait3A_453 = tpu.memref_squeeze %dma_wait3A_452 : memref<1x1x1x1x128xi32, #tpu.memory_space<vmem>> -> memref<1x1x1x128xi32, #tpu.memory_space<vmem>>
            %dma_wait3A_454 = arith.constant 0 : i32
            %dma_wait3A_455 = arith.constant 0 : i32
            %dma_wait3A_456 = tpu.memref_slice %arg3[%mul3A_444, %mul3A_446, %dma_wait3A_454, %dma_wait3A_455] : memref<144x8x1x128xi32, #tpu.memory_space<hbm>> -> memref<1x1x1x128xi32, #tpu.memory_space<hbm>>
            %dma_wait3A_457 = tpu.memref_slice %run_scoped3A_19[%rem3A_448] : memref<2x!tpu.dma_semaphore, #tpu.memory_space<semaphore_mem>> -> memref<1x!tpu.dma_semaphore, #tpu.memory_space<semaphore_mem>>
            %dma_wait3A_458 = tpu.memref_squeeze %dma_wait3A_457 : memref<1x!tpu.dma_semaphore, #tpu.memory_space<semaphore_mem>> -> memref<!tpu.dma_semaphore, #tpu.memory_space<semaphore_mem>>
            %dma_wait3A_459 = arith.constant 0 : i32
            %dma_wait3A_460 = arith.constant 0 : i32
            %dma_wait3A_461 = arith.constant 0 : i32
            %dma_wait3A_462 = arith.constant 0 : i32
            %dma_wait3A_463 = tpu.memref_slice %run_scoped3A[%rem3A_448, %dma_wait3A_459, %dma_wait3A_460, %dma_wait3A_461, %dma_wait3A_462] : memref<2x1x1x1x128xi32, #tpu.memory_space<vmem>> -> memref<1x1x1x1x128xi32, #tpu.memory_space<vmem>>
            %dma_wait3A_464 = tpu.memref_squeeze %dma_wait3A_463 : memref<1x1x1x1x128xi32, #tpu.memory_space<vmem>> -> memref<1x1x1x128xi32, #tpu.memory_space<vmem>>
            %dma_wait3A_465 = arith.constant 0 : i32
            %dma_wait3A_466 = arith.constant 0 : i32
            %dma_wait3A_467 = tpu.memref_slice %arg3[%mul3A_444, %mul3A_446, %dma_wait3A_465, %dma_wait3A_466] : memref<144x8x1x128xi32, #tpu.memory_space<hbm>> -> memref<1x1x1x128xi32, #tpu.memory_space<hbm>>
            tpu.wait_dma2 semaphore(%dma_wait3A_458 : memref<!tpu.dma_semaphore, #tpu.memory_space<semaphore_mem>>) src(%dma_wait3A_467 : memref<1x1x1x128xi32, #tpu.memory_space<hbm>>) dst(%dma_wait3A_464 : memref<1x1x1x128xi32, #tpu.memory_space<vmem>>)
            "tpu.trace_stop"() : () -> ()
          } else {
          }
          %ne3A_338 = arith.cmpi ne, %add3A_236, %add3A_255 : i32
          %ne3A_339 = arith.cmpi ne, %add3A_238, %add3A_257 : i32
          %or3A_340 = arith.constant false
          %or3A_341 = arith.ori %or3A_340, %ne3A_338 : i1
          %or3A_342 = arith.ori %or3A_341, %ne3A_339 : i1
          %or3A_343 = arith.ori %or3A_342, %eq3A_232 : i1
          %convert_element_type3A_344 = arith.extui %or3A_343 : i1 to i32
          %cond3A_345 = arith.constant 0 : i32
          %cond3A_346 = arith.cmpi ne, %convert_element_type3A_344, %cond3A_345 : i32
          scf.if %cond3A_346 {
          } else {
          }
          %rem3A_347 = arith.constant 2 : i32
          %rem3A_348 = arith.remui %while3A_222, %rem3A_347 : i32
          %rem3A_349 = arith.constant 2 : i32
          %rem3A_350 = arith.remui %while3A_223, %rem3A_349 : i32
          %run_scoped3A_351 = arith.constant 0 : i32
          %run_scoped3A_352 = arith.constant 0 : i32
          %run_scoped3A_353 = arith.constant 0 : i32
          "tpu.trace_start"() <{level = 10 : i32, message = "ep_run_kernel"}> : () -> ()
          "tpu.region"() ({
            %run_scoped3A_443 = tpu.sem_alloc : memref<!tpu.dma_semaphore, #tpu.memory_space<semaphore_mem>>
            %dma_start3A_444 = arith.constant 0 : i32
            %dma_start3A_445 = arith.constant 0 : i32
            %dma_start3A_446 = tpu.memref_slice %run_scoped3A_20[%rem3A_350, %dma_start3A_444, %dma_start3A_445] : memref<2x128x256xf32, #tpu.memory_space<vmem>> -> memref<1x128x256xf32, #tpu.memory_space<vmem>>
            %dma_start3A_447 = tpu.memref_squeeze %dma_start3A_446 : memref<1x128x256xf32, #tpu.memory_space<vmem>> -> memref<128x256xf32, #tpu.memory_space<vmem>>
            %dma_start3A_448 = arith.constant 0 : i32
            %dma_start3A_449 = arith.constant 0 : i32
            %dma_start3A_450 = arith.constant 0 : i32
            %dma_start3A_451 = arith.constant 0 : i32
            %dma_start3A_452 = tpu.memref_slice %run_scoped3A[%rem3A_348, %dma_start3A_448, %dma_start3A_449, %dma_start3A_450, %dma_start3A_451] : memref<2x1x1x1x128xi32, #tpu.memory_space<vmem>> -> memref<1x1x1x1x128xi32, #tpu.memory_space<vmem>>
            %dma_start3A_453 = tpu.memref_squeeze %dma_start3A_452 : memref<1x1x1x1x128xi32, #tpu.memory_space<vmem>> -> memref<1x1x1x128xi32, #tpu.memory_space<vmem>>
            %dma_start3A_454 = arith.constant 0 : i32
            %dma_start3A_455 = tpu.memref_slice %dma_start3A_453[%run_scoped3A_351, %run_scoped3A_352, %run_scoped3A_353, %dma_start3A_454] : memref<1x1x1x128xi32, #tpu.memory_space<vmem>> -> memref<1x1x1x128xi32, #tpu.memory_space<vmem>>
            %dma_start3A_456 = tpu.memref_squeeze %dma_start3A_455 : memref<1x1x1x128xi32, #tpu.memory_space<vmem>> -> memref<128xi32, #tpu.memory_space<vmem>>
            %dma_start3A_457 = arith.constant 0 : i32
            %dma_start3A_458 = arith.constant 0 : i32
            %dma_start3A_459 = tpu.memref_slice %arg2[%dma_start3A_457, %dma_start3A_458] : memref<131072x256xf32, #tpu.memory_space<hbm>> -> memref<131072x256xf32, #tpu.memory_space<hbm>>
            tpu.enqueue_indirect_dma source(%dma_start3A_459 : memref<131072x256xf32, #tpu.memory_space<hbm>>) target(%dma_start3A_447 : memref<128x256xf32, #tpu.memory_space<vmem>>) offsets(%dma_start3A_456 : memref<128xi32, #tpu.memory_space<vmem>>) semaphore(%run_scoped3A_443 : memref<!tpu.dma_semaphore, #tpu.memory_space<semaphore_mem>>)
            %dma_wait3A = arith.constant 0 : i32
            %dma_wait3A_460 = arith.constant 0 : i32
            %dma_wait3A_461 = tpu.memref_slice %run_scoped3A_20[%rem3A_350, %dma_wait3A, %dma_wait3A_460] : memref<2x128x256xf32, #tpu.memory_space<vmem>> -> memref<1x128x256xf32, #tpu.memory_space<vmem>>
            %dma_wait3A_462 = tpu.memref_squeeze %dma_wait3A_461 : memref<1x128x256xf32, #tpu.memory_space<vmem>> -> memref<128x256xf32, #tpu.memory_space<vmem>>
            %dma_wait3A_463 = arith.constant 0 : i32
            %dma_wait3A_464 = arith.constant 0 : i32
            %dma_wait3A_465 = arith.constant 0 : i32
            %dma_wait3A_466 = arith.constant 0 : i32
            %dma_wait3A_467 = tpu.memref_slice %run_scoped3A[%rem3A_348, %dma_wait3A_463, %dma_wait3A_464, %dma_wait3A_465, %dma_wait3A_466] : memref<2x1x1x1x128xi32, #tpu.memory_space<vmem>> -> memref<1x1x1x1x128xi32, #tpu.memory_space<vmem>>
            %dma_wait3A_468 = tpu.memref_squeeze %dma_wait3A_467 : memref<1x1x1x1x128xi32, #tpu.memory_space<vmem>> -> memref<1x1x1x128xi32, #tpu.memory_space<vmem>>
            %dma_wait3A_469 = arith.constant 0 : i32
            %dma_wait3A_470 = tpu.memref_slice %dma_wait3A_468[%run_scoped3A_351, %run_scoped3A_352, %run_scoped3A_353, %dma_wait3A_469] : memref<1x1x1x128xi32, #tpu.memory_space<vmem>> -> memref<1x1x1x128xi32, #tpu.memory_space<vmem>>
            %dma_wait3A_471 = tpu.memref_squeeze %dma_wait3A_470 : memref<1x1x1x128xi32, #tpu.memory_space<vmem>> -> memref<128xi32, #tpu.memory_space<vmem>>
            %dma_wait3A_472 = arith.constant 0 : i32
            %dma_wait3A_473 = arith.constant 0 : i32
            %dma_wait3A_474 = tpu.memref_slice %arg2[%dma_wait3A_472, %dma_wait3A_473] : memref<131072x256xf32, #tpu.memory_space<hbm>> -> memref<131072x256xf32, #tpu.memory_space<hbm>>
            tpu.wait_indirect_dma semaphore(%run_scoped3A_443 : memref<!tpu.dma_semaphore, #tpu.memory_space<semaphore_mem>>) src(%dma_wait3A_474 : memref<131072x256xf32, #tpu.memory_space<hbm>>) dst(%dma_wait3A_462 : memref<128x256xf32, #tpu.memory_space<vmem>>)
            tpu.yield
          }) : () -> ()
          "tpu.trace_stop"() : () -> ()
          %ne3A_354 = arith.cmpi ne, %add3A_236, %add3A_272 : i32
          %ne3A_355 = arith.cmpi ne, %add3A_238, %add3A_274 : i32
          %or3A_356 = arith.constant false
          %or3A_357 = arith.ori %or3A_356, %ne3A_354 : i1
          %or3A_358 = arith.ori %or3A_357, %ne3A_355 : i1
          %or3A_359 = arith.constant false
          %or3A_360 = arith.ori %or3A_358, %or3A_359 : i1
          %or3A_361 = arith.constant false
          %or3A_362 = arith.ori %or3A_360, %or3A_361 : i1
          %or3A_363 = arith.ori %or3A_362, %eq3A_235 : i1
          %convert_element_type3A_364 = arith.extui %or3A_363 : i1 to i32
          %cond3A_365 = arith.constant 0 : i32
          %cond3A_366 = arith.cmpi ne, %convert_element_type3A_364, %cond3A_365 : i32
          scf.if %cond3A_366 {
          } else {
          }
          %and3A_367 = arith.constant false
          %and3A_368 = arith.andi %or3A_363, %and3A_367 : i1
          %ne3A_369 = arith.cmpi ne, %add3A_236, %add3A_272 : i32
          %ne3A_370 = arith.cmpi ne, %add3A_238, %add3A_274 : i32
          %or3A_371 = arith.constant false
          %or3A_372 = arith.ori %or3A_371, %ne3A_369 : i1
          %or3A_373 = arith.ori %or3A_372, %ne3A_370 : i1
          %or3A_374 = arith.ori %or3A_373, %eq3A_235 : i1
          %convert_element_type3A_375 = arith.extui %or3A_374 : i1 to i32
          %cond3A_376 = arith.constant 0 : i32
          %cond3A_377 = arith.cmpi ne, %convert_element_type3A_375, %cond3A_376 : i32
          scf.if %cond3A_377 {
            "tpu.trace_start"() <{level = 10 : i32, message = "ep_copy_out"}> : () -> ()
            %rem3A_443 = arith.constant 2 : i32
            %rem3A_444 = arith.remui %while3A_223, %rem3A_443 : i32
            %mul3A_445 = arith.constant 128 : i32
            %mul3A_446 = arith.muli %mul3A_445, %add3A_236 : i32
            %mul3A_447 = arith.constant 256 : i32
            %mul3A_448 = arith.muli %mul3A_447, %add3A_238 : i32
            %dma_start3A_449 = arith.constant 0 : i32
            %dma_start3A_450 = arith.constant 0 : i32
            %dma_start3A_451 = tpu.memref_slice %run_scoped3A_20[%rem3A_444, %dma_start3A_449, %dma_start3A_450] : memref<2x128x256xf32, #tpu.memory_space<vmem>> -> memref<1x128x256xf32, #tpu.memory_space<vmem>>
            %dma_start3A_452 = tpu.memref_squeeze %dma_start3A_451 : memref<1x128x256xf32, #tpu.memory_space<vmem>> -> memref<128x256xf32, #tpu.memory_space<vmem>>
            %dma_start3A_453 = tpu.memref_slice %arg4[%mul3A_446, %mul3A_448] : memref<18432x2048xf32, #tpu.memory_space<hbm>> -> memref<128x256xf32, #tpu.memory_space<hbm>>
            %dma_start3A_454 = tpu.memref_slice %run_scoped3A_21[%rem3A_444] : memref<2x!tpu.dma_semaphore, #tpu.memory_space<semaphore_mem>> -> memref<1x!tpu.dma_semaphore, #tpu.memory_space<semaphore_mem>>
            %dma_start3A_455 = tpu.memref_squeeze %dma_start3A_454 : memref<1x!tpu.dma_semaphore, #tpu.memory_space<semaphore_mem>> -> memref<!tpu.dma_semaphore, #tpu.memory_space<semaphore_mem>>
            %dma_start3A_456 = tpu.memref_slice %arg4[%mul3A_446, %mul3A_448] : memref<18432x2048xf32, #tpu.memory_space<hbm>> -> memref<128x256xf32, #tpu.memory_space<hbm>>
            %dma_start3A_457 = arith.constant 0 : i32
            %dma_start3A_458 = arith.constant 0 : i32
            %dma_start3A_459 = tpu.memref_slice %run_scoped3A_20[%rem3A_444, %dma_start3A_457, %dma_start3A_458] : memref<2x128x256xf32, #tpu.memory_space<vmem>> -> memref<1x128x256xf32, #tpu.memory_space<vmem>>
            %dma_start3A_460 = tpu.memref_squeeze %dma_start3A_459 : memref<1x128x256xf32, #tpu.memory_space<vmem>> -> memref<128x256xf32, #tpu.memory_space<vmem>>
            tpu.enqueue_dma source(%dma_start3A_460 : memref<128x256xf32, #tpu.memory_space<vmem>>) target(%dma_start3A_456 : memref<128x256xf32, #tpu.memory_space<hbm>>) target_semaphore(%dma_start3A_455 : memref<!tpu.dma_semaphore, #tpu.memory_space<semaphore_mem>>)
            "tpu.trace_stop"() : () -> ()
          } else {
          }
          %and3A_378 = arith.constant true
          %and3A_379 = arith.andi %or3A_374, %and3A_378 : i1
          %add3A_380 = arith.constant 1 : i32
          %add3A_381 = arith.addi %while3A_223, %add3A_380 : i32
          %select_n3A_382 = arith.select %and3A_379, %add3A_381, %while3A_223 : i32
          %ne3A_383 = arith.cmpi ne, %add3A_236, %add3A_255 : i32
          %ne3A_384 = arith.cmpi ne, %add3A_238, %add3A_257 : i32
          %or3A_385 = arith.constant false
          %or3A_386 = arith.ori %or3A_385, %ne3A_383 : i1
          %or3A_387 = arith.ori %or3A_386, %ne3A_384 : i1
          %or3A_388 = arith.constant false
          %or3A_389 = arith.ori %or3A_387, %or3A_388 : i1
          %or3A_390 = arith.constant false
          %or3A_391 = arith.ori %or3A_389, %or3A_390 : i1
          %not3A_392 = arith.constant true
          %not3A_393 = arith.xori %eq3A_232, %not3A_392 : i1
          %and3A_394 = arith.andi %or3A_391, %not3A_393 : i1
          %convert_element_type3A_395 = arith.extui %and3A_394 : i1 to i32
          %cond3A_396 = arith.constant 0 : i32
          %cond3A_397 = arith.cmpi ne, %convert_element_type3A_395, %cond3A_396 : i32
          scf.if %cond3A_397 {
          } else {
          }
          %and3A_398 = arith.constant false
          %and3A_399 = arith.andi %and3A_394, %and3A_398 : i1
          %ne3A_400 = arith.cmpi ne, %add3A_236, %add3A_255 : i32
          %ne3A_401 = arith.cmpi ne, %add3A_238, %add3A_257 : i32
          %or3A_402 = arith.constant false
          %or3A_403 = arith.ori %or3A_402, %ne3A_400 : i1
          %or3A_404 = arith.ori %or3A_403, %ne3A_401 : i1
          %not3A_405 = arith.constant true
          %not3A_406 = arith.xori %eq3A_232, %not3A_405 : i1
          %and3A_407 = arith.andi %or3A_404, %not3A_406 : i1
          %convert_element_type3A_408 = arith.extui %and3A_407 : i1 to i32
          %cond3A_409 = arith.constant 0 : i32
          %cond3A_410 = arith.cmpi ne, %convert_element_type3A_408, %cond3A_409 : i32
          scf.if %cond3A_410 {
            "tpu.trace_start"() <{level = 10 : i32, message = "ep_wait_out"}> : () -> ()
            %rem3A_443 = arith.constant 2 : i32
            %rem3A_444 = arith.remui %while3A_224, %rem3A_443 : i32
            %mul3A_445 = arith.constant 128 : i32
            %mul3A_446 = arith.muli %mul3A_445, %add3A_255 : i32
            %mul3A_447 = arith.constant 256 : i32
            %mul3A_448 = arith.muli %mul3A_447, %add3A_257 : i32
            %dma_wait3A = arith.constant 0 : i32
            %dma_wait3A_449 = arith.constant 0 : i32
            %dma_wait3A_450 = tpu.memref_slice %run_scoped3A_20[%rem3A_444, %dma_wait3A, %dma_wait3A_449] : memref<2x128x256xf32, #tpu.memory_space<vmem>> -> memref<1x128x256xf32, #tpu.memory_space<vmem>>
            %dma_wait3A_451 = tpu.memref_squeeze %dma_wait3A_450 : memref<1x128x256xf32, #tpu.memory_space<vmem>> -> memref<128x256xf32, #tpu.memory_space<vmem>>
            %dma_wait3A_452 = tpu.memref_slice %arg4[%mul3A_446, %mul3A_448] : memref<18432x2048xf32, #tpu.memory_space<hbm>> -> memref<128x256xf32, #tpu.memory_space<hbm>>
            %dma_wait3A_453 = tpu.memref_slice %run_scoped3A_21[%rem3A_444] : memref<2x!tpu.dma_semaphore, #tpu.memory_space<semaphore_mem>> -> memref<1x!tpu.dma_semaphore, #tpu.memory_space<semaphore_mem>>
            %dma_wait3A_454 = tpu.memref_squeeze %dma_wait3A_453 : memref<1x!tpu.dma_semaphore, #tpu.memory_space<semaphore_mem>> -> memref<!tpu.dma_semaphore, #tpu.memory_space<semaphore_mem>>
            %dma_wait3A_455 = tpu.memref_slice %arg4[%mul3A_446, %mul3A_448] : memref<18432x2048xf32, #tpu.memory_space<hbm>> -> memref<128x256xf32, #tpu.memory_space<hbm>>
            %dma_wait3A_456 = arith.constant 0 : i32
            %dma_wait3A_457 = arith.constant 0 : i32
            %dma_wait3A_458 = tpu.memref_slice %run_scoped3A_20[%rem3A_444, %dma_wait3A_456, %dma_wait3A_457] : memref<2x128x256xf32, #tpu.memory_space<vmem>> -> memref<1x128x256xf32, #tpu.memory_space<vmem>>
            %dma_wait3A_459 = tpu.memref_squeeze %dma_wait3A_458 : memref<1x128x256xf32, #tpu.memory_space<vmem>> -> memref<128x256xf32, #tpu.memory_space<vmem>>
            tpu.wait_dma2 semaphore(%dma_wait3A_454 : memref<!tpu.dma_semaphore, #tpu.memory_space<semaphore_mem>>) src(%dma_wait3A_459 : memref<128x256xf32, #tpu.memory_space<vmem>>) dst(%dma_wait3A_455 : memref<128x256xf32, #tpu.memory_space<hbm>>)
            "tpu.trace_stop"() : () -> ()
          } else {
          }
          %and3A_411 = arith.constant true
          %and3A_412 = arith.andi %and3A_407, %and3A_411 : i1
          %add3A_413 = arith.constant 1 : i32
          %add3A_414 = arith.addi %while3A_224, %add3A_413 : i32
          %select_n3A_415 = arith.select %and3A_412, %add3A_414, %while3A_224 : i32
          %ne3A_416 = arith.cmpi ne, %add3A_236, %add3A_272 : i32
          %ne3A_417 = arith.cmpi ne, %add3A_238, %add3A_274 : i32
          %or3A_418 = arith.constant false
          %or3A_419 = arith.ori %or3A_418, %ne3A_416 : i1
          %or3A_420 = arith.ori %or3A_419, %ne3A_417 : i1
          %or3A_421 = arith.constant false
          %or3A_422 = arith.ori %or3A_420, %or3A_421 : i1
          %or3A_423 = arith.constant false
          %or3A_424 = arith.ori %or3A_422, %or3A_423 : i1
          %or3A_425 = arith.ori %or3A_424, %eq3A_235 : i1
          %add3A_426 = arith.constant 1 : i32
          %add3A_427 = arith.addi %while3A_222, %add3A_426 : i32
          %select_n3A_428 = arith.select %or3A_425, %add3A_427, %while3A_222 : i32
          %add3A_429 = arith.constant 1 : i32
          %add3A_430 = arith.addi %while3A_226, %add3A_429 : i32
          %select_n3A_431 = arith.constant true
          %select_n3A_432 = arith.select %select_n3A_431, %add3A_430, %while3A_226 : i32
          %eq3A_433 = arith.constant 8 : i32
          %eq3A_434 = arith.cmpi eq, %select_n3A_432, %eq3A_433 : i32
          %select_n3A_435 = arith.constant 0 : i32
          %select_n3A_436 = arith.select %eq3A_434, %select_n3A_435, %select_n3A_432 : i32
          %add3A_437 = arith.constant 1 : i32
          %add3A_438 = arith.addi %while3A_225, %add3A_437 : i32
          %select_n3A_439 = arith.select %eq3A_434, %add3A_438, %while3A_225 : i32
          %eq3A_440 = arith.cmpi eq, %select_n3A_439, %select_n3A : i32
          %select_n3A_441 = arith.constant 0 : i32
          %select_n3A_442 = arith.select %eq3A_440, %select_n3A_441, %select_n3A_439 : i32
          scf.yield %select_n3A_311, %select_n3A_428, %select_n3A_382, %select_n3A_415, %select_n3A_442, %select_n3A_436 : i32, i32, i32, i32, i32, i32
        }
        %sub3A_131 = arith.constant 1 : i32
        %sub3A_132 = arith.subi %while3A_130#5, %sub3A_131 : i32
        %select_n3A_133 = arith.constant true
        %select_n3A_134 = arith.select %select_n3A_133, %sub3A_132, %while3A_130#5 : i32
        %eq3A_135 = arith.constant -1 : i32
        %eq3A_136 = arith.cmpi eq, %select_n3A_134, %eq3A_135 : i32
        %select_n3A_137 = arith.constant 7 : i32
        %select_n3A_138 = arith.select %eq3A_136, %select_n3A_137, %select_n3A_134 : i32
        %sub3A_139 = arith.constant 1 : i32
        %sub3A_140 = arith.subi %while3A_130#4, %sub3A_139 : i32
        %select_n3A_141 = arith.select %eq3A_136, %sub3A_140, %while3A_130#4 : i32
        %eq3A_142 = arith.constant -1 : i32
        %eq3A_143 = arith.cmpi eq, %select_n3A_141, %eq3A_142 : i32
        %sub3A_144 = arith.constant 1 : i32
        %sub3A_145 = arith.subi %select_n3A, %sub3A_144 : i32
        %select_n3A_146 = arith.select %eq3A_143, %sub3A_145, %select_n3A_141 : i32
        %sub3A_147 = arith.constant 1 : i32
        %sub3A_148 = arith.subi %mul3A_18, %sub3A_147 : i32
        %mul3A_149 = arith.constant 1 : i32
        %mul3A_150 = arith.muli %mul3A_149, %select_n3A : i32
        %mul3A_151 = arith.constant 8 : i32
        %mul3A_152 = arith.muli %mul3A_150, %mul3A_151 : i32
        %eq3A_153 = arith.constant 0 : i32
        %eq3A_154 = arith.cmpi eq, %sub3A_148, %eq3A_153 : i32
        %sub3A_155 = arith.constant 1 : i32
        %sub3A_156 = arith.subi %mul3A_152, %sub3A_155 : i32
        %eq3A_157 = arith.cmpi eq, %sub3A_148, %sub3A_156 : i32
        %add3A_158 = arith.addi %select_n3A_146, %select_n3A_14 : i32
        %add3A_159 = arith.constant 0 : i32
        %add3A_160 = arith.addi %select_n3A_138, %add3A_159 : i32
        %sub3A_161 = arith.constant 1 : i32
        %sub3A_162 = arith.subi %select_n3A_138, %sub3A_161 : i32
        %select_n3A_163 = arith.constant true
        %select_n3A_164 = arith.select %select_n3A_163, %sub3A_162, %select_n3A_138 : i32
        %eq3A_165 = arith.constant -1 : i32
        %eq3A_166 = arith.cmpi eq, %select_n3A_164, %eq3A_165 : i32
        %select_n3A_167 = arith.constant 7 : i32
        %select_n3A_168 = arith.select %eq3A_166, %select_n3A_167, %select_n3A_164 : i32
        %sub3A_169 = arith.constant 1 : i32
        %sub3A_170 = arith.subi %select_n3A_146, %sub3A_169 : i32
        %select_n3A_171 = arith.select %eq3A_166, %sub3A_170, %select_n3A_146 : i32
        %eq3A_172 = arith.constant -1 : i32
        %eq3A_173 = arith.cmpi eq, %select_n3A_171, %eq3A_172 : i32
        %sub3A_174 = arith.constant 1 : i32
        %sub3A_175 = arith.subi %select_n3A, %sub3A_174 : i32
        %select_n3A_176 = arith.select %eq3A_173, %sub3A_175, %select_n3A_171 : i32
        %add3A_177 = arith.addi %select_n3A_176, %select_n3A_14 : i32
        %add3A_178 = arith.constant 0 : i32
        %add3A_179 = arith.addi %select_n3A_168, %add3A_178 : i32
        %add3A_180 = arith.constant 1 : i32
        %add3A_181 = arith.addi %select_n3A_138, %add3A_180 : i32
        %select_n3A_182 = arith.constant true
        %select_n3A_183 = arith.select %select_n3A_182, %add3A_181, %select_n3A_138 : i32
        %eq3A_184 = arith.constant 8 : i32
        %eq3A_185 = arith.cmpi eq, %select_n3A_183, %eq3A_184 : i32
        %select_n3A_186 = arith.constant 0 : i32
        %select_n3A_187 = arith.select %eq3A_185, %select_n3A_186, %select_n3A_183 : i32
        %add3A_188 = arith.constant 1 : i32
        %add3A_189 = arith.addi %select_n3A_146, %add3A_188 : i32
        %select_n3A_190 = arith.select %eq3A_185, %add3A_189, %select_n3A_146 : i32
        %eq3A_191 = arith.cmpi eq, %select_n3A_190, %select_n3A : i32
        %select_n3A_192 = arith.constant 0 : i32
        %select_n3A_193 = arith.select %eq3A_191, %select_n3A_192, %select_n3A_190 : i32
        %add3A_194 = arith.addi %select_n3A_193, %select_n3A_14 : i32
        %add3A_195 = arith.constant 0 : i32
        %add3A_196 = arith.addi %select_n3A_187, %add3A_195 : i32
        %add3A_197 = arith.constant 1 : i32
        %add3A_198 = arith.addi %select_n3A_187, %add3A_197 : i32
        %select_n3A_199 = arith.constant true
        %select_n3A_200 = arith.select %select_n3A_199, %add3A_198, %select_n3A_187 : i32
        %eq3A_201 = arith.constant 8 : i32
        %eq3A_202 = arith.cmpi eq, %select_n3A_200, %eq3A_201 : i32
        %select_n3A_203 = arith.constant 0 : i32
        %select_n3A_204 = arith.select %eq3A_202, %select_n3A_203, %select_n3A_200 : i32
        %add3A_205 = arith.constant 1 : i32
        %add3A_206 = arith.addi %select_n3A_193, %add3A_205 : i32
        %select_n3A_207 = arith.select %eq3A_202, %add3A_206, %select_n3A_193 : i32
        %eq3A_208 = arith.cmpi eq, %select_n3A_207, %select_n3A : i32
        %select_n3A_209 = arith.constant 0 : i32
        %select_n3A_210 = arith.select %eq3A_208, %select_n3A_209, %select_n3A_207 : i32
        %add3A_211 = arith.addi %select_n3A_210, %select_n3A_14 : i32
        %add3A_212 = arith.constant 0 : i32
        %add3A_213 = arith.addi %select_n3A_204, %add3A_212 : i32
        %convert_element_type3A_214 = arith.extui %eq3A_157 : i1 to i32
        %cond3A_215 = arith.constant 0 : i32
        %cond3A_216 = arith.cmpi ne, %convert_element_type3A_214, %cond3A_215 : i32
        scf.if %cond3A_216 {
        } else {
        }
        %convert_element_type3A_217 = arith.extui %eq3A_157 : i1 to i32
        %cond3A_218 = arith.constant 0 : i32
        %cond3A_219 = arith.cmpi ne, %convert_element_type3A_217, %cond3A_218 : i32
        scf.if %cond3A_219 {
          "tpu.trace_start"() <{level = 10 : i32, message = "ep_finalize"}> : () -> ()
          %rem3A_220 = arith.constant 2 : i32
          %rem3A_221 = arith.remui %while3A_130#3, %rem3A_220 : i32
          %mul3A_222 = arith.constant 128 : i32
          %mul3A_223 = arith.muli %mul3A_222, %add3A_158 : i32
          %mul3A_224 = arith.constant 256 : i32
          %mul3A_225 = arith.muli %mul3A_224, %add3A_160 : i32
          %dma_wait3A = arith.constant 0 : i32
          %dma_wait3A_226 = arith.constant 0 : i32
          %dma_wait3A_227 = tpu.memref_slice %run_scoped3A_20[%rem3A_221, %dma_wait3A, %dma_wait3A_226] : memref<2x128x256xf32, #tpu.memory_space<vmem>> -> memref<1x128x256xf32, #tpu.memory_space<vmem>>
          %dma_wait3A_228 = tpu.memref_squeeze %dma_wait3A_227 : memref<1x128x256xf32, #tpu.memory_space<vmem>> -> memref<128x256xf32, #tpu.memory_space<vmem>>
          %dma_wait3A_229 = tpu.memref_slice %arg4[%mul3A_223, %mul3A_225] : memref<18432x2048xf32, #tpu.memory_space<hbm>> -> memref<128x256xf32, #tpu.memory_space<hbm>>
          %dma_wait3A_230 = tpu.memref_slice %run_scoped3A_21[%rem3A_221] : memref<2x!tpu.dma_semaphore, #tpu.memory_space<semaphore_mem>> -> memref<1x!tpu.dma_semaphore, #tpu.memory_space<semaphore_mem>>
          %dma_wait3A_231 = tpu.memref_squeeze %dma_wait3A_230 : memref<1x!tpu.dma_semaphore, #tpu.memory_space<semaphore_mem>> -> memref<!tpu.dma_semaphore, #tpu.memory_space<semaphore_mem>>
          %dma_wait3A_232 = tpu.memref_slice %arg4[%mul3A_223, %mul3A_225] : memref<18432x2048xf32, #tpu.memory_space<hbm>> -> memref<128x256xf32, #tpu.memory_space<hbm>>
          %dma_wait3A_233 = arith.constant 0 : i32
          %dma_wait3A_234 = arith.constant 0 : i32
          %dma_wait3A_235 = tpu.memref_slice %run_scoped3A_20[%rem3A_221, %dma_wait3A_233, %dma_wait3A_234] : memref<2x128x256xf32, #tpu.memory_space<vmem>> -> memref<1x128x256xf32, #tpu.memory_space<vmem>>
          %dma_wait3A_236 = tpu.memref_squeeze %dma_wait3A_235 : memref<1x128x256xf32, #tpu.memory_space<vmem>> -> memref<128x256xf32, #tpu.memory_space<vmem>>
          tpu.wait_dma2 semaphore(%dma_wait3A_231 : memref<!tpu.dma_semaphore, #tpu.memory_space<semaphore_mem>>) src(%dma_wait3A_236 : memref<128x256xf32, #tpu.memory_space<vmem>>) dst(%dma_wait3A_232 : memref<128x256xf32, #tpu.memory_space<hbm>>)
          "tpu.trace_stop"() : () -> ()
        } else {
        }
      } else {
      }
      tpu.yield
    }) : () -> ()
    return
  }
}

module attributes {stable_mosaic.version = 14 : i64} {
  func.func @_mlp1_body(%arg0: i32, %arg1: memref<72xi32, #tpu.memory_space<smem>>, %arg2: memref<256x2048xf32, #tpu.memory_space<vmem>>, %arg3: memref<1x2048x1024xbf16, #tpu.memory_space<vmem>>, %arg4: memref<1x2048x1024xbf16, #tpu.memory_space<vmem>>, %arg5: memref<256x1024xbf16, #tpu.memory_space<vmem>>) attributes {dimension_semantics = [#tpu.dimension_semantics<arbitrary>], iteration_bounds = array<i64: 72>, scalar_prefetch = 1 : i64, scratch_operands = 0 : i64, tpu.core_type = #tpu.core_type<tc>, window_params = [{transform_indices = @transform_0, window_bounds = array<i64: 256, 2048>}, {transform_indices = @transform_1, window_bounds = array<i64: 1, 2048, 1024>}, {transform_indices = @transform_2, window_bounds = array<i64: 1, 2048, 1024>}, {transform_indices = @transform_3, window_bounds = array<i64: 256, 1024>}]} {
    %get3A = arith.constant 0 : index
    %get3A_0 = arith.constant 0 : index
    %get3A_1 = vector.load %arg2[%get3A, %get3A_0] : memref<256x2048xf32, #tpu.memory_space<vmem>>, vector<256x2048xf32>
    %convert_element_type3A = arith.truncf %get3A_1 : vector<256x2048xf32> to vector<256x2048xbf16>
    %get3A_2 = arith.constant 0 : index
    %get3A_3 = arith.constant 0 : index
    %get3A_4 = arith.constant 0 : index
    %get3A_5 = vector.load %arg3[%get3A_2, %get3A_3, %get3A_4] : memref<1x2048x1024xbf16, #tpu.memory_space<vmem>>, vector<1x2048x1024xbf16>
    %get3A_6 = vector.shape_cast %get3A_5 : vector<1x2048x1024xbf16> to vector<2048x1024xbf16>
    %dot_general3A = arith.constant dense<0.000000e+00> : vector<256x1024xf32>
    %dot_general3A_7 = tpu.matmul %convert_element_type3A, %get3A_6, %dot_general3A {dimension_numbers = #tpu.dot_dimension_numbers<[1], [0], [0], [1], [0, 0, 1, 1], [], []>, transpose_lhs_hint = false} : vector<256x2048xbf16>, vector<2048x1024xbf16>, vector<256x1024xf32> -> vector<256x1024xf32>
    %get3A_8 = arith.constant 0 : index
    %get3A_9 = arith.constant 0 : index
    %get3A_10 = arith.constant 0 : index
    %get3A_11 = vector.load %arg4[%get3A_8, %get3A_9, %get3A_10] : memref<1x2048x1024xbf16, #tpu.memory_space<vmem>>, vector<1x2048x1024xbf16>
    %get3A_12 = vector.shape_cast %get3A_11 : vector<1x2048x1024xbf16> to vector<2048x1024xbf16>
    %dot_general3A_13 = arith.constant dense<0.000000e+00> : vector<256x1024xf32>
    %dot_general3A_14 = tpu.matmul %convert_element_type3A, %get3A_12, %dot_general3A_13 {dimension_numbers = #tpu.dot_dimension_numbers<[1], [0], [0], [1], [0, 0, 1, 1], [], []>, transpose_lhs_hint = false} : vector<256x2048xbf16>, vector<2048x1024xbf16>, vector<256x1024xf32> -> vector<256x1024xf32>
    %logistic3A = arith.negf %dot_general3A_7 : vector<256x1024xf32>
    %logistic3A_15 = math.exp %logistic3A : vector<256x1024xf32>
    %logistic3A_16 = arith.constant 1.000000e+00 : f32
    %logistic3A_17 = vector.broadcast %logistic3A_16 : f32 to vector<256x1024xf32>
    %logistic3A_18 = arith.addf %logistic3A_17, %logistic3A_15 : vector<256x1024xf32>
    %logistic3A_19 = arith.divf %logistic3A_17, %logistic3A_18 : vector<256x1024xf32>
    %mul3A = arith.mulf %dot_general3A_7, %logistic3A_19 : vector<256x1024xf32>
    %mul3A_20 = arith.mulf %mul3A, %dot_general3A_14 : vector<256x1024xf32>
    %convert_element_type3A_21 = arith.truncf %mul3A_20 : vector<256x1024xf32> to vector<256x1024xbf16>
    %swap3A = arith.constant 0 : index
    %swap3A_22 = arith.constant 0 : index
    %swap3A_23 = vector.load %arg5[%swap3A, %swap3A_22] : memref<256x1024xbf16, #tpu.memory_space<vmem>>, vector<256x1024xbf16>
    tpu.vector_store %arg5[%swap3A, %swap3A_22], %convert_element_type3A_21 {strides = array<i32>} : memref<256x1024xbf16, #tpu.memory_space<vmem>>, vector<256x1024xbf16>,
    return
  }
  func.func @transform_0(%arg0: i32, %arg1: memref<72xi32, #tpu.memory_space<smem>>) -> (i32, i32) {
    %c0_i32 = arith.constant 0 : i32
    %c0_i32_0 = arith.constant 0 : i32
    return %arg0, %c0_i32 : i32, i32
  }
  func.func @transform_1(%arg0: i32, %arg1: memref<72xi32, #tpu.memory_space<smem>>) -> (i32, i32, i32) {
    %get3A = arith.index_cast %arg0 : i32 to index
    %get3A_0 = memref.load %arg1[%get3A] : memref<72xi32, #tpu.memory_space<smem>>
    %c0_i32 = arith.constant 0 : i32
    %c0_i32_1 = arith.constant 0 : i32
    %c0_i32_2 = arith.constant 0 : i32
    return %get3A_0, %c0_i32, %c0_i32_1 : i32, i32, i32
  }
  func.func @transform_2(%arg0: i32, %arg1: memref<72xi32, #tpu.memory_space<smem>>) -> (i32, i32, i32) {
    %get3A = arith.index_cast %arg0 : i32 to index
    %get3A_0 = memref.load %arg1[%get3A] : memref<72xi32, #tpu.memory_space<smem>>
    %c0_i32 = arith.constant 0 : i32
    %c0_i32_1 = arith.constant 0 : i32
    %c0_i32_2 = arith.constant 0 : i32
    return %get3A_0, %c0_i32, %c0_i32_1 : i32, i32, i32
  }
  func.func @transform_3(%arg0: i32, %arg1: memref<72xi32, #tpu.memory_space<smem>>) -> (i32, i32) {
    %c0_i32 = arith.constant 0 : i32
    %c0_i32_0 = arith.constant 0 : i32
    return %arg0, %c0_i32 : i32, i32
  }
}

module attributes {stable_mosaic.version = 14 : i64} {
  func.func @_mlp2_body(%arg0: i32, %arg1: memref<72xi32, #tpu.memory_space<smem>>, %arg2: memref<256x1024xbf16, #tpu.memory_space<vmem>>, %arg3: memref<1x1024x2048xbf16, #tpu.memory_space<vmem>>, %arg4: memref<256x2048xf32, #tpu.memory_space<vmem>>) attributes {dimension_semantics = [#tpu.dimension_semantics<arbitrary>], iteration_bounds = array<i64: 72>, scalar_prefetch = 1 : i64, scratch_operands = 0 : i64, tpu.core_type = #tpu.core_type<tc>, window_params = [{transform_indices = @transform_0, window_bounds = array<i64: 256, 1024>}, {transform_indices = @transform_1, window_bounds = array<i64: 1, 1024, 2048>}, {transform_indices = @transform_2, window_bounds = array<i64: 256, 2048>}]} {
    %get3A = arith.constant 0 : index
    %get3A_0 = arith.constant 0 : index
    %get3A_1 = vector.load %arg2[%get3A, %get3A_0] : memref<256x1024xbf16, #tpu.memory_space<vmem>>, vector<256x1024xbf16>
    %get3A_2 = arith.constant 0 : index
    %get3A_3 = arith.constant 0 : index
    %get3A_4 = arith.constant 0 : index
    %get3A_5 = vector.load %arg3[%get3A_2, %get3A_3, %get3A_4] : memref<1x1024x2048xbf16, #tpu.memory_space<vmem>>, vector<1x1024x2048xbf16>
    %get3A_6 = vector.shape_cast %get3A_5 : vector<1x1024x2048xbf16> to vector<1024x2048xbf16>
    %dot_general3A = arith.constant dense<0.000000e+00> : vector<256x2048xf32>
    %dot_general3A_7 = tpu.matmul %get3A_1, %get3A_6, %dot_general3A {dimension_numbers = #tpu.dot_dimension_numbers<[1], [0], [0], [1], [0, 0, 1, 1], [], []>, transpose_lhs_hint = false} : vector<256x1024xbf16>, vector<1024x2048xbf16>, vector<256x2048xf32> -> vector<256x2048xf32>
    %swap3A = arith.constant 0 : index
    %swap3A_8 = arith.constant 0 : index
    %swap3A_9 = vector.load %arg4[%swap3A, %swap3A_8] : memref<256x2048xf32, #tpu.memory_space<vmem>>, vector<256x2048xf32>
    tpu.vector_store %arg4[%swap3A, %swap3A_8], %dot_general3A_7 {strides = array<i32>} : memref<256x2048xf32, #tpu.memory_space<vmem>>, vector<256x2048xf32>,
    return
  }
  func.func @transform_0(%arg0: i32, %arg1: memref<72xi32, #tpu.memory_space<smem>>) -> (i32, i32) {
    %c0_i32 = arith.constant 0 : i32
    %c0_i32_0 = arith.constant 0 : i32
    return %arg0, %c0_i32 : i32, i32
  }
  func.func @transform_1(%arg0: i32, %arg1: memref<72xi32, #tpu.memory_space<smem>>) -> (i32, i32, i32) {
    %get3A = arith.index_cast %arg0 : i32 to index
    %get3A_0 = memref.load %arg1[%get3A] : memref<72xi32, #tpu.memory_space<smem>>
    %c0_i32 = arith.constant 0 : i32
    %c0_i32_1 = arith.constant 0 : i32
    %c0_i32_2 = arith.constant 0 : i32
    return %get3A_0, %c0_i32, %c0_i32_1 : i32, i32, i32
  }
  func.func @transform_2(%arg0: i32, %arg1: memref<72xi32, #tpu.memory_space<smem>>) -> (i32, i32) {
    %c0_i32 = arith.constant 0 : i32
    %c0_i32_0 = arith.constant 0 : i32
    return %arg0, %c0_i32 : i32, i32
  }
}

</mosaic_0001>

<sc_bundles>
// kernel: gather_offload_async_start.1
scs
__scs_entry_jumppad:
0x0: {  	(pc) =	sbr.rel $0x88, $3  }
0x1: {  	(tag) =	ssettag $0x0;
	lr =	simm.s32 $0x1  }
0x2: {  	[smem:$0x3F9B] =	sst lr;
	_ =	strace $0xD0000000  }
0x3: {  	_ = 	snop  }
0x4: {  	_ = 	snop  }
0x5: {  	_ = 	snop  }
0x6: {  	_ = 	snop  }
0x7: {  	_ = 	snop  }
__scs_overlays_trampoline_lowered:
0x8: {  	[smem:$0x3FAA] =	sst s0  }
0x9: {  	[smem:$0x3FAB] =	sst s1  }
0xa: {  	[smem:$0x3FAC] =	sst s2  }
0xb: {  	[smem:$0x3FAD] =	sst s3  }
0xc: {  	[smem:$0x3FAE] =	sst s4  }
0xd: {  	[smem:$0x3FAF] =	sst s5  }
0xe: {  	[smem:$0x3FB0] =	sst s6  }
0xf: {  	[smem:$0x3FB1] =	sst s7  }
0x10: {  	[smem:$0x3FB2] =	sst s8  }
0x11: {  	[smem:$0x3FB3] =	sst s9;
	s0 =	simm.s32 @!p0 $0x0  }
0x12: {  	s1 =	sld [smem:$0x3F99];
	s0 =	simm.s32 @p0 $0x1  }
0x13: {  	[smem:$0x3FB4] =	sst s0;
	s0 =	simm.s32 @!p1 $0x0  }
0x14: {  	s2 =	sld [smem:$0x3F98];
	s0 =	simm.s32 @p1 $0x1  }
0x15: {  	[smem:$0x3FB5] =	sst s0;
	s0 =	simm.s32 @!p2 $0x0  }
0x16: {  	s3 =	sld [smem:$0x3FDB];
	s0 =	simm.s32 @p2 $0x1  }
0x17: {  	s4 =	simm.s32 $0x1BF5;
	[smem:$0x3FB7] =	sst s0  }
0x18: {  	s0 =	sld [smem:$0x3F9A];
	_ =	swait.ge [sflag:s4], $0x0  }
0x19: {  	s7 =	sld [smem:$0x3F9B]  }
0x1a: {  	s8 =	sadd.s32 $0xFFFFE003, lr  }
0x1b: {  	s9 =	sadd.s32 $0xFFFFFEF7, lr;
	s5 =	simm.s32 $0xFFFFFFFF;
	p2 =	slt.u32 s8, $0xFFFFF086  }
0x1c: {  	p1 =	slt.u32 s9, $0xF7A;
	s5 =	simm.s32 @!p2 $0x0  }
0x1d: {  	s5 =	simm.s32 @p1 $0x1;
	p0 =	seq.s32 s7, s2  }
0x1e: {  	s7 =	smul.u32 @!p0 $0xF7A, s2;
	p2 =	seq.s32 @!p0 s5, $0x0  }
0x1f: {  	s9 =	smul.u32 $0xF7A, s1;
	s8 =	simm.s32 @!p0 $0x1BF5;
	p2 =	por !p2, p0  }
0x20: {  	[sflag:s8] =	ssyncset.s32 @!p0 $0xFFFFF086;
	s6 =	sadd.s32 @!p0 s3, s7;
	s7 =	simm.s32 @!p0 $0x108  }
0x21: {  	s3 =	sadd.s32 s3, s9;
	s6 =	sadd.s32 @!p0 $0x88, s6;
	s7 =	simm.s32 @p2 $0x1082  }
0x22: {  	[simem:s7], [sflag:s8] =	dma.local @!p0 [hbm:s6], $0xF7A  }
0x23: {  	s9 =	sor.u32 $0xD0000000, s2;
	s6 =	simm.s32 $0x108;
	_ =	swait.ge @!p0 [sflag:s8], $0x0  }
0x24: {  	s3 =	sadd.s32 $0x88, s3;
	s6 =	simm.s32 @!p1 $0x1082;
	[sflag:s4] =	ssyncset.s32 $0xFFFFF086  }
0x25: {  	[simem:s6], [sflag:s4] =	dma.local [hbm:s3], $0xF7A  }
0x26: {  	[smem:$0x3F9B] =	sst s1;
	(tag) =	ssettag s2;
	_ =	strace s9  }
0x27: {  	s1 =	sld [smem:$0x3FAB]  }
0x28: {  	s2 =	sld [smem:$0x3FAC]  }
0x29: {  	s4 =	sld [smem:$0x3FAE]  }
0x2a: {  	p0 =	seq.s32 s5, $0x0;
	s5 =	sld [smem:$0x3FAF]  }
0x2b: {  	s6 =	sld [smem:$0x3FB0]  }
0x2c: {  	s7 =	sld [smem:$0x3FB1]  }
0x2d: {  	s3 =	simm.s32 $0x108;
	s8 =	sld [smem:$0x3FB2]  }
0x2e: {  	s3 =	simm.s32 @!p0 $0x1082;
	s9 =	sld [smem:$0x3FB3]  }
0x2f: {  	lr =	sadd.s32 s0, s3;
	s0 =	sld [smem:$0x3FAA]  }
0x30: {  	s3 =	sld [smem:$0x3FAD]  }
0x31: {  	[smem:$0x3FB6] =	sst s10  }
0x32: {  	s10 =	sld [smem:$0x3FB4];
	_ =	sdelay $0x3  }
0x33: {  	p0 =	seq.s32 s10, $0x1;
	s10 =	sld [smem:$0x3FB6];
	_ =	sdelay $0x3  }
0x34: {  	[smem:$0x3FB6] =	sst s10  }
0x35: {  	s10 =	sld [smem:$0x3FB5];
	_ =	sdelay $0x3  }
0x36: {  	p1 =	seq.s32 s10, $0x1;
	s10 =	sld [smem:$0x3FB6];
	_ =	sdelay $0x3  }
0x37: {  	[smem:$0x3FB6] =	sst s10  }
0x38: {  	s10 =	sld [smem:$0x3FB7]  }
0x39: {  	_ = 	snop;
	(pc) =	sbr.ind lr, $3  }
0x3a: {  	_ = 	snop  }
0x3b: {  	_ = 	snop  }
0x3c: {  	p2 =	seq.s32 s10, $0x1;
	s10 =	sld [smem:$0x3FB6]  }
0x3d: {  	_ =	shalt  }
0x3e: {  	_ =	shalt  }
0x3f: {  	_ =	shalt  }
0x40: {  	_ =	shalt  }
0x41: {  	_ =	shalt  }
0x42: {  	_ =	shalt  }
0x43: {  	_ =	shalt  }
0x44: {  	_ =	shalt  }
0x45: {  	_ =	shalt  }
0x46: {  	_ =	shalt  }
0x47: {  	_ =	shalt  }
0x48: {  	_ =	shalt  }
0x49: {  	_ =	shalt  }
0x4a: {  	_ =	shalt  }
0x4b: {  	_ =	shalt  }
0x4c: {  	_ =	shalt  }
0x4d: {  	_ =	shalt  }
0x4e: {  	_ =	shalt  }
0x4f: {  	_ =	shalt  }
0x50: {  	_ =	shalt  }
0x51: {  	_ =	shalt  }
0x52: {  	_ =	shalt  }
0x53: {  	_ =	shalt  }
0x54: {  	_ =	shalt  }
0x55: {  	_ =	shalt  }
0x56: {  	_ =	shalt  }
0x57: {  	_ =	shalt  }
0x58: {  	_ =	shalt  }
0x59: {  	_ =	shalt  }
0x5a: {  	_ =	shalt  }
0x5b: {  	_ =	shalt  }
0x5c: {  	_ =	shalt  }
0x5d: {  	_ =	shalt  }
0x5e: {  	_ =	shalt  }
0x5f: {  	_ =	shalt  }
0x60: {  	_ =	shalt  }
0x61: {  	_ =	shalt  }
0x62: {  	_ =	shalt  }
0x63: {  	_ =	shalt  }
0x64: {  	_ =	shalt  }
0x65: {  	_ =	shalt  }
0x66: {  	_ =	shalt  }
0x67: {  	_ =	shalt  }
0x68: {  	_ =	shalt  }
0x69: {  	_ =	shalt  }
0x6a: {  	_ =	shalt  }
0x6b: {  	_ =	shalt  }
0x6c: {  	_ =	shalt  }
0x6d: {  	_ =	shalt  }
0x6e: {  	_ =	shalt  }
0x6f: {  	_ =	shalt  }
0x70: {  	_ =	shalt  }
0x71: {  	_ =	shalt  }
0x72: {  	_ =	shalt  }
0x73: {  	_ =	shalt  }
0x74: {  	_ =	shalt  }
0x75: {  	_ =	shalt  }
0x76: {  	_ =	shalt  }
0x77: {  	_ =	shalt  }
0x78: {  	_ =	shalt  }
0x79: {  	_ =	shalt  }
0x7a: {  	_ =	shalt  }
0x7b: {  	_ =	shalt  }
0x7c: {  	_ =	shalt  }
0x7d: {  	_ =	shalt  }
0x7e: {  	_ =	shalt  }
0x7f: {  	_ =	shalt  }
0x80: {  	_ =	shalt  }
0x81: {  	_ =	shalt  }
0x82: {  	_ =	shalt  }
0x83: {  	_ =	shalt  }
0x84: {  	_ =	shalt  }
0x85: {  	_ =	shalt  }
0x86: {  	_ =	shalt  }
0x87: {  	_ =	shalt  }
.Lfunc_end0:
.L_simem_size_0:
called_computation.2_lowered:
.L_overlay_start_0:
0x88: {  	s2 =	sld [smem:$0x3FD9]  }
0x89: {  	s3 =	sld [smem:$0x3FFE];
	_ =	sdelay $0x1  }
0x8a: {  	s1 =	srdreg.scid  }
0x8b: {  	s0 =	sand.u32 $0x1, s1  }
0x8c: {  	s17 =	sshll.u32 s0, $0xA;
	s2 =	sadd.s32 s3, s2  }
0x8d: {  	s2 =	sadd.s32 s2, s17  }
0x8e: {  	[smem:$0x3FC2] =	sst s2  }
0x8f: {  	_ = 	snop  }
0x90: {  	s2 =	sld [smem:$0x3FC4];
	(tm) =	ssettm $0x1  }
0x91: {  	s18 =	sld [smem:$0x3FFB];
	_ =	sdelay $0x3  }
0x92: {  	_ =	strace s18  }
0x93: {  	s3 =	sld [smem:$0x3FFC];
	_ =	sdelay $0x3  }
0x94: {  	_ =	strace s3  }
0x95: {  	s3 =	sld [smem:$0x3FFD];
	_ =	sdelay $0x3  }
0x96: {  	_ =	strace s3  }
0x97: {  	_ =	strace $0x8FFFFFFF  }
0x98: {  	s19 =	sld [smem:$0x3FDB];
	_ =	sdelay $0x1  }
0x99: {  	s4 =	simm.s32 $_scs_section_size  }
0x9a: {  	s5 =	simm.s32 $_size__tile_overlayer_lowered;
	s6 =	simm.s32 $_tile_overlayer_lowered  }
0x9b: {  	s22 =	simm.s32 $0x1BFF;
	s21 =	sshll.u32 s6, $0x1;
	s3 =	sadd.s32 s4, s19  }
0x9c: {  	s7 =	simm.s32 $0x0;
	s20 =	sshll.u32 s5, $0x1;
	s5 =	sadd.s32 s21, s3  }
0x9d: {  	[timem:s7], [sflag:s22] =	dma.local [hbm:s5], s20  }
0x9e: {  	_ =	swait.ge [sflag:s22], s20  }
0x9f: {  	s4 =	ssub.s32 $0x0, s20;
	[sflag:s22] =	ssyncset.done $0x0  }
0xa0: {  	[sflag:s22] =	ssyncadd.s32 s4;
	_ =	sdelay $0x1  }
0xa1: {  	s23 =	simm.s32 $0x1B8B  }
0xa2: {  	_ =	swait.ge [sflag:s23], $0x1  }
0xa3: {  	[sflag:s23] =	ssyncset.done $0x0  }
0xa4: {  	s25 =	simm.s32 $0x1B8E;
	s24 =	sld [smem:$0x3FFE];
	[sflag:s23] =	ssyncadd.s32 $0xFFFFFFFF  }
0xa5: {  	s26 =	simm.s32 $execute0_lowered;
	[smem:$0x3FD2] =	sst s25  }
0xa6: {  	s5 =	sshll.u32 s26, $0x1;
	_ =	strace $0x80000046;
	[dreg:$0x1] =	wrdreg $0xFFFFFFFF  }
0xa7: {  	s28 =	simm.s32 $_size_execute0_lowered;
	s3 =	sadd.s32 s3, s5;
	[dreg:$0x0] =	wrdreg $0x0  }
0xa8: {  	s5 =	sshll.u32 s28, $0x1;
	[dreg:$0x2] =	wrdreg s3  }
0xa9: {  	[dreg:$0x3] =	wrdreg s5  }
0xaa: {  	[dreg:$0x4] =	wrdreg $0xC0  }
0xab: {  	_ =	task [dreg:s7], $0x5FFFF  }
0xac: {  	[dreg:$0x1] =	wrdreg $0xFFFFFFFF  }
0xad: {  	[dreg:$0x0] =	wrdreg $0x60  }
0xae: {  	[dreg:$0x2] =	wrdreg s2  }
0xaf: {  	[dreg:$0x3] =	wrdreg s24  }
0xb0: {  	[dreg:$0x4] =	wrdreg $0x9  }
0xb1: {  	_ =	task.clear_ibuf [dreg:s7], $0x5FFFF;
	_ =	strace $0x90000046  }
0xb2: {  	s29 =	simm.s32 $0x9;
	_ =	strace $0x80000048  }
0xb3: {  	_ =	swait.ge [sflag:s29], $0x1  }
0xb4: {  	[sflag:s29] =	ssyncadd.s32 $0xFFFFFFFF  }
0xb5: {  	_ =	strace $0x90000048  }
0xb6: {  	_ =	sfence  }
0xb7: {  	s30 =	sld [smem:$0x0];
	_ =	sdelay $0x2  }
0xb8: {  	s31 =	sshll.u32 s1, $0xD;
	s1 =	sshrl.u32 s1, $0x2  }
0xb9: {  	s3 =	sand.u32 $0x4000, s31;
	s1 =	sadd.s32 s1, s30  }
0xba: {  	s0 =	sor.u32 s3, s0;
	s1 =	sshll.u32 s1, $0x11  }
0xbb: {  	s0 =	sor.u32 s1, s0  }
0xbc: {  	s0 =	sadd.s32 $0x8F2B, s0  }
0xbd: {  	[sflag:s0] =	ssyncadd.remote.s32 $0x1  }
0xbe: {  	_ =	sfence.sel $0xFFFF  }
0xbf: {  	[dreg:$0x0] =	wrdreg $0xFFFFFFFF;
	(pc) =	sbr.abs _section_cstart, $3  }
0xc0: {  	[dreg:$0x1] =	wrdreg $0xFFFFFFFF  }
0xc1: {  	_ =	task.clear_ibuf [dreg:s7], $0x2FFFF;
	_ =	strace $0x9FFFFFFF  }
0xc2: {  	(tm) =	ssettm $0x7FFFFFFF  }
0xc3: {  	_ =	shalt  }
tec
execute0_lowered:
.L_overlay_start_1:
0x0: {  	(tag) =	ssettag $0x1  }
0x1: {  	s1 =	srdreg.scid;
	s2 =	rddreg [dreg:$0x0]  }
0x2: {  	s0 =	stileid.u32;
	s5 =	rddreg [dreg:$0x1];
	s6 =	simm.s32 $0x1  }
0x3: {  	s9 =	simm.s32 $0x1;
	s10 =	simm.s32 $0x3;
	s1 =	sshll.u32 s1, $0x8  }
0x4: {  	s13 =	simm.s32 $0x0;
	s3 =	sshll.u32 s0, $0x9;
	s4 =	sand.u32 $0x100, s1  }
0x5: {  	s12 =	simm.s32 $0x0;
	s1 =	rddreg [dreg:$0x2];
	s3 =	sor.u32 s3, s4  }
0x6: {  	_ =	strace $0x80000047;
	s4 =	sadd.s32 $0x1C00, s5;
	s8 =	ssub.s32 $0x4000, s3  }
.Ltmp0:
0x7: {  	s5 =	sadd.s32 $0x2800, s5;
	s7 =	sand.u32 $0x1F00, s8;
	(pc) =	sbr.rel .LBB2_1-.Ltmp0, $4  }
0x8: {  	[sflag:s6] =	ssyncpa.u1 $0x0;
	s11 =	smov.u32 s3;
	p0 =	sne.s32 s7, $0x0  }
0x9: {  	s8 =	sshrl.u32 s8, $0xD;
	s7 =	simm.s32 $0x2;
	s9 =	simm.s32 @!p0 $0x0  }
0xa: {  	[sflag:s7] =	ssyncpa.u1 $0x0;
	p0 =	por $0x0, $0x0;
	s8 =	sadd.s32 s9, s8  }
0xb: {  	vm0 =	vmmov $0xffff;
	[sflag:s10] =	ssyncpa.u1 $0x0;
	s10 =	simm.s32 $0x0;
	s9 =	sadd.s32 $0x1, s8  }
.LBB2_4:
0xc: {  	v2 =	vnsel vm1, $0x0, v2  }
0xd: {  	vm1 =	vgt.s32 v0, $0x0;
	v2 =	vmin.u32 v2, $0x1869F  }
0xe: {  	v0 =	vnsel vm1, $0x0, v0  }
0xf: {  	v0 =	vmin.u32 v0, $0x1869F  }
0x10: {  	[tilespmem:s15], [sflag:$0x1] =	stream.indirect_vreg.gather [hbm4b:s2+s10], $0x1, v1, vm0, $0x4038;
	[tilespmem:$0x400] =	vst v63  }
0x11: {  	(ifvalue) =	ssetifvalue $0x7FFFFFFF  }
0x12: {  	[tilespmem:s16], [sflag:$0x1] =	stream.indirect_vreg.gather [hbm4b:s2+s10], $0x1, v2, vm0, $0x4038;
	[tilespmem:$0x400] =	vst v63  }
0x13: {  	s29 =	sadd.s32 $0x10, s16;
	(ifvalue) =	ssetifvalue $0x7FFFFFFF  }
0x14: {  	[tilespmem:s29], [sflag:$0x1] =	stream.indirect_vreg.gather [hbm4b:s2+s10], $0x1, v0, vm0, $0x4038;
	[tilespmem:$0x400] =	vst v63  }
0x15: {  	_ =	swait.ge [sflag:s6], $0x100  }
0x16: {  	s30 =	sshrl.u32 s13, $0x3;
	[sflag:s6] =	ssyncset.done $0x0  }
0x17: {  	s31 =	sand.u32 $0x7, s13;
	s15 =	sadd.s32 s5, s30;
	[sflag:s6] =	ssyncadd.s32 $0xFFFFFF00  }
0x18: {  	[hbm4b:s15+s31] =	stream.linear.scatter [tilespmem:s14], [sflag:$0x3], $0x100, $0x38;
	[tilespmem:$0x400] =	vst v63  }
.LBB2_5:
0x19: {  	s15 =	sadd.s32 $0x2000, s11  }
0x1a: {  	p2 =	sgt.s32 s15, $0x3FFF  }
0x1b: {  	s15 =	smov.u32 @p2 s3;
	p2 =	sne.s32 s12, s9  }
.Ltmp1:
0x1c: {  	p1 =	slt.u32 s12, $0x2;
	(pc) =	sbr.rel @!p2 .LBB2_6-.Ltmp1, $4  }
0x1d: {  	s14 =	simm.s32 @!p1 $0x3  }
0x1e: {  	s16 =	sadd.s32 $0x1, s12;
	_ =	swait.ge @!p1 [sflag:s14], $0x100  }
0x1f: {  	s13 =	smov.u32 s11;
	p0 =	por !p0, !p0;
	[sflag:s14] =	ssyncset.done @!p1 $0x0  }
0x20: {  	s12 =	smov.u32 s16;
	s11 =	smov.u32 s15;
	[sflag:s14] =	ssyncadd.s32 @!p1 $0xFFFFFF00  }
.LBB2_1:
0x21: {  	p1 =	sge.u32 s12, s8  }
0x22: {  	s14 =	sxor.u32 @!p1 $0xFFFFFFFF, s12  }
0x23: {  	s31 =	sadd.s32 $0xFFFFFFFF, s12;
	s15 =	sshrl.u32 @!p1 s11, $0x3;
	s14 =	sshll.u32 @!p1 s14, $0x8  }
0x24: {  	s16 =	sand.u32 @!p1 $0x7, s11;
	s15 =	sadd.s32 @!p1 s4, s15;
	s14 =	sand.u32 @!p1 $0x100, s14  }
0x25: {  	[tilespmem:s14], [sflag:$0x2] =	stream.linear.gather @!p1 [hbm4b:s15+s16], $0x100, $0x38;
	[tilespmem:$0x400] =	vst v63  }
0x26: {  	p1 =	sge.u32 s31, s8  }
.Ltmp2:
0x27: {  	_ = 	snop;
	(pc) =	sbr.rel @p1 .LBB2_5-.Ltmp2, $1  }
0x28: {  	_ =	sdelay $0x3  }
0x29: {  	s14 =	simm.s32 $0x1  }
0x2a: {  	_ =	swait.ge [sflag:s7], $0x100;
	s14 =	simm.s32 @!p0 $0x0  }
0x2b: {  	[sflag:s7] =	ssyncset.done $0x0;
	s14 =	sshll.u32 s14, $0x8  }
0x2c: {  	[sflag:s7] =	ssyncadd.s32 $0xFFFFFF00;
	(ifvalue) =	ssetifvalue $0x7FFFFFFF;
	v0 =	vld.msk [tilespmem:s14+$0x0 ss:$0x1], $0xffff;
	_ =	sdelay $0x4  }
0x2d: {  	s15 =	sadd.s32 $0x10, s14;
	vm1 =	vgt.s32 v0, $0x0  }
0x2e: {  	v2 =	vld.msk [tilespmem:s15+$0x0 ss:$0x1], $0xffff;
	v1 =	vnsel vm1, $0x0, v0  }
0x2f: {  	v1 =	vmin.u32 v1, $0x1869F;
	_ =	sdelay $0x1  }
0x30: {  	s16 =	sshll.u32 s12, $0x8;
	s18 =	simm.s32 $0x20  }
0x31: {  	s16 =	sand.u32 $0x100, s16;
	s17 =	sadd.s32 $0x10, s15;
	s15 =	sor.u32 $0x200, s14  }
0x32: {  	s14 =	sor.u32 $0x200, s16;
	s16 =	sadd.s32 $0x10, s15;
	v0 =	vld.msk [tilespmem:s17+$0x0 ss:$0x1], $0xffff;
	vm1 =	vgt.s32 v2, $0x0;
	(ifvalue) =	ssetifvalue $0x7FFFFFFF  }
.LBB2_3:
0x33: {  	[tilespmem:s15], [sflag:$0x1] =	stream.indirect_vreg.gather [hbm4b:s2+s10], $0x1, v1, vm0, $0x4038;
	[tilespmem:$0x400] =	vst v63  }
0x34: {  	s18 =	sadd.s32 $0x10, s18  }
0x35: {  	v2 =	vnsel vm1, $0x0, v2;
	p1 =	slt.u32 s18, $0xF0  }
.Ltmp3:
0x36: {  	s15 =	smov.u32 s16;
	v1 =	vmin.u32 v2, $0x1869F;
	(pc) =	sbr.rel @p1 .LBB2_3-.Ltmp3, $3  }
0x37: {  	_ =	sdelay $0x1  }
0x38: {  	s17 =	sadd.s32 $0x10, s17  }
0x39: {  	vm1 =	vgt.s32 v0, $0x0;
	s16 =	sadd.s32 $0x10, s16;
	v2 =	vmov v0;
	(ifvalue) =	ssetifvalue $0x7FFFFFFF;
	v0 =	vld.msk [tilespmem:s17+$0x0 ss:$0x1], $0xffff  }
.Ltmp4:
0x3a: {  	_ = 	snop;
	(pc) =	sbr.rel .LBB2_4-.Ltmp4, $1  }
0x3b: {  	_ =	sdelay $0x3  }
.LBB2_6:
0x3c: {  	_ =	sfence.sel $0x180000  }
0x3d: {  	s2 =	simm.s32 $0x2;
	[bflag:$0x0] =	sbarrier.arrive $0xFFFF  }
0x3e: {  	s30 =	simm.s32 $0x3;
	[sflag:s2] =	ssyncpa.u1 $0x1  }
0x3f: {  	s31 =	simm.s32 $0x1;
	[sflag:s30] =	ssyncpa.u1 $0x1  }
0x40: {  	[sflag:s31] =	ssyncpa.u1 $0x1  }
0x41: {  	p0 =	sne.s32 s0, $0x0;
	_ =	strace $0x90000047  }
0x42: {  	s0 =	sadd.s32 @!p0 $0x100000, s1;
	[bflag:$0x2] =	sbarrier.arrive $0xFFFF  }
0x43: {  	[sflag:s0] =	ssyncadd.tile.s32 @!p0 $0x1;
	_ =	shalt  }
.Lfunc_end2:
_tile_overlayer_lowered:
.L_overlay_start_2:
0x44: {  	(tag) =	ssettag $0x2  }
0x45: {  	s0 =	rddreg [dreg:$0x0];
	s2 =	stileid.u32  }
0x46: {  	s1 =	rddreg [dreg:$0x1];
	p0 =	sne.s32 s2, $0x0  }
0x47: {  	s3 =	rddreg [dreg:$0x2];
	[bflag:$0x3] =	sbarrier.arrive $0xFFFF;
	s2 =	simm.s32 @!p0 $0x1C01  }
0x48: {  	[timem:s3], [sflag:s2] =	dma.local @!p0 [hbm:s0], s1  }
0x49: {  	s0 =	simm.s32 @!p0 $0x1  }
0x4a: {  	_ =	swait.ge @!p0 [sflag:s0], s1  }
0x4b: {  	s1 =	ssub.s32 @!p0 $0x0, s1;
	[sflag:s0] =	ssyncset.done @!p0 $0x0  }
0x4c: {  	[sflag:s0] =	ssyncadd.s32 @!p0 s1  }
0x4d: {  	[bflag:$0x3] =	sbarrier.arrive $0xFFFF  }
0x4e: {  	_ =	shalt  }

// kernel: gather_offload_async_start
scs
__scs_entry_jumppad:
0x0: {  	(pc) =	sbr.rel $0x88, $3  }
0x1: {  	(tag) =	ssettag $0x0;
	lr =	simm.s32 $0x1  }
0x2: {  	[smem:$0x3F9B] =	sst lr;
	_ =	strace $0xD0000000  }
0x3: {  	_ = 	snop  }
0x4: {  	_ = 	snop  }
0x5: {  	_ = 	snop  }
0x6: {  	_ = 	snop  }
0x7: {  	_ = 	snop  }
__scs_overlays_trampoline_lowered:
0x8: {  	[smem:$0x3FAA] =	sst s0  }
0x9: {  	[smem:$0x3FAB] =	sst s1  }
0xa: {  	[smem:$0x3FAC] =	sst s2  }
0xb: {  	[smem:$0x3FAD] =	sst s3  }
0xc: {  	[smem:$0x3FAE] =	sst s4  }
0xd: {  	[smem:$0x3FAF] =	sst s5  }
0xe: {  	[smem:$0x3FB0] =	sst s6  }
0xf: {  	[smem:$0x3FB1] =	sst s7  }
0x10: {  	[smem:$0x3FB2] =	sst s8  }
0x11: {  	[smem:$0x3FB3] =	sst s9;
	s0 =	simm.s32 @!p0 $0x0  }
0x12: {  	s1 =	sld [smem:$0x3F99];
	s0 =	simm.s32 @p0 $0x1  }
0x13: {  	[smem:$0x3FB4] =	sst s0;
	s0 =	simm.s32 @!p1 $0x0  }
0x14: {  	s2 =	sld [smem:$0x3F98];
	s0 =	simm.s32 @p1 $0x1  }
0x15: {  	[smem:$0x3FB5] =	sst s0;
	s0 =	simm.s32 @!p2 $0x0  }
0x16: {  	s3 =	sld [smem:$0x3FDB];
	s0 =	simm.s32 @p2 $0x1  }
0x17: {  	s4 =	simm.s32 $0x1BF5;
	[smem:$0x3FB7] =	sst s0  }
0x18: {  	s0 =	sld [smem:$0x3F9A];
	_ =	swait.ge [sflag:s4], $0x0  }
0x19: {  	s7 =	sld [smem:$0x3F9B]  }
0x1a: {  	s8 =	sadd.s32 $0xFFFFE003, lr  }
0x1b: {  	s9 =	sadd.s32 $0xFFFFFEF7, lr;
	s5 =	simm.s32 $0xFFFFFFFF;
	p2 =	slt.u32 s8, $0xFFFFF086  }
0x1c: {  	p1 =	slt.u32 s9, $0xF7A;
	s5 =	simm.s32 @!p2 $0x0  }
0x1d: {  	s5 =	simm.s32 @p1 $0x1;
	p0 =	seq.s32 s7, s2  }
0x1e: {  	s7 =	smul.u32 @!p0 $0xF7A, s2;
	p2 =	seq.s32 @!p0 s5, $0x0  }
0x1f: {  	s9 =	smul.u32 $0xF7A, s1;
	s8 =	simm.s32 @!p0 $0x1BF5;
	p2 =	por !p2, p0  }
0x20: {  	[sflag:s8] =	ssyncset.s32 @!p0 $0xFFFFF086;
	s6 =	sadd.s32 @!p0 s3, s7;
	s7 =	simm.s32 @!p0 $0x108  }
0x21: {  	s3 =	sadd.s32 s3, s9;
	s6 =	sadd.s32 @!p0 $0x88, s6;
	s7 =	simm.s32 @p2 $0x1082  }
0x22: {  	[simem:s7], [sflag:s8] =	dma.local @!p0 [hbm:s6], $0xF7A  }
0x23: {  	s9 =	sor.u32 $0xD0000000, s2;
	s6 =	simm.s32 $0x108;
	_ =	swait.ge @!p0 [sflag:s8], $0x0  }
0x24: {  	s3 =	sadd.s32 $0x88, s3;
	s6 =	simm.s32 @!p1 $0x1082;
	[sflag:s4] =	ssyncset.s32 $0xFFFFF086  }
0x25: {  	[simem:s6], [sflag:s4] =	dma.local [hbm:s3], $0xF7A  }
0x26: {  	[smem:$0x3F9B] =	sst s1;
	(tag) =	ssettag s2;
	_ =	strace s9  }
0x27: {  	s1 =	sld [smem:$0x3FAB]  }
0x28: {  	s2 =	sld [smem:$0x3FAC]  }
0x29: {  	s4 =	sld [smem:$0x3FAE]  }
0x2a: {  	p0 =	seq.s32 s5, $0x0;
	s5 =	sld [smem:$0x3FAF]  }
0x2b: {  	s6 =	sld [smem:$0x3FB0]  }
0x2c: {  	s7 =	sld [smem:$0x3FB1]  }
0x2d: {  	s3 =	simm.s32 $0x108;
	s8 =	sld [smem:$0x3FB2]  }
0x2e: {  	s3 =	simm.s32 @!p0 $0x1082;
	s9 =	sld [smem:$0x3FB3]  }
0x2f: {  	lr =	sadd.s32 s0, s3;
	s0 =	sld [smem:$0x3FAA]  }
0x30: {  	s3 =	sld [smem:$0x3FAD]  }
0x31: {  	[smem:$0x3FB6] =	sst s10  }
0x32: {  	s10 =	sld [smem:$0x3FB4];
	_ =	sdelay $0x3  }
0x33: {  	p0 =	seq.s32 s10, $0x1;
	s10 =	sld [smem:$0x3FB6];
	_ =	sdelay $0x3  }
0x34: {  	[smem:$0x3FB6] =	sst s10  }
0x35: {  	s10 =	sld [smem:$0x3FB5];
	_ =	sdelay $0x3  }
0x36: {  	p1 =	seq.s32 s10, $0x1;
	s10 =	sld [smem:$0x3FB6];
	_ =	sdelay $0x3  }
0x37: {  	[smem:$0x3FB6] =	sst s10  }
0x38: {  	s10 =	sld [smem:$0x3FB7]  }
0x39: {  	_ = 	snop;
	(pc) =	sbr.ind lr, $3  }
0x3a: {  	_ = 	snop  }
0x3b: {  	_ = 	snop  }
0x3c: {  	p2 =	seq.s32 s10, $0x1;
	s10 =	sld [smem:$0x3FB6]  }
0x3d: {  	_ =	shalt  }
0x3e: {  	_ =	shalt  }
0x3f: {  	_ =	shalt  }
0x40: {  	_ =	shalt  }
0x41: {  	_ =	shalt  }
0x42: {  	_ =	shalt  }
0x43: {  	_ =	shalt  }
0x44: {  	_ =	shalt  }
0x45: {  	_ =	shalt  }
0x46: {  	_ =	shalt  }
0x47: {  	_ =	shalt  }
0x48: {  	_ =	shalt  }
0x49: {  	_ =	shalt  }
0x4a: {  	_ =	shalt  }
0x4b: {  	_ =	shalt  }
0x4c: {  	_ =	shalt  }
0x4d: {  	_ =	shalt  }
0x4e: {  	_ =	shalt  }
0x4f: {  	_ =	shalt  }
0x50: {  	_ =	shalt  }
0x51: {  	_ =	shalt  }
0x52: {  	_ =	shalt  }
0x53: {  	_ =	shalt  }
0x54: {  	_ =	shalt  }
0x55: {  	_ =	shalt  }
0x56: {  	_ =	shalt  }
0x57: {  	_ =	shalt  }
0x58: {  	_ =	shalt  }
0x59: {  	_ =	shalt  }
0x5a: {  	_ =	shalt  }
0x5b: {  	_ =	shalt  }
0x5c: {  	_ =	shalt  }
0x5d: {  	_ =	shalt  }
0x5e: {  	_ =	shalt  }
0x5f: {  	_ =	shalt  }
0x60: {  	_ =	shalt  }
0x61: {  	_ =	shalt  }
0x62: {  	_ =	shalt  }
0x63: {  	_ =	shalt  }
0x64: {  	_ =	shalt  }
0x65: {  	_ =	shalt  }
0x66: {  	_ =	shalt  }
0x67: {  	_ =	shalt  }
0x68: {  	_ =	shalt  }
0x69: {  	_ =	shalt  }
0x6a: {  	_ =	shalt  }
0x6b: {  	_ =	shalt  }
0x6c: {  	_ =	shalt  }
0x6d: {  	_ =	shalt  }
0x6e: {  	_ =	shalt  }
0x6f: {  	_ =	shalt  }
0x70: {  	_ =	shalt  }
0x71: {  	_ =	shalt  }
0x72: {  	_ =	shalt  }
0x73: {  	_ =	shalt  }
0x74: {  	_ =	shalt  }
0x75: {  	_ =	shalt  }
0x76: {  	_ =	shalt  }
0x77: {  	_ =	shalt  }
0x78: {  	_ =	shalt  }
0x79: {  	_ =	shalt  }
0x7a: {  	_ =	shalt  }
0x7b: {  	_ =	shalt  }
0x7c: {  	_ =	shalt  }
0x7d: {  	_ =	shalt  }
0x7e: {  	_ =	shalt  }
0x7f: {  	_ =	shalt  }
0x80: {  	_ =	shalt  }
0x81: {  	_ =	shalt  }
0x82: {  	_ =	shalt  }
0x83: {  	_ =	shalt  }
0x84: {  	_ =	shalt  }
0x85: {  	_ =	shalt  }
0x86: {  	_ =	shalt  }
0x87: {  	_ =	shalt  }
.Lfunc_end0:
.L_simem_size_0:
called_computation.1_lowered:
.L_overlay_start_0:
0x88: {  	s2 =	sld [smem:$0x3FD9]  }
0x89: {  	s3 =	sld [smem:$0x3FFE];
	_ =	sdelay $0x1  }
0x8a: {  	s1 =	srdreg.scid  }
0x8b: {  	s0 =	sand.u32 $0x1, s1  }
0x8c: {  	s16 =	sshll.u32 s0, $0xA;
	s2 =	sadd.s32 s3, s2  }
0x8d: {  	s2 =	sadd.s32 s2, s16  }
0x8e: {  	[smem:$0x3FC2] =	sst s2  }
0x8f: {  	_ = 	snop  }
0x90: {  	(tm) =	ssettm $0x1  }
0x91: {  	s17 =	sld [smem:$0x3FFB];
	_ =	sdelay $0x3  }
0x92: {  	_ =	strace s17  }
0x93: {  	s2 =	sld [smem:$0x3FFC];
	_ =	sdelay $0x3  }
0x94: {  	_ =	strace s2  }
0x95: {  	s2 =	sld [smem:$0x3FFD];
	_ =	sdelay $0x3  }
0x96: {  	_ =	strace s2  }
0x97: {  	_ =	strace $0x8FFFFFFF  }
0x98: {  	s18 =	sld [smem:$0x3FDB];
	_ =	sdelay $0x1  }
0x99: {  	s19 =	simm.s32 $_scs_section_size  }
0x9a: {  	s4 =	simm.s32 $_size__tile_overlayer_lowered;
	s5 =	simm.s32 $_tile_overlayer_lowered  }
0x9b: {  	s22 =	simm.s32 $0x1BFF;
	s21 =	sshll.u32 s5, $0x1;
	s2 =	sadd.s32 s19, s18  }
0x9c: {  	s6 =	simm.s32 $0x0;
	s20 =	sshll.u32 s4, $0x1;
	s4 =	sadd.s32 s21, s2  }
0x9d: {  	[timem:s6], [sflag:s22] =	dma.local [hbm:s4], s20  }
0x9e: {  	_ =	swait.ge [sflag:s22], s20  }
0x9f: {  	s3 =	ssub.s32 $0x0, s20;
	[sflag:s22] =	ssyncset.done $0x0  }
0xa0: {  	[sflag:s22] =	ssyncadd.s32 s3;
	_ =	sdelay $0x1  }
0xa1: {  	s23 =	simm.s32 $0x1B8B  }
0xa2: {  	_ =	swait.ge [sflag:s23], $0x1  }
0xa3: {  	[sflag:s23] =	ssyncset.done $0x0  }
0xa4: {  	s25 =	simm.s32 $0x1B8E;
	s24 =	sld [smem:$0x3FFE];
	[sflag:s23] =	ssyncadd.s32 $0xFFFFFFFF  }
0xa5: {  	s26 =	simm.s32 $execute0_lowered;
	[smem:$0x3FD2] =	sst s25  }
0xa6: {  	s4 =	sshll.u32 s26, $0x1;
	_ =	strace $0x8000004C;
	[dreg:$0x1] =	wrdreg $0xFFFFFFFF  }
0xa7: {  	s28 =	simm.s32 $_size_execute0_lowered;
	s2 =	sadd.s32 s2, s4;
	[dreg:$0x0] =	wrdreg $0x0  }
0xa8: {  	s4 =	sshll.u32 s28, $0x1;
	[dreg:$0x2] =	wrdreg s2  }
0xa9: {  	[dreg:$0x3] =	wrdreg s4  }
0xaa: {  	[dreg:$0x4] =	wrdreg $0xC0  }
0xab: {  	_ =	task [dreg:s6], $0x5FFFF  }
0xac: {  	[dreg:$0x1] =	wrdreg $0xFFFFFFFF  }
0xad: {  	[dreg:$0x0] =	wrdreg $0x60  }
0xae: {  	[dreg:$0x2] =	wrdreg s24  }
0xaf: {  	[dreg:$0x3] =	wrdreg $0x9  }
0xb0: {  	_ =	task.clear_ibuf [dreg:s6], $0x4FFFF;
	_ =	strace $0x9000004C  }
0xb1: {  	s29 =	simm.s32 $0x9;
	_ =	strace $0x8000004E  }
0xb2: {  	_ =	swait.ge [sflag:s29], $0x1  }
0xb3: {  	[sflag:s29] =	ssyncadd.s32 $0xFFFFFFFF  }
0xb4: {  	_ =	strace $0x9000004E  }
0xb5: {  	_ =	sfence  }
0xb6: {  	s30 =	sld [smem:$0x0];
	_ =	sdelay $0x2  }
0xb7: {  	s31 =	sshll.u32 s1, $0xD;
	s1 =	sshrl.u32 s1, $0x2  }
0xb8: {  	s3 =	sand.u32 $0x4000, s31;
	s1 =	sadd.s32 s1, s30  }
0xb9: {  	s0 =	sor.u32 s3, s0;
	s1 =	sshll.u32 s1, $0x11  }
0xba: {  	s0 =	sor.u32 s1, s0  }
0xbb: {  	s0 =	sadd.s32 $0x8F2B, s0  }
0xbc: {  	[sflag:s0] =	ssyncadd.remote.s32 $0x1  }
0xbd: {  	_ =	sfence.sel $0xFFFF  }
0xbe: {  	[dreg:$0x0] =	wrdreg $0xFFFFFFFF;
	(pc) =	sbr.abs _section_cstart, $3  }
0xbf: {  	[dreg:$0x1] =	wrdreg $0xFFFFFFFF  }
0xc0: {  	_ =	task.clear_ibuf [dreg:s6], $0x2FFFF;
	_ =	strace $0x9FFFFFFF  }
0xc1: {  	(tm) =	ssettm $0x7FFFFFFF  }
tec
execute0_lowered:
.L_overlay_start_1:
0x0: {  	(tag) =	ssettag $0x1  }
0x1: {  	s0 =	srdreg.scid;
	s5 =	rddreg [dreg:$0x0]  }
0x2: {  	s1 =	stileid.u32;
	s6 =	simm.s32 $0x1;
	s9 =	simm.s32 $0x1  }
0x3: {  	s10 =	simm.s32 $0x3;
	s13 =	simm.s32 $0x0;
	s2 =	sshll.u32 s0, $0x8  }
0x4: {  	s12 =	simm.s32 $0x0;
	s3 =	sshll.u32 s1, $0x9;
	s2 =	sand.u32 $0x100, s2  }
0x5: {  	s0 =	rddreg [dreg:$0x1];
	_ =	strace $0x8000004D;
	s2 =	sor.u32 s3, s2  }
0x6: {  	s4 =	sadd.s32 $0x4200, s5;
	[sflag:s6] =	ssyncpa.u1 $0x0;
	s8 =	ssub.s32 $0x4000, s2  }
.Ltmp0:
0x7: {  	s3 =	sadd.s32 $0x2800, s5;
	s7 =	sand.u32 $0x1F00, s8;
	(pc) =	sbr.rel .LBB2_1-.Ltmp0, $4  }
0x8: {  	s5 =	sadd.s32 $0x5000, s5;
	s11 =	smov.u32 s2;
	p0 =	sne.s32 s7, $0x0  }
0x9: {  	s8 =	sshrl.u32 s8, $0xD;
	s7 =	simm.s32 $0x2;
	s9 =	simm.s32 @!p0 $0x0  }
0xa: {  	[sflag:s7] =	ssyncpa.u1 $0x0;
	p0 =	por $0x0, $0x0;
	s8 =	sadd.s32 s9, s8  }
0xb: {  	vm0 =	vmmov $0xffff;
	[sflag:s10] =	ssyncpa.u1 $0x0;
	s10 =	simm.s32 $0x0;
	s9 =	sadd.s32 $0x1, s8  }
.LBB2_4:
0xc: {  	v2 =	vnsel vm1, $0x0, v2  }
0xd: {  	vm1 =	vgt.s32 v0, $0x0;
	v2 =	vmin.u32 v2, $0x3FFF  }
0xe: {  	v0 =	vnsel vm1, $0x0, v0  }
0xf: {  	v0 =	vmin.u32 v0, $0x3FFF  }
0x10: {  	[tilespmem:s15], [sflag:$0x1] =	stream.indirect_vreg.gather [hbm4b:s3+s10], $0x1, v1, vm0, $0x4038;
	[tilespmem:$0x400] =	vst v63  }
0x11: {  	(ifvalue) =	ssetifvalue $0x7FFFFFFF  }
0x12: {  	[tilespmem:s16], [sflag:$0x1] =	stream.indirect_vreg.gather [hbm4b:s3+s10], $0x1, v2, vm0, $0x4038;
	[tilespmem:$0x400] =	vst v63  }
0x13: {  	s29 =	sadd.s32 $0x10, s16;
	(ifvalue) =	ssetifvalue $0x7FFFFFFF  }
0x14: {  	[tilespmem:s29], [sflag:$0x1] =	stream.indirect_vreg.gather [hbm4b:s3+s10], $0x1, v0, vm0, $0x4038;
	[tilespmem:$0x400] =	vst v63  }
0x15: {  	_ =	swait.ge [sflag:s6], $0x100  }
0x16: {  	s30 =	sshrl.u32 s13, $0x3;
	[sflag:s6] =	ssyncset.done $0x0  }
0x17: {  	s31 =	sand.u32 $0x7, s13;
	s15 =	sadd.s32 s5, s30;
	[sflag:s6] =	ssyncadd.s32 $0xFFFFFF00  }
0x18: {  	[hbm4b:s15+s31] =	stream.linear.scatter [tilespmem:s14], [sflag:$0x3], $0x100, $0x38;
	[tilespmem:$0x400] =	vst v63  }
.LBB2_5:
0x19: {  	s15 =	sadd.s32 $0x2000, s11  }
0x1a: {  	p2 =	sgt.s32 s15, $0x3FFF  }
0x1b: {  	s15 =	smov.u32 @p2 s2;
	p2 =	sne.s32 s12, s9  }
.Ltmp1:
0x1c: {  	p1 =	slt.u32 s12, $0x2;
	(pc) =	sbr.rel @!p2 .LBB2_6-.Ltmp1, $4  }
0x1d: {  	s14 =	simm.s32 @!p1 $0x3  }
0x1e: {  	s16 =	sadd.s32 $0x1, s12;
	_ =	swait.ge @!p1 [sflag:s14], $0x100  }
0x1f: {  	s13 =	smov.u32 s11;
	p0 =	por !p0, !p0;
	[sflag:s14] =	ssyncset.done @!p1 $0x0  }
0x20: {  	s12 =	smov.u32 s16;
	s11 =	smov.u32 s15;
	[sflag:s14] =	ssyncadd.s32 @!p1 $0xFFFFFF00  }
.LBB2_1:
0x21: {  	p1 =	sge.u32 s12, s8  }
0x22: {  	s14 =	sxor.u32 @!p1 $0xFFFFFFFF, s12  }
0x23: {  	s31 =	sadd.s32 $0xFFFFFFFF, s12;
	s15 =	sshrl.u32 @!p1 s11, $0x3;
	s14 =	sshll.u32 @!p1 s14, $0x8  }
0x24: {  	s16 =	sand.u32 @!p1 $0x7, s11;
	s15 =	sadd.s32 @!p1 s4, s15;
	s14 =	sand.u32 @!p1 $0x100, s14  }
0x25: {  	[tilespmem:s14], [sflag:$0x2] =	stream.linear.gather @!p1 [hbm4b:s15+s16], $0x100, $0x38;
	[tilespmem:$0x400] =	vst v63  }
0x26: {  	p1 =	sge.u32 s31, s8  }
.Ltmp2:
0x27: {  	_ = 	snop;
	(pc) =	sbr.rel @p1 .LBB2_5-.Ltmp2, $1  }
0x28: {  	_ =	sdelay $0x3  }
0x29: {  	s14 =	simm.s32 $0x1  }
0x2a: {  	_ =	swait.ge [sflag:s7], $0x100;
	s14 =	simm.s32 @!p0 $0x0  }
0x2b: {  	[sflag:s7] =	ssyncset.done $0x0;
	s14 =	sshll.u32 s14, $0x8  }
0x2c: {  	[sflag:s7] =	ssyncadd.s32 $0xFFFFFF00;
	(ifvalue) =	ssetifvalue $0x7FFFFFFF;
	v0 =	vld.msk [tilespmem:s14+$0x0 ss:$0x1], $0xffff;
	_ =	sdelay $0x4  }
0x2d: {  	s15 =	sadd.s32 $0x10, s14;
	vm1 =	vgt.s32 v0, $0x0  }
0x2e: {  	v2 =	vld.msk [tilespmem:s15+$0x0 ss:$0x1], $0xffff;
	v1 =	vnsel vm1, $0x0, v0  }
0x2f: {  	v1 =	vmin.u32 v1, $0x3FFF;
	_ =	sdelay $0x1  }
0x30: {  	s16 =	sshll.u32 s12, $0x8;
	s18 =	simm.s32 $0x20  }
0x31: {  	s16 =	sand.u32 $0x100, s16;
	s17 =	sadd.s32 $0x10, s15;
	s15 =	sor.u32 $0x200, s14  }
0x32: {  	s14 =	sor.u32 $0x200, s16;
	s16 =	sadd.s32 $0x10, s15;
	v0 =	vld.msk [tilespmem:s17+$0x0 ss:$0x1], $0xffff;
	vm1 =	vgt.s32 v2, $0x0;
	(ifvalue) =	ssetifvalue $0x7FFFFFFF  }
.LBB2_3:
0x33: {  	[tilespmem:s15], [sflag:$0x1] =	stream.indirect_vreg.gather [hbm4b:s3+s10], $0x1, v1, vm0, $0x4038;
	[tilespmem:$0x400] =	vst v63  }
0x34: {  	s18 =	sadd.s32 $0x10, s18  }
0x35: {  	v2 =	vnsel vm1, $0x0, v2;
	p1 =	slt.u32 s18, $0xF0  }
.Ltmp3:
0x36: {  	s15 =	smov.u32 s16;
	v1 =	vmin.u32 v2, $0x3FFF;
	(pc) =	sbr.rel @p1 .LBB2_3-.Ltmp3, $3  }
0x37: {  	_ =	sdelay $0x1  }
0x38: {  	s17 =	sadd.s32 $0x10, s17  }
0x39: {  	vm1 =	vgt.s32 v0, $0x0;
	s16 =	sadd.s32 $0x10, s16;
	v2 =	vmov v0;
	(ifvalue) =	ssetifvalue $0x7FFFFFFF;
	v0 =	vld.msk [tilespmem:s17+$0x0 ss:$0x1], $0xffff  }
.Ltmp4:
0x3a: {  	_ = 	snop;
	(pc) =	sbr.rel .LBB2_4-.Ltmp4, $1  }
0x3b: {  	_ =	sdelay $0x3  }
.LBB2_6:
0x3c: {  	_ =	sfence.sel $0x180000  }
0x3d: {  	s2 =	simm.s32 $0x2;
	[bflag:$0x0] =	sbarrier.arrive $0xFFFF  }
0x3e: {  	s30 =	simm.s32 $0x3;
	[sflag:s2] =	ssyncpa.u1 $0x1  }
0x3f: {  	s31 =	simm.s32 $0x1;
	[sflag:s30] =	ssyncpa.u1 $0x1  }
0x40: {  	[sflag:s31] =	ssyncpa.u1 $0x1  }
0x41: {  	p0 =	sne.s32 s1, $0x0;
	_ =	strace $0x9000004D  }
0x42: {  	s0 =	sadd.s32 @!p0 $0x100000, s0;
	[bflag:$0x2] =	sbarrier.arrive $0xFFFF  }
0x43: {  	[sflag:s0] =	ssyncadd.tile.s32 @!p0 $0x1;
	_ =	shalt  }
.Lfunc_end2:
_tile_overlayer_lowered:
.L_overlay_start_2:
0x44: {  	(tag) =	ssettag $0x2  }
0x45: {  	s0 =	rddreg [dreg:$0x0];
	s2 =	stileid.u32  }
0x46: {  	s1 =	rddreg [dreg:$0x1];
	p0 =	sne.s32 s2, $0x0  }
0x47: {  	s3 =	rddreg [dreg:$0x2];
	[bflag:$0x3] =	sbarrier.arrive $0xFFFF;
	s2 =	simm.s32 @!p0 $0x1C01  }
0x48: {  	[timem:s3], [sflag:s2] =	dma.local @!p0 [hbm:s0], s1  }
0x49: {  	s0 =	simm.s32 @!p0 $0x1  }
0x4a: {  	_ =	swait.ge @!p0 [sflag:s0], s1  }
0x4b: {  	s1 =	ssub.s32 @!p0 $0x0, s1;
	[sflag:s0] =	ssyncset.done @!p0 $0x0  }
0x4c: {  	[sflag:s0] =	ssyncadd.s32 @!p0 s1  }
0x4d: {  	[bflag:$0x3] =	sbarrier.arrive $0xFFFF  }
0x4e: {  	_ =	shalt  }

// kernel: kernel.6.cloned.1.call-start
scs
__scs_entry_jumppad:
0x0: {  	(pc) =	sbr.rel $0x88, $3  }
0x1: {  	(tag) =	ssettag $0x0;
	lr =	simm.s32 $0x1  }
0x2: {  	[smem:$0x3F9B] =	sst lr;
	_ =	strace $0xD0000000  }
0x3: {  	_ = 	snop  }
0x4: {  	_ = 	snop  }
0x5: {  	_ = 	snop  }
0x6: {  	_ = 	snop  }
0x7: {  	_ = 	snop  }
__scs_overlays_trampoline_lowered:
0x8: {  	[smem:$0x3FAA] =	sst s0  }
0x9: {  	[smem:$0x3FAB] =	sst s1  }
0xa: {  	[smem:$0x3FAC] =	sst s2  }
0xb: {  	[smem:$0x3FAD] =	sst s3  }
0xc: {  	[smem:$0x3FAE] =	sst s4  }
0xd: {  	[smem:$0x3FAF] =	sst s5  }
0xe: {  	[smem:$0x3FB0] =	sst s6  }
0xf: {  	[smem:$0x3FB1] =	sst s7  }
0x10: {  	[smem:$0x3FB2] =	sst s8  }
0x11: {  	[smem:$0x3FB3] =	sst s9;
	s0 =	simm.s32 @!p0 $0x0  }
0x12: {  	s1 =	sld [smem:$0x3F99];
	s0 =	simm.s32 @p0 $0x1  }
0x13: {  	[smem:$0x3FB4] =	sst s0;
	s0 =	simm.s32 @!p1 $0x0  }
0x14: {  	s2 =	sld [smem:$0x3F98];
	s0 =	simm.s32 @p1 $0x1  }
0x15: {  	[smem:$0x3FB5] =	sst s0;
	s0 =	simm.s32 @!p2 $0x0  }
0x16: {  	s3 =	sld [smem:$0x3FDB];
	s0 =	simm.s32 @p2 $0x1  }
0x17: {  	s4 =	simm.s32 $0x1BF5;
	[smem:$0x3FB7] =	sst s0  }
0x18: {  	s0 =	sld [smem:$0x3F9A];
	_ =	swait.ge [sflag:s4], $0x0  }
0x19: {  	s7 =	sld [smem:$0x3F9B]  }
0x1a: {  	s8 =	sadd.s32 $0xFFFFE003, lr  }
0x1b: {  	s9 =	sadd.s32 $0xFFFFFEF7, lr;
	s5 =	simm.s32 $0xFFFFFFFF;
	p2 =	slt.u32 s8, $0xFFFFF086  }
0x1c: {  	p1 =	slt.u32 s9, $0xF7A;
	s5 =	simm.s32 @!p2 $0x0  }
0x1d: {  	s5 =	simm.s32 @p1 $0x1;
	p0 =	seq.s32 s7, s2  }
0x1e: {  	s7 =	smul.u32 @!p0 $0xF7A, s2;
	p2 =	seq.s32 @!p0 s5, $0x0  }
0x1f: {  	s9 =	smul.u32 $0xF7A, s1;
	s8 =	simm.s32 @!p0 $0x1BF5;
	p2 =	por !p2, p0  }
0x20: {  	[sflag:s8] =	ssyncset.s32 @!p0 $0xFFFFF086;
	s6 =	sadd.s32 @!p0 s3, s7;
	s7 =	simm.s32 @!p0 $0x108  }
0x21: {  	s3 =	sadd.s32 s3, s9;
	s6 =	sadd.s32 @!p0 $0x88, s6;
	s7 =	simm.s32 @p2 $0x1082  }
0x22: {  	[simem:s7], [sflag:s8] =	dma.local @!p0 [hbm:s6], $0xF7A  }
0x23: {  	s9 =	sor.u32 $0xD0000000, s2;
	s6 =	simm.s32 $0x108;
	_ =	swait.ge @!p0 [sflag:s8], $0x0  }
0x24: {  	s3 =	sadd.s32 $0x88, s3;
	s6 =	simm.s32 @!p1 $0x1082;
	[sflag:s4] =	ssyncset.s32 $0xFFFFF086  }
0x25: {  	[simem:s6], [sflag:s4] =	dma.local [hbm:s3], $0xF7A  }
0x26: {  	[smem:$0x3F9B] =	sst s1;
	(tag) =	ssettag s2;
	_ =	strace s9  }
0x27: {  	s1 =	sld [smem:$0x3FAB]  }
0x28: {  	s2 =	sld [smem:$0x3FAC]  }
0x29: {  	s4 =	sld [smem:$0x3FAE]  }
0x2a: {  	p0 =	seq.s32 s5, $0x0;
	s5 =	sld [smem:$0x3FAF]  }
0x2b: {  	s6 =	sld [smem:$0x3FB0]  }
0x2c: {  	s7 =	sld [smem:$0x3FB1]  }
0x2d: {  	s3 =	simm.s32 $0x108;
	s8 =	sld [smem:$0x3FB2]  }
0x2e: {  	s3 =	simm.s32 @!p0 $0x1082;
	s9 =	sld [smem:$0x3FB3]  }
0x2f: {  	lr =	sadd.s32 s0, s3;
	s0 =	sld [smem:$0x3FAA]  }
0x30: {  	s3 =	sld [smem:$0x3FAD]  }
0x31: {  	[smem:$0x3FB6] =	sst s10  }
0x32: {  	s10 =	sld [smem:$0x3FB4];
	_ =	sdelay $0x3  }
0x33: {  	p0 =	seq.s32 s10, $0x1;
	s10 =	sld [smem:$0x3FB6];
	_ =	sdelay $0x3  }
0x34: {  	[smem:$0x3FB6] =	sst s10  }
0x35: {  	s10 =	sld [smem:$0x3FB5];
	_ =	sdelay $0x3  }
0x36: {  	p1 =	seq.s32 s10, $0x1;
	s10 =	sld [smem:$0x3FB6];
	_ =	sdelay $0x3  }
0x37: {  	[smem:$0x3FB6] =	sst s10  }
0x38: {  	s10 =	sld [smem:$0x3FB7]  }
0x39: {  	_ = 	snop;
	(pc) =	sbr.ind lr, $3  }
0x3a: {  	_ = 	snop  }
0x3b: {  	_ = 	snop  }
0x3c: {  	p2 =	seq.s32 s10, $0x1;
	s10 =	sld [smem:$0x3FB6]  }
0x3d: {  	_ =	shalt  }
0x3e: {  	_ =	shalt  }
0x3f: {  	_ =	shalt  }
0x40: {  	_ =	shalt  }
0x41: {  	_ =	shalt  }
0x42: {  	_ =	shalt  }
0x43: {  	_ =	shalt  }
0x44: {  	_ =	shalt  }
0x45: {  	_ =	shalt  }
0x46: {  	_ =	shalt  }
0x47: {  	_ =	shalt  }
0x48: {  	_ =	shalt  }
0x49: {  	_ =	shalt  }
0x4a: {  	_ =	shalt  }
0x4b: {  	_ =	shalt  }
0x4c: {  	_ =	shalt  }
0x4d: {  	_ =	shalt  }
0x4e: {  	_ =	shalt  }
0x4f: {  	_ =	shalt  }
0x50: {  	_ =	shalt  }
0x51: {  	_ =	shalt  }
0x52: {  	_ =	shalt  }
0x53: {  	_ =	shalt  }
0x54: {  	_ =	shalt  }
0x55: {  	_ =	shalt  }
0x56: {  	_ =	shalt  }
0x57: {  	_ =	shalt  }
0x58: {  	_ =	shalt  }
0x59: {  	_ =	shalt  }
0x5a: {  	_ =	shalt  }
0x5b: {  	_ =	shalt  }
0x5c: {  	_ =	shalt  }
0x5d: {  	_ =	shalt  }
0x5e: {  	_ =	shalt  }
0x5f: {  	_ =	shalt  }
0x60: {  	_ =	shalt  }
0x61: {  	_ =	shalt  }
0x62: {  	_ =	shalt  }
0x63: {  	_ =	shalt  }
0x64: {  	_ =	shalt  }
0x65: {  	_ =	shalt  }
0x66: {  	_ =	shalt  }
0x67: {  	_ =	shalt  }
0x68: {  	_ =	shalt  }
0x69: {  	_ =	shalt  }
0x6a: {  	_ =	shalt  }
0x6b: {  	_ =	shalt  }
0x6c: {  	_ =	shalt  }
0x6d: {  	_ =	shalt  }
0x6e: {  	_ =	shalt  }
0x6f: {  	_ =	shalt  }
0x70: {  	_ =	shalt  }
0x71: {  	_ =	shalt  }
0x72: {  	_ =	shalt  }
0x73: {  	_ =	shalt  }
0x74: {  	_ =	shalt  }
0x75: {  	_ =	shalt  }
0x76: {  	_ =	shalt  }
0x77: {  	_ =	shalt  }
0x78: {  	_ =	shalt  }
0x79: {  	_ =	shalt  }
0x7a: {  	_ =	shalt  }
0x7b: {  	_ =	shalt  }
0x7c: {  	_ =	shalt  }
0x7d: {  	_ =	shalt  }
0x7e: {  	_ =	shalt  }
0x7f: {  	_ =	shalt  }
0x80: {  	_ =	shalt  }
0x81: {  	_ =	shalt  }
0x82: {  	_ =	shalt  }
0x83: {  	_ =	shalt  }
0x84: {  	_ =	shalt  }
0x85: {  	_ =	shalt  }
0x86: {  	_ =	shalt  }
0x87: {  	_ =	shalt  }
.Lfunc_end0:
.L_simem_size_0:
called_computation.3_lowered:
.L_overlay_start_0:
0x88: {  	s2 =	sld [smem:$0x3FD9]  }
0x89: {  	s3 =	sld [smem:$0x3FFE];
	_ =	sdelay $0x1  }
0x8a: {  	s1 =	srdreg.scid  }
0x8b: {  	s0 =	sand.u32 $0x1, s1  }
0x8c: {  	s17 =	sshll.u32 s0, $0xA;
	s2 =	sadd.s32 s3, s2  }
0x8d: {  	s2 =	sadd.s32 s2, s17  }
0x8e: {  	[smem:$0x3FC2] =	sst s2  }
0x8f: {  	_ = 	snop  }
0x90: {  	s2 =	sld [smem:$0x3FD0];
	(tm) =	ssettm $0x1  }
0x91: {  	s18 =	sld [smem:$0x3FFB];
	_ =	sdelay $0x3  }
0x92: {  	_ =	strace s18  }
0x93: {  	s3 =	sld [smem:$0x3FFC];
	_ =	sdelay $0x3  }
0x94: {  	_ =	strace s3  }
0x95: {  	s3 =	sld [smem:$0x3FFD];
	_ =	sdelay $0x3  }
0x96: {  	_ =	strace s3  }
0x97: {  	_ =	strace $0x8FFFFFFF  }
0x98: {  	s19 =	sld [smem:$0x3FDB];
	_ =	sdelay $0x1  }
0x99: {  	s4 =	simm.s32 $_scs_section_size  }
0x9a: {  	s5 =	simm.s32 $_size__tile_overlayer_lowered;
	s6 =	simm.s32 $_tile_overlayer_lowered  }
0x9b: {  	s22 =	simm.s32 $0x1BFF;
	s21 =	sshll.u32 s6, $0x1;
	s3 =	sadd.s32 s4, s19  }
0x9c: {  	s7 =	simm.s32 $0x0;
	s20 =	sshll.u32 s5, $0x1;
	s5 =	sadd.s32 s21, s3  }
0x9d: {  	[timem:s7], [sflag:s22] =	dma.local [hbm:s5], s20  }
0x9e: {  	_ =	swait.ge [sflag:s22], s20  }
0x9f: {  	s4 =	ssub.s32 $0x0, s20;
	[sflag:s22] =	ssyncset.done $0x0  }
0xa0: {  	[sflag:s22] =	ssyncadd.s32 s4;
	_ =	sdelay $0x1  }
0xa1: {  	s23 =	simm.s32 $0x1B8B  }
0xa2: {  	_ =	swait.ge [sflag:s23], $0x1  }
0xa3: {  	[sflag:s23] =	ssyncset.done $0x0  }
0xa4: {  	s25 =	simm.s32 $0x1B8E;
	s24 =	sld [smem:$0x3FFE];
	[sflag:s23] =	ssyncadd.s32 $0xFFFFFFFF  }
0xa5: {  	s26 =	simm.s32 $execute0_lowered;
	[smem:$0x3FD2] =	sst s25  }
0xa6: {  	s5 =	sshll.u32 s26, $0x1;
	_ =	strace $0x8000004F;
	[dreg:$0x1] =	wrdreg $0xFFFFFFFF  }
0xa7: {  	s28 =	simm.s32 $_size_execute0_lowered;
	s3 =	sadd.s32 s3, s5;
	[dreg:$0x0] =	wrdreg $0x0  }
0xa8: {  	s5 =	sshll.u32 s28, $0x1;
	[dreg:$0x2] =	wrdreg s3  }
0xa9: {  	[dreg:$0x3] =	wrdreg s5  }
0xaa: {  	[dreg:$0x4] =	wrdreg $0xC0  }
0xab: {  	_ =	task [dreg:s7], $0x5FFFF  }
0xac: {  	[dreg:$0x1] =	wrdreg $0xFFFFFFFF  }
0xad: {  	[dreg:$0x0] =	wrdreg $0x60  }
0xae: {  	[dreg:$0x2] =	wrdreg s2  }
0xaf: {  	[dreg:$0x3] =	wrdreg s24  }
0xb0: {  	[dreg:$0x4] =	wrdreg $0x9  }
0xb1: {  	_ =	task.clear_ibuf [dreg:s7], $0x5FFFF;
	_ =	strace $0x9000004F  }
0xb2: {  	s29 =	simm.s32 $0x9;
	_ =	strace $0x80000058  }
0xb3: {  	_ =	swait.ge [sflag:s29], $0x1  }
0xb4: {  	[sflag:s29] =	ssyncadd.s32 $0xFFFFFFFF  }
0xb5: {  	_ =	strace $0x90000058  }
0xb6: {  	_ =	sfence  }
0xb7: {  	s30 =	sld [smem:$0x0];
	_ =	sdelay $0x2  }
0xb8: {  	s31 =	sshll.u32 s1, $0xD;
	s1 =	sshrl.u32 s1, $0x2  }
0xb9: {  	s3 =	sand.u32 $0x4000, s31;
	s1 =	sadd.s32 s1, s30  }
0xba: {  	s0 =	sor.u32 s3, s0;
	s1 =	sshll.u32 s1, $0x11  }
0xbb: {  	s0 =	sor.u32 s1, s0  }
0xbc: {  	s0 =	sadd.s32 $0x8F2B, s0  }
0xbd: {  	[sflag:s0] =	ssyncadd.remote.s32 $0x1  }
0xbe: {  	_ =	sfence.sel $0xFFFF  }
0xbf: {  	[dreg:$0x0] =	wrdreg $0xFFFFFFFF;
	(pc) =	sbr.abs _section_cstart, $3  }
0xc0: {  	[dreg:$0x1] =	wrdreg $0xFFFFFFFF  }
0xc1: {  	_ =	task.clear_ibuf [dreg:s7], $0x2FFFF;
	_ =	strace $0x9FFFFFFF  }
0xc2: {  	(tm) =	ssettm $0x7FFFFFFF  }
0xc3: {  	_ =	shalt  }
tec
execute0_lowered:
.L_overlay_start_1:
0x0: {  	(tag) =	ssettag $0x1  }
0x1: {  	s1 =	rddreg [dreg:$0x0]  }
0x2: {  	s5 =	rddreg [dreg:$0x1]  }
0x3: {  	s2 =	srdreg.scid;
	s0 =	rddreg [dreg:$0x2]  }
0x4: {  	s3 =	simm.s32 $0x0;
	s11 =	simm.s32 $0x5;
	s6 =	sand.u32 $0x1, s2  }
0x5: {  	s12 =	simm.s32 $0x0;
	s2 =	stileid.u32;
	s4 =	sshll.u32 s6, $0x4  }
0x6: {  	[smem:$0x7FF] =	sst s3;
	s8 =	sadd.s32 $0x6200, s5;
	s4 =	sor.u32 s2, s4  }
0x7: {  	s5 =	sadd.s32 $0x1A00, s5;
	s7 =	smul.u32 $0x5, s4;
	s4 =	sshll.u32 s4, $0x2  }
0x8: {  	_ =	strace $0x80000050;
	p0 =	seq.s32 s6, $0x0;
	s4 =	sadd.s32 $0x10, s4  }
0x9: {  	[dreg:$0x3] =	wrdreg s8;
	s31 =	ssub.s32 $0x2, s6;
	s4 =	smov.u32 @p0 s7  }
0xa: {  	v2 =	vlaneseq.u32;
	s6 =	sxor.u32 $0x5, s6;
	s10 =	sshrl.u32 s31, $0x1;
	s9 =	sshll.u32 s4, $0x7  }
0xb: {  	vm0 =	vmmov $0xffff;
	v1 =	vshrl.u32 v2, $0x3;
	s10 =	ssub.s32 s31, s10;
	s7 =	sshll.u32 s6, $0x3;
	s9 =	sand.u32 $0x1FFFFF80, s9  }
0xc: {  	v0 =	vand.u32 $0x7, v2;
	v2 =	vor.u32 $0x8, v2;
	v1 =	vmul.u32 $0x8, v1;
	s10 =	smax.u32 s10, $0x1;
	s8 =	sadd.s32 s5, s9;
	s9 =	sadd.s32 $0xFFFFFFFF, s7  }
.LBB2_1:
0xd: {  	_ =	strace $0x80000051;
	s14 =	simm.s32 $0x0;
	s15 =	simm.s32 $0x0  }
0xe: {  	s13 =	simm.s32 $0x0;
	s16 =	simm.s32 $0x0;
	s17 =	simm.s32 $0x0  }
0xf: {  	[tilespmem:s3], [sflag:$0x1] =	stream.linear.gather [hbm4b:s8+s3], $0x80, $0x200038;
	[tilespmem:$0x10100] =	vst v63  }
0x10: {  	s18 =	simm.s32 $0x1;
	s19 =	simm.s32 $0x0;
	_ =	strace $0x90000051  }
.LBB2_2:
0x11: {  	s20 =	smov.u32 s14;
	s14 =	sadd.s32 $0x1, s14  }
0x12: {  	s22 =	simm.s32 $0x1;
	p0 =	seq.s32 s14, $0x8  }
0x13: {  	s22 =	simm.s32 @!p0 $0x0  }
0x14: {  	s21 =	smov.u32 s15;
	s15 =	sadd.s32 s22, s15  }
0x15: {  	p1 =	seq.s32 s15, s6  }
0x16: {  	s14 =	simm.s32 @p0 $0x0;
	s15 =	simm.s32 @p1 $0x0  }
0x17: {  	p5 =	sne.s32 s20, s14;
	p4 =	sne.s32 s21, s15  }
0x18: {  	p6 =	slt.u32 s19, s9;
	p1 =	por p5, p4  }
0x19: {  	p0 =	por !p6, !p1  }
0x1a: {  	p0 =	por !p0, !p0  }
0x1b: {  	s22 =	sadd.s32 @p0 s4, s15  }
0x1c: {  	s23 =	sshll.u32 @p0 s14, $0x7;
	s22 =	sshll.u32 @p0 s22, $0xA  }
0x1d: {  	_ =	strace @p0 $0x80000052;
	s22 =	sadd.s32 @p0 s23, s22  }
0x1e: {  	s25 =	simm.s32 @p0 $0x0;
	s23 =	sand.u32 @p0 $0x1, s18;
	s22 =	sshrl.u32 @p0 s22, $0x3  }
0x1f: {  	s24 =	sshll.u32 @p0 s23, $0x7;
	s23 =	sadd.s32 @p0 $0x1, s23;
	s22 =	sadd.s32 @p0 s5, s22  }
0x20: {  	[tilespmem:s24], [sflag:s23] =	stream.linear.gather @p0 [hbm4b:s22+s25], $0x80, $0x200038;
	[tilespmem:$0x10100] =	vst v63  }
0x21: {  	s29 =	sand.u32 $0x1, s17;
	_ =	strace @p0 $0x90000052  }
0x22: {  	s22 =	sadd.s32 $0x1, s29;
	_ =	strace $0x80000053  }
0x23: {  	_ =	swait.ge [sflag:s22], $0x80  }
0x24: {  	[sflag:s22] =	ssyncset.done $0x0  }
0x25: {  	[sflag:s22] =	ssyncadd.s32 $0xFFFFFF80  }
0x26: {  	s30 =	sshll.u32 s17, $0x7;
	_ =	strace $0x90000053  }
0x27: {  	s25 =	sand.u32 $0x80, s30;
	_ =	strace $0x80000054  }
0x28: {  	v3 =	vld [tilespmem:s25+$0x0];
	_ =	sdelay $0x4  }
0x29: {  	v4 =	vshll.u32 v3, $0x1  }
0x2a: {  	v3 =	vand.u32 $0x7, v3;
	v4 =	vand.u32 $0xFFFFFFF0, v4  }
0x2b: {  	v3 =	vor.u32 v3, v4  }
0x2c: {  	v4 =	vperm.xlane v3, v0;
	_ =	sdelay $0x1  }
0x2d: {  	v3 =	vperm.xlane v3, v2;
	v4 =	vadd.s32 v1, v4;
	_ =	sdelay $0x1  }
0x2e: {  	s23 =	sand.u32 $0x1, s16;
	v3 =	vadd.s32 v1, v3  }
0x2f: {  	s24 =	sshll.u32 s23, $0xF  }
0x30: {  	s22 =	sor.u32 $0x100, s24  }
0x31: {  	[tilespmem:s22], [sflag:$0x5] =	stream.indirect_vreg.gather [hbm4b:s1+s3], $0x80, v4, vm0, $0x2000b8;
	[tilespmem:$0x10100] =	vst v63  }
0x32: {  	s26 =	sor.u32 $0x900, s24  }
0x33: {  	[tilespmem:s26], [sflag:$0x5] =	stream.indirect_vreg.gather [hbm4b:s1+s3], $0x80, v3, vm0, $0x2000b8;
	[tilespmem:$0x10100] =	vst v63  }
0x34: {  	v3 =	vld [tilespmem:s25+$0x10];
	_ =	sdelay $0x4  }
0x35: {  	v57 =	vshll.u32 v3, $0x1  }
0x36: {  	v3 =	vand.u32 $0x7, v3;
	v4 =	vand.u32 $0xFFFFFFF0, v57  }
0x37: {  	v3 =	vor.u32 v3, v4  }
0x38: {  	v4 =	vperm.xlane v3, v0;
	_ =	sdelay $0x1  }
0x39: {  	v3 =	vperm.xlane v3, v2;
	v4 =	vadd.s32 v1, v4;
	_ =	sdelay $0x1  }
0x3a: {  	v3 =	vadd.s32 v1, v3;
	_ =	sdelay $0x1  }
0x3b: {  	s31 =	sor.u32 $0x1100, s24  }
0x3c: {  	[tilespmem:s31], [sflag:$0x5] =	stream.indirect_vreg.gather [hbm4b:s1+s3], $0x80, v4, vm0, $0x2000b8;
	[tilespmem:$0x10100] =	vst v63  }
0x3d: {  	s28 =	sor.u32 $0x1900, s24  }
0x3e: {  	[tilespmem:s28], [sflag:$0x5] =	stream.indirect_vreg.gather [hbm4b:s1+s3], $0x80, v3, vm0, $0x2000b8;
	[tilespmem:$0x10100] =	vst v63  }
0x3f: {  	v3 =	vld [tilespmem:s25+$0x20];
	_ =	sdelay $0x4  }
0x40: {  	v58 =	vshll.u32 v3, $0x1  }
0x41: {  	v3 =	vand.u32 $0x7, v3;
	v4 =	vand.u32 $0xFFFFFFF0, v58  }
0x42: {  	v3 =	vor.u32 v3, v4  }
0x43: {  	v4 =	vperm.xlane v3, v0;
	_ =	sdelay $0x1  }
0x44: {  	v3 =	vperm.xlane v3, v2;
	v4 =	vadd.s32 v1, v4;
	_ =	sdelay $0x1  }
0x45: {  	v3 =	vadd.s32 v1, v3;
	_ =	sdelay $0x1  }
0x46: {  	s29 =	sor.u32 $0x2100, s24  }
0x47: {  	[tilespmem:s29], [sflag:$0x5] =	stream.indirect_vreg.gather [hbm4b:s1+s3], $0x80, v4, vm0, $0x2000b8;
	[tilespmem:$0x10100] =	vst v63  }
0x48: {  	s30 =	sor.u32 $0x2900, s24  }
0x49: {  	[tilespmem:s30], [sflag:$0x5] =	stream.indirect_vreg.gather [hbm4b:s1+s3], $0x80, v3, vm0, $0x2000b8;
	[tilespmem:$0x10100] =	vst v63  }
0x4a: {  	v3 =	vld [tilespmem:s25+$0x30];
	_ =	sdelay $0x4  }
0x4b: {  	v59 =	vshll.u32 v3, $0x1  }
0x4c: {  	v3 =	vand.u32 $0x7, v3;
	v4 =	vand.u32 $0xFFFFFFF0, v59  }
0x4d: {  	v3 =	vor.u32 v3, v4  }
0x4e: {  	v4 =	vperm.xlane v3, v0;
	_ =	sdelay $0x1  }
0x4f: {  	v3 =	vperm.xlane v3, v2;
	v4 =	vadd.s32 v1, v4;
	_ =	sdelay $0x1  }
0x50: {  	v3 =	vadd.s32 v1, v3;
	_ =	sdelay $0x1  }
0x51: {  	s31 =	sor.u32 $0x3100, s24  }
0x52: {  	[tilespmem:s31], [sflag:$0x5] =	stream.indirect_vreg.gather [hbm4b:s1+s3], $0x80, v4, vm0, $0x2000b8;
	[tilespmem:$0x10100] =	vst v63  }
0x53: {  	s28 =	sor.u32 $0x3900, s24  }
0x54: {  	[tilespmem:s28], [sflag:$0x5] =	stream.indirect_vreg.gather [hbm4b:s1+s3], $0x80, v3, vm0, $0x2000b8;
	[tilespmem:$0x10100] =	vst v63  }
0x55: {  	v3 =	vld [tilespmem:s25+$0x40];
	_ =	sdelay $0x4  }
0x56: {  	v60 =	vshll.u32 v3, $0x1  }
0x57: {  	v3 =	vand.u32 $0x7, v3;
	v4 =	vand.u32 $0xFFFFFFF0, v60  }
0x58: {  	v3 =	vor.u32 v3, v4  }
0x59: {  	v4 =	vperm.xlane v3, v0;
	_ =	sdelay $0x1  }
0x5a: {  	v3 =	vperm.xlane v3, v2;
	v4 =	vadd.s32 v1, v4;
	_ =	sdelay $0x1  }
0x5b: {  	v3 =	vadd.s32 v1, v3;
	_ =	sdelay $0x1  }
0x5c: {  	s29 =	sor.u32 $0x4100, s24  }
0x5d: {  	[tilespmem:s29], [sflag:$0x5] =	stream.indirect_vreg.gather [hbm4b:s1+s3], $0x80, v4, vm0, $0x2000b8;
	[tilespmem:$0x10100] =	vst v63  }
0x5e: {  	s30 =	sor.u32 $0x4900, s24  }
0x5f: {  	[tilespmem:s30], [sflag:$0x5] =	stream.indirect_vreg.gather [hbm4b:s1+s3], $0x80, v3, vm0, $0x2000b8;
	[tilespmem:$0x10100] =	vst v63  }
0x60: {  	v3 =	vld [tilespmem:s25+$0x50];
	_ =	sdelay $0x4  }
0x61: {  	v61 =	vshll.u32 v3, $0x1  }
0x62: {  	v3 =	vand.u32 $0x7, v3;
	v4 =	vand.u32 $0xFFFFFFF0, v61  }
0x63: {  	v3 =	vor.u32 v3, v4  }
0x64: {  	v4 =	vperm.xlane v3, v0;
	_ =	sdelay $0x1  }
0x65: {  	v3 =	vperm.xlane v3, v2;
	v4 =	vadd.s32 v1, v4;
	_ =	sdelay $0x1  }
0x66: {  	v3 =	vadd.s32 v1, v3;
	_ =	sdelay $0x1  }
0x67: {  	s31 =	sor.u32 $0x5100, s24  }
0x68: {  	[tilespmem:s31], [sflag:$0x5] =	stream.indirect_vreg.gather [hbm4b:s1+s3], $0x80, v4, vm0, $0x2000b8;
	[tilespmem:$0x10100] =	vst v63  }
0x69: {  	s28 =	sor.u32 $0x5900, s24  }
0x6a: {  	[tilespmem:s28], [sflag:$0x5] =	stream.indirect_vreg.gather [hbm4b:s1+s3], $0x80, v3, vm0, $0x2000b8;
	[tilespmem:$0x10100] =	vst v63  }
0x6b: {  	v3 =	vld [tilespmem:s25+$0x60];
	_ =	sdelay $0x4  }
0x6c: {  	v62 =	vshll.u32 v3, $0x1  }
0x6d: {  	v3 =	vand.u32 $0x7, v3;
	v4 =	vand.u32 $0xFFFFFFF0, v62  }
0x6e: {  	v3 =	vor.u32 v3, v4  }
0x6f: {  	v4 =	vperm.xlane v3, v0;
	_ =	sdelay $0x1  }
0x70: {  	v3 =	vperm.xlane v3, v2;
	v4 =	vadd.s32 v1, v4;
	_ =	sdelay $0x1  }
0x71: {  	v3 =	vadd.s32 v1, v3;
	_ =	sdelay $0x1  }
0x72: {  	s29 =	sor.u32 $0x6100, s24  }
0x73: {  	[tilespmem:s29], [sflag:$0x5] =	stream.indirect_vreg.gather [hbm4b:s1+s3], $0x80, v4, vm0, $0x2000b8;
	[tilespmem:$0x10100] =	vst v63  }
0x74: {  	s30 =	sor.u32 $0x6900, s24  }
0x75: {  	[tilespmem:s30], [sflag:$0x5] =	stream.indirect_vreg.gather [hbm4b:s1+s3], $0x80, v3, vm0, $0x2000b8;
	[tilespmem:$0x10100] =	vst v63  }
0x76: {  	v3 =	vld [tilespmem:s25+$0x70];
	_ =	sdelay $0x4  }
0x77: {  	v63 =	vshll.u32 v3, $0x1  }
0x78: {  	v3 =	vand.u32 $0x7, v3;
	v4 =	vand.u32 $0xFFFFFFF0, v63  }
0x79: {  	v3 =	vor.u32 v3, v4  }
0x7a: {  	v4 =	vperm.xlane v3, v0;
	_ =	sdelay $0x1  }
0x7b: {  	v3 =	vperm.xlane v3, v2;
	v4 =	vadd.s32 v1, v4;
	_ =	sdelay $0x1  }
0x7c: {  	v3 =	vadd.s32 v1, v3;
	_ =	sdelay $0x1  }
0x7d: {  	s31 =	sor.u32 $0x7100, s24  }
0x7e: {  	[tilespmem:s31], [sflag:$0x5] =	stream.indirect_vreg.gather [hbm4b:s1+s3], $0x80, v4, vm0, $0x2000b8;
	[tilespmem:$0x10100] =	vst v63  }
0x7f: {  	p2 =	seq.s32 s9, s19;
	s24 =	sor.u32 $0x7900, s24  }
0x80: {  	[tilespmem:s24], [sflag:$0x5] =	stream.indirect_vreg.gather [hbm4b:s1+s3], $0x80, v3, vm0, $0x2000b8;
	[tilespmem:$0x10100] =	vst v63  }
0x81: {  	s21 =	sadd.s32 s4, s21;
	p1 =	por p2, p1;
	_ =	swait.ge [sflag:s11], $0x8000  }
0x82: {  	s21 =	sshll.u32 @p1 s21, $0x12;
	s20 =	sshll.u32 @p1 s20, $0xB;
	[sflag:s11] =	ssyncset.done $0x0  }
0x83: {  	s20 =	sadd.s32 @p1 s20, s21;
	[sflag:s11] =	ssyncadd.s32 $0xFFFF8000  }
0x84: {  	s20 =	sshrl.u32 @p1 s20, $0x3;
	_ =	strace $0x90000054  }
0x85: {  	s21 =	sadd.s32 @p1 $0x3, s23;
	s25 =	simm.s32 $0x1;
	_ =	strace @p1 $0x80000055  }
0x86: {  	s23 =	simm.s32 @p1 $0x800;
	s25 =	simm.s32 @!p0 $0x0;
	s24 =	rddreg [dreg:$0x3]  }
0x87: {  	p0 =	seq.s32 s19, $0x0;
	s20 =	sadd.s32 @p1 s24, s20;
	s24 =	simm.s32 @p1 $0x4000  }
0x88: {  	[hbm4b:s20+s23] =	stream.strided.scatter @p1 [tilespmem:s22], [sflag:s21], $0x8000, s24, s23, $0x200038;
	[tilespmem:$0x10100] =	vst v63  }
0x89: {  	s20 =	simm.s32 $0x1;
	s22 =	simm.s32 $0x1;
	_ =	strace @p1 $0x90000055  }
0x8a: {  	s20 =	simm.s32 @!p1 $0x0;
	p1 =	sne.s32 s19, $0x0;
	s19 =	sadd.s32 $0x1, s19  }
0x8b: {  	s21 =	sand.u32 @!p0 $0x1, s13;
	s22 =	simm.s32 @!p1 $0x0;
	p1 =	sne.s32 s7, s19  }
.Ltmp0:
0x8c: {  	s21 =	sadd.s32 @!p0 $0x3, s21;
	_ =	strace @!p0 $0x80000056;
	(pc) =	sbr.rel @p1 .LBB2_2-.Ltmp0, $4  }
0x8d: {  	_ =	swait.ge @!p0 [sflag:s21], $0x8000  }
0x8e: {  	[sflag:s21] =	ssyncset.done @!p0 $0x0  }
0x8f: {  	s18 =	sadd.s32 s25, s18;
	s16 =	sadd.s32 s20, s16;
	[sflag:s21] =	ssyncadd.s32 @!p0 $0xFFFF8000  }
0x90: {  	s17 =	sadd.s32 s20, s17;
	s13 =	sadd.s32 s22, s13;
	_ =	strace @!p0 $0x90000056  }
0x91: {  	s12 =	sadd.s32 $0x1, s12  }
0x92: {  	s13 =	sand.u32 $0x1, s13;
	p0 =	sne.s32 s12, s10  }
.Ltmp1:
0x93: {  	_ =	strace $0x80000057;
	s13 =	sadd.s32 $0x3, s13;
	(pc) =	sbr.rel @p0 .LBB2_1-.Ltmp1, $4  }
0x94: {  	_ =	swait.ge [sflag:s13], $0x8000  }
0x95: {  	[sflag:s13] =	ssyncset.done $0x0  }
0x96: {  	[sflag:s13] =	ssyncadd.s32 $0xFFFF8000  }
0x97: {  	_ =	strace $0x90000057  }
0x98: {  	_ =	sfence.sel $0x180000  }
0x99: {  	[bflag:$0x0] =	sbarrier.arrive $0xFFFF  }
0x9a: {  	p0 =	sne.s32 s2, $0x0;
	_ =	strace $0x90000050  }
0x9b: {  	s0 =	sadd.s32 @!p0 $0x100000, s0;
	[bflag:$0x2] =	sbarrier.arrive $0xFFFF  }
0x9c: {  	[sflag:s0] =	ssyncadd.tile.s32 @!p0 $0x1;
	_ =	shalt  }
.Lfunc_end2:
_tile_overlayer_lowered:
.L_overlay_start_2:
0x9d: {  	(tag) =	ssettag $0x2  }
0x9e: {  	s0 =	rddreg [dreg:$0x0];
	s2 =	stileid.u32  }
0x9f: {  	s1 =	rddreg [dreg:$0x1];
	p0 =	sne.s32 s2, $0x0  }
0xa0: {  	s3 =	rddreg [dreg:$0x2];
	[bflag:$0x3] =	sbarrier.arrive $0xFFFF;
	s2 =	simm.s32 @!p0 $0x1C01  }
0xa1: {  	[timem:s3], [sflag:s2] =	dma.local @!p0 [hbm:s0], s1  }
0xa2: {  	s0 =	simm.s32 @!p0 $0x1  }
0xa3: {  	_ =	swait.ge @!p0 [sflag:s0], s1  }
0xa4: {  	s1 =	ssub.s32 @!p0 $0x0, s1;
	[sflag:s0] =	ssyncset.done @!p0 $0x0  }
0xa5: {  	[sflag:s0] =	ssyncadd.s32 @!p0 s1  }
0xa6: {  	[bflag:$0x3] =	sbarrier.arrive $0xFFFF  }
0xa7: {  	_ =	shalt  }

// kernel: kernel.9.cloned.1.call-start
scs
__scs_entry_jumppad:
0x0: {  	(pc) =	sbr.rel $0x88, $3  }
0x1: {  	(tag) =	ssettag $0x0;
	lr =	simm.s32 $0x1  }
0x2: {  	[smem:$0x3F9B] =	sst lr;
	_ =	strace $0xD0000000  }
0x3: {  	_ = 	snop  }
0x4: {  	_ = 	snop  }
0x5: {  	_ = 	snop  }
0x6: {  	_ = 	snop  }
0x7: {  	_ = 	snop  }
__scs_overlays_trampoline_lowered:
0x8: {  	[smem:$0x3FAA] =	sst s0  }
0x9: {  	[smem:$0x3FAB] =	sst s1  }
0xa: {  	[smem:$0x3FAC] =	sst s2  }
0xb: {  	[smem:$0x3FAD] =	sst s3  }
0xc: {  	[smem:$0x3FAE] =	sst s4  }
0xd: {  	[smem:$0x3FAF] =	sst s5  }
0xe: {  	[smem:$0x3FB0] =	sst s6  }
0xf: {  	[smem:$0x3FB1] =	sst s7  }
0x10: {  	[smem:$0x3FB2] =	sst s8  }
0x11: {  	[smem:$0x3FB3] =	sst s9;
	s0 =	simm.s32 @!p0 $0x0  }
0x12: {  	s1 =	sld [smem:$0x3F99];
	s0 =	simm.s32 @p0 $0x1  }
0x13: {  	[smem:$0x3FB4] =	sst s0;
	s0 =	simm.s32 @!p1 $0x0  }
0x14: {  	s2 =	sld [smem:$0x3F98];
	s0 =	simm.s32 @p1 $0x1  }
0x15: {  	[smem:$0x3FB5] =	sst s0;
	s0 =	simm.s32 @!p2 $0x0  }
0x16: {  	s3 =	sld [smem:$0x3FDB];
	s0 =	simm.s32 @p2 $0x1  }
0x17: {  	s4 =	simm.s32 $0x1BF5;
	[smem:$0x3FB7] =	sst s0  }
0x18: {  	s0 =	sld [smem:$0x3F9A];
	_ =	swait.ge [sflag:s4], $0x0  }
0x19: {  	s7 =	sld [smem:$0x3F9B]  }
0x1a: {  	s8 =	sadd.s32 $0xFFFFE003, lr  }
0x1b: {  	s9 =	sadd.s32 $0xFFFFFEF7, lr;
	s5 =	simm.s32 $0xFFFFFFFF;
	p2 =	slt.u32 s8, $0xFFFFF086  }
0x1c: {  	p1 =	slt.u32 s9, $0xF7A;
	s5 =	simm.s32 @!p2 $0x0  }
0x1d: {  	s5 =	simm.s32 @p1 $0x1;
	p0 =	seq.s32 s7, s2  }
0x1e: {  	s7 =	smul.u32 @!p0 $0xF7A, s2;
	p2 =	seq.s32 @!p0 s5, $0x0  }
0x1f: {  	s9 =	smul.u32 $0xF7A, s1;
	s8 =	simm.s32 @!p0 $0x1BF5;
	p2 =	por !p2, p0  }
0x20: {  	[sflag:s8] =	ssyncset.s32 @!p0 $0xFFFFF086;
	s6 =	sadd.s32 @!p0 s3, s7;
	s7 =	simm.s32 @!p0 $0x108  }
0x21: {  	s3 =	sadd.s32 s3, s9;
	s6 =	sadd.s32 @!p0 $0x88, s6;
	s7 =	simm.s32 @p2 $0x1082  }
0x22: {  	[simem:s7], [sflag:s8] =	dma.local @!p0 [hbm:s6], $0xF7A  }
0x23: {  	s9 =	sor.u32 $0xD0000000, s2;
	s6 =	simm.s32 $0x108;
	_ =	swait.ge @!p0 [sflag:s8], $0x0  }
0x24: {  	s3 =	sadd.s32 $0x88, s3;
	s6 =	simm.s32 @!p1 $0x1082;
	[sflag:s4] =	ssyncset.s32 $0xFFFFF086  }
0x25: {  	[simem:s6], [sflag:s4] =	dma.local [hbm:s3], $0xF7A  }
0x26: {  	[smem:$0x3F9B] =	sst s1;
	(tag) =	ssettag s2;
	_ =	strace s9  }
0x27: {  	s1 =	sld [smem:$0x3FAB]  }
0x28: {  	s2 =	sld [smem:$0x3FAC]  }
0x29: {  	s4 =	sld [smem:$0x3FAE]  }
0x2a: {  	p0 =	seq.s32 s5, $0x0;
	s5 =	sld [smem:$0x3FAF]  }
0x2b: {  	s6 =	sld [smem:$0x3FB0]  }
0x2c: {  	s7 =	sld [smem:$0x3FB1]  }
0x2d: {  	s3 =	simm.s32 $0x108;
	s8 =	sld [smem:$0x3FB2]  }
0x2e: {  	s3 =	simm.s32 @!p0 $0x1082;
	s9 =	sld [smem:$0x3FB3]  }
0x2f: {  	lr =	sadd.s32 s0, s3;
	s0 =	sld [smem:$0x3FAA]  }
0x30: {  	s3 =	sld [smem:$0x3FAD]  }
0x31: {  	[smem:$0x3FB6] =	sst s10  }
0x32: {  	s10 =	sld [smem:$0x3FB4];
	_ =	sdelay $0x3  }
0x33: {  	p0 =	seq.s32 s10, $0x1;
	s10 =	sld [smem:$0x3FB6];
	_ =	sdelay $0x3  }
0x34: {  	[smem:$0x3FB6] =	sst s10  }
0x35: {  	s10 =	sld [smem:$0x3FB5];
	_ =	sdelay $0x3  }
0x36: {  	p1 =	seq.s32 s10, $0x1;
	s10 =	sld [smem:$0x3FB6];
	_ =	sdelay $0x3  }
0x37: {  	[smem:$0x3FB6] =	sst s10  }
0x38: {  	s10 =	sld [smem:$0x3FB7]  }
0x39: {  	_ = 	snop;
	(pc) =	sbr.ind lr, $3  }
0x3a: {  	_ = 	snop  }
0x3b: {  	_ = 	snop  }
0x3c: {  	p2 =	seq.s32 s10, $0x1;
	s10 =	sld [smem:$0x3FB6]  }
0x3d: {  	_ =	shalt  }
0x3e: {  	_ =	shalt  }
0x3f: {  	_ =	shalt  }
0x40: {  	_ =	shalt  }
0x41: {  	_ =	shalt  }
0x42: {  	_ =	shalt  }
0x43: {  	_ =	shalt  }
0x44: {  	_ =	shalt  }
0x45: {  	_ =	shalt  }
0x46: {  	_ =	shalt  }
0x47: {  	_ =	shalt  }
0x48: {  	_ =	shalt  }
0x49: {  	_ =	shalt  }
0x4a: {  	_ =	shalt  }
0x4b: {  	_ =	shalt  }
0x4c: {  	_ =	shalt  }
0x4d: {  	_ =	shalt  }
0x4e: {  	_ =	shalt  }
0x4f: {  	_ =	shalt  }
0x50: {  	_ =	shalt  }
0x51: {  	_ =	shalt  }
0x52: {  	_ =	shalt  }
0x53: {  	_ =	shalt  }
0x54: {  	_ =	shalt  }
0x55: {  	_ =	shalt  }
0x56: {  	_ =	shalt  }
0x57: {  	_ =	shalt  }
0x58: {  	_ =	shalt  }
0x59: {  	_ =	shalt  }
0x5a: {  	_ =	shalt  }
0x5b: {  	_ =	shalt  }
0x5c: {  	_ =	shalt  }
0x5d: {  	_ =	shalt  }
0x5e: {  	_ =	shalt  }
0x5f: {  	_ =	shalt  }
0x60: {  	_ =	shalt  }
0x61: {  	_ =	shalt  }
0x62: {  	_ =	shalt  }
0x63: {  	_ =	shalt  }
0x64: {  	_ =	shalt  }
0x65: {  	_ =	shalt  }
0x66: {  	_ =	shalt  }
0x67: {  	_ =	shalt  }
0x68: {  	_ =	shalt  }
0x69: {  	_ =	shalt  }
0x6a: {  	_ =	shalt  }
0x6b: {  	_ =	shalt  }
0x6c: {  	_ =	shalt  }
0x6d: {  	_ =	shalt  }
0x6e: {  	_ =	shalt  }
0x6f: {  	_ =	shalt  }
0x70: {  	_ =	shalt  }
0x71: {  	_ =	shalt  }
0x72: {  	_ =	shalt  }
0x73: {  	_ =	shalt  }
0x74: {  	_ =	shalt  }
0x75: {  	_ =	shalt  }
0x76: {  	_ =	shalt  }
0x77: {  	_ =	shalt  }
0x78: {  	_ =	shalt  }
0x79: {  	_ =	shalt  }
0x7a: {  	_ =	shalt  }
0x7b: {  	_ =	shalt  }
0x7c: {  	_ =	shalt  }
0x7d: {  	_ =	shalt  }
0x7e: {  	_ =	shalt  }
0x7f: {  	_ =	shalt  }
0x80: {  	_ =	shalt  }
0x81: {  	_ =	shalt  }
0x82: {  	_ =	shalt  }
0x83: {  	_ =	shalt  }
0x84: {  	_ =	shalt  }
0x85: {  	_ =	shalt  }
0x86: {  	_ =	shalt  }
0x87: {  	_ =	shalt  }
.Lfunc_end0:
.L_simem_size_0:
called_computation.4_lowered:
.L_overlay_start_0:
0x88: {  	s2 =	sld [smem:$0x3FD9]  }
0x89: {  	s3 =	sld [smem:$0x3FFE];
	_ =	sdelay $0x1  }
0x8a: {  	s1 =	srdreg.scid  }
0x8b: {  	s0 =	sand.u32 $0x1, s1  }
0x8c: {  	s16 =	sshll.u32 s0, $0xA;
	s2 =	sadd.s32 s3, s2  }
0x8d: {  	s2 =	sadd.s32 s2, s16  }
0x8e: {  	[smem:$0x3FC2] =	sst s2  }
0x8f: {  	_ = 	snop  }
0x90: {  	(tm) =	ssettm $0x1  }
0x91: {  	s17 =	sld [smem:$0x3FFB];
	_ =	sdelay $0x3  }
0x92: {  	_ =	strace s17  }
0x93: {  	s2 =	sld [smem:$0x3FFC];
	_ =	sdelay $0x3  }
0x94: {  	_ =	strace s2  }
0x95: {  	s2 =	sld [smem:$0x3FFD];
	_ =	sdelay $0x3  }
0x96: {  	_ =	strace s2  }
0x97: {  	_ =	strace $0x8FFFFFFF  }
0x98: {  	s18 =	sld [smem:$0x3FDB];
	_ =	sdelay $0x1  }
0x99: {  	s19 =	simm.s32 $_scs_section_size  }
0x9a: {  	s4 =	simm.s32 $_size__tile_overlayer_lowered;
	s5 =	simm.s32 $_tile_overlayer_lowered  }
0x9b: {  	s22 =	simm.s32 $0x1BFF;
	s21 =	sshll.u32 s5, $0x1;
	s2 =	sadd.s32 s19, s18  }
0x9c: {  	s6 =	simm.s32 $0x0;
	s20 =	sshll.u32 s4, $0x1;
	s4 =	sadd.s32 s21, s2  }
0x9d: {  	[timem:s6], [sflag:s22] =	dma.local [hbm:s4], s20  }
0x9e: {  	_ =	swait.ge [sflag:s22], s20  }
0x9f: {  	s3 =	ssub.s32 $0x0, s20;
	[sflag:s22] =	ssyncset.done $0x0  }
0xa0: {  	[sflag:s22] =	ssyncadd.s32 s3;
	_ =	sdelay $0x1  }
0xa1: {  	s23 =	simm.s32 $0x1B8B  }
0xa2: {  	_ =	swait.ge [sflag:s23], $0x1  }
0xa3: {  	[sflag:s23] =	ssyncset.done $0x0  }
0xa4: {  	s25 =	simm.s32 $0x1B8E;
	s24 =	sld [smem:$0x3FFE];
	[sflag:s23] =	ssyncadd.s32 $0xFFFFFFFF  }
0xa5: {  	s26 =	simm.s32 $execute0_lowered;
	[smem:$0x3FD2] =	sst s25  }
0xa6: {  	s4 =	sshll.u32 s26, $0x1;
	_ =	strace $0x80000059;
	[dreg:$0x1] =	wrdreg $0xFFFFFFFF  }
0xa7: {  	s28 =	simm.s32 $_size_execute0_lowered;
	s2 =	sadd.s32 s2, s4;
	[dreg:$0x0] =	wrdreg $0x0  }
0xa8: {  	s4 =	sshll.u32 s28, $0x1;
	[dreg:$0x2] =	wrdreg s2  }
0xa9: {  	[dreg:$0x3] =	wrdreg s4  }
0xaa: {  	[dreg:$0x4] =	wrdreg $0xC0  }
0xab: {  	_ =	task [dreg:s6], $0x5FFFF  }
0xac: {  	[dreg:$0x1] =	wrdreg $0xFFFFFFFF  }
0xad: {  	[dreg:$0x0] =	wrdreg $0x60  }
0xae: {  	[dreg:$0x2] =	wrdreg s24  }
0xaf: {  	[dreg:$0x3] =	wrdreg $0x9  }
0xb0: {  	_ =	task.clear_ibuf [dreg:s6], $0x4FFFF;
	_ =	strace $0x90000059  }
0xb1: {  	s29 =	simm.s32 $0x9;
	_ =	strace $0x80000061  }
0xb2: {  	_ =	swait.ge [sflag:s29], $0x1  }
0xb3: {  	[sflag:s29] =	ssyncadd.s32 $0xFFFFFFFF  }
0xb4: {  	_ =	strace $0x90000061  }
0xb5: {  	_ =	sfence  }
0xb6: {  	s30 =	sld [smem:$0x0];
	_ =	sdelay $0x2  }
0xb7: {  	s31 =	sshll.u32 s1, $0xD;
	s1 =	sshrl.u32 s1, $0x2  }
0xb8: {  	s3 =	sand.u32 $0x4000, s31;
	s1 =	sadd.s32 s1, s30  }
0xb9: {  	s0 =	sor.u32 s3, s0;
	s1 =	sshll.u32 s1, $0x11  }
0xba: {  	s0 =	sor.u32 s1, s0  }
0xbb: {  	s0 =	sadd.s32 $0x8F2B, s0  }
0xbc: {  	[sflag:s0] =	ssyncadd.remote.s32 $0x1  }
0xbd: {  	_ =	sfence.sel $0xFFFF  }
0xbe: {  	[dreg:$0x0] =	wrdreg $0xFFFFFFFF;
	(pc) =	sbr.abs _section_cstart, $3  }
0xbf: {  	[dreg:$0x1] =	wrdreg $0xFFFFFFFF  }
0xc0: {  	_ =	task.clear_ibuf [dreg:s6], $0x2FFFF;
	_ =	strace $0x9FFFFFFF  }
0xc1: {  	(tm) =	ssettm $0x7FFFFFFF  }
tec
execute0_lowered:
.L_overlay_start_1:
0x0: {  	(tag) =	ssettag $0x1  }
0x1: {  	s6 =	rddreg [dreg:$0x0]  }
0x2: {  	s0 =	rddreg [dreg:$0x1];
	s1 =	simm.s32 $0x0  }
0x3: {  	s2 =	srdreg.scid;
	s13 =	simm.s32 $0x800;
	s14 =	simm.s32 $0x4000  }
0x4: {  	s15 =	simm.s32 $0x10000;
	s16 =	simm.s32 $0x5;
	s17 =	simm.s32 $0x0  }
0x5: {  	[smem:$0x7FF] =	sst s1;
	s7 =	sand.u32 $0x1, s2;
	s2 =	stileid.u32  }
0x6: {  	s3 =	sadd.s32 $0x6200, s6;
	s4 =	sadd.s32 $0x1A00, s6;
	s5 =	sshll.u32 s7, $0x4  }
0x7: {  	s6 =	sadd.s32 $0x486200, s6;
	_ =	strace $0x8000005A;
	s5 =	sor.u32 s2, s5  }
0x8: {  	s8 =	ssub.s32 $0x2, s7;
	s9 =	smul.u32 $0x5, s5;
	s5 =	sshll.u32 s5, $0x2  }
0x9: {  	p0 =	seq.s32 s7, $0x0;
	s10 =	sshrl.u32 s8, $0x1;
	s5 =	sadd.s32 $0x10, s5  }
0xa: {  	s7 =	sxor.u32 $0x5, s7;
	s12 =	ssub.s32 s8, s10;
	s5 =	smov.u32 @p0 s9  }
0xb: {  	v2 =	vlaneseq.u32;
	s8 =	sshll.u32 s7, $0x3;
	s9 =	sshll.u32 s5, $0xF;
	s31 =	sshll.u32 s5, $0x7  }
0xc: {  	vm0 =	vmmov $0xffff;
	v1 =	vshrl.u32 v2, $0x3;
	s11 =	sadd.s32 $0xFFFFFFFF, s8;
	s9 =	sand.u32 $0x1FFF8000, s9;
	s10 =	sand.u32 $0x1FFFFF80, s31  }
0xd: {  	v0 =	vand.u32 $0x7, v2;
	v2 =	vor.u32 $0x8, v2;
	v1 =	vmul.u32 $0x8, v1;
	s12 =	smax.u32 s12, $0x1;
	s9 =	sadd.s32 s3, s9;
	s10 =	sadd.s32 s4, s10  }
.LBB2_1:
0xe: {  	_ =	strace $0x8000005B;
	s18 =	simm.s32 $0x0;
	s20 =	simm.s32 $0x0  }
0xf: {  	[tilespmem:s1], [sflag:$0x1] =	stream.strided.gather [hbm4b:s9+s13], $0x8000, s14, s13, $0x200038;
	[tilespmem:$0x10100] =	vst v63  }
0x10: {  	s19 =	simm.s32 $0x0;
	s21 =	simm.s32 $0x1;
	s22 =	simm.s32 $0x0  }
0x11: {  	[tilespmem:s15], [sflag:$0x3] =	stream.linear.gather [hbm4b:s10+s1], $0x80, $0x200038;
	[tilespmem:$0x10100] =	vst v63  }
0x12: {  	s26 =	simm.s32 $0x1;
	s23 =	simm.s32 $0x0;
	_ =	strace $0x9000005B  }
.LBB2_2:
0x13: {  	s24 =	smov.u32 s18;
	s18 =	sadd.s32 $0x1, s18  }
0x14: {  	s25 =	simm.s32 $0x1;
	p0 =	seq.s32 s18, $0x8  }
0x15: {  	s25 =	simm.s32 @!p0 $0x0  }
0x16: {  	s28 =	smov.u32 s20;
	s20 =	sadd.s32 s25, s20  }
0x17: {  	p1 =	seq.s32 s20, s7  }
0x18: {  	s18 =	simm.s32 @p0 $0x0;
	s20 =	simm.s32 @p1 $0x0  }
0x19: {  	p5 =	sne.s32 s24, s18;
	p4 =	sne.s32 s28, s20  }
0x1a: {  	p1 =	sge.u32 s23, s11;
	p0 =	por p5, p4  }
0x1b: {  	p2 =	por !p0, p1  }
0x1c: {  	s25 =	sadd.s32 @!p2 s5, s20  }
0x1d: {  	s24 =	smov.u32 s26;
	s28 =	sshll.u32 @!p2 s18, $0xB;
	s26 =	sshll.u32 @!p2 s25, $0x12  }
0x1e: {  	_ =	strace @!p2 $0x8000005C;
	s30 =	simm.s32 @!p2 $0x800;
	s26 =	sadd.s32 @!p2 s28, s26  }
0x1f: {  	s31 =	simm.s32 @!p2 $0x4000;
	s28 =	sand.u32 @!p2 $0x1, s24;
	s26 =	sshrl.u32 @!p2 s26, $0x3  }
0x20: {  	s29 =	sshll.u32 @!p2 s28, $0xF;
	s28 =	sadd.s32 @!p2 $0x1, s28;
	s26 =	sadd.s32 @!p2 s3, s26  }
0x21: {  	[tilespmem:s29], [sflag:s28] =	stream.strided.gather @!p2 [hbm4b:s26+s30], $0x8000, s31, s30, $0x200038;
	[tilespmem:$0x10100] =	vst v63  }
0x22: {  	s25 =	sshll.u32 @!p2 s25, $0xA;
	s26 =	sshll.u32 @!p2 s18, $0x7;
	s28 =	sand.u32 @!p2 $0x1, s21  }
0x23: {  	s29 =	simm.s32 @!p2 $0x0;
	_ =	strace @!p2 $0x9000005C;
	s25 =	sadd.s32 @!p2 s26, s25  }
0x24: {  	s26 =	sshll.u32 @!p2 s28, $0x7;
	s28 =	sadd.s32 @!p2 $0x3, s28;
	s25 =	sshrl.u32 @!p2 s25, $0x3  }
0x25: {  	_ =	strace @!p2 $0x8000005D;
	s26 =	sor.u32 @!p2 $0x10000, s26;
	s25 =	sadd.s32 @!p2 s4, s25  }
0x26: {  	[tilespmem:s26], [sflag:s28] =	stream.linear.gather @!p2 [hbm4b:s25+s29], $0x80, $0x200038;
	[tilespmem:$0x10100] =	vst v63  }
0x27: {  	s31 =	sand.u32 $0x1, s22;
	_ =	strace @!p2 $0x9000005D  }
0x28: {  	s25 =	sadd.s32 $0x1, s31;
	_ =	strace $0x8000005E  }
0x29: {  	_ =	swait.ge [sflag:s25], $0x8000  }
0x2a: {  	[sflag:s25] =	ssyncset.done $0x0  }
0x2b: {  	[sflag:s25] =	ssyncadd.s32 $0xFFFF8000  }
0x2c: {  	s26 =	sand.u32 $0x1, s19;
	_ =	strace $0x9000005E  }
0x2d: {  	s25 =	sadd.s32 $0x3, s26;
	_ =	strace $0x8000005F  }
0x2e: {  	_ =	swait.ge [sflag:s25], $0x80  }
0x2f: {  	[sflag:s25] =	ssyncset.done $0x0  }
0x30: {  	[sflag:s25] =	ssyncadd.s32 $0xFFFFFF80  }
0x31: {  	s28 =	sshll.u32 s19, $0x7;
	_ =	strace $0x9000005F  }
0x32: {  	s26 =	sand.u32 $0x80, s28;
	_ =	strace $0x80000060  }
0x33: {  	v3 =	vld [tilespmem:s26+$0x10000];
	_ =	sdelay $0x4  }
0x34: {  	v4 =	vshll.u32 v3, $0x1  }
0x35: {  	v3 =	vand.u32 $0x7, v3;
	v4 =	vand.u32 $0xFFFFFFF0, v4  }
0x36: {  	v3 =	vor.u32 v3, v4  }
0x37: {  	v4 =	vperm.xlane v3, v0;
	_ =	sdelay $0x1  }
0x38: {  	v3 =	vperm.xlane v3, v2;
	v4 =	vadd.s32 v1, v4;
	_ =	sdelay $0x1  }
0x39: {  	v3 =	vadd.s32 v1, v3  }
0x3a: {  	s29 =	sshll.u32 s22, $0xF  }
0x3b: {  	s25 =	sand.u32 $0x8000, s29  }
0x3c: {  	[hbm4b:s6+s1] =	stream.indirect_vreg.scatter [tilespmem:s25], [sflag:$0x5], $0x80, v4, vm0, $0x2000b8;
	[tilespmem:$0x10100] =	vst v63  }
0x3d: {  	s30 =	sor.u32 $0x800, s25  }
0x3e: {  	[hbm4b:s6+s1] =	stream.indirect_vreg.scatter [tilespmem:s30], [sflag:$0x5], $0x80, v3, vm0, $0x2000b8;
	[tilespmem:$0x10100] =	vst v63  }
0x3f: {  	v3 =	vld [tilespmem:s26+$0x10010];
	_ =	sdelay $0x4  }
0x40: {  	v57 =	vshll.u32 v3, $0x1  }
0x41: {  	v3 =	vand.u32 $0x7, v3;
	v4 =	vand.u32 $0xFFFFFFF0, v57  }
0x42: {  	v3 =	vor.u32 v3, v4  }
0x43: {  	v4 =	vperm.xlane v3, v0;
	_ =	sdelay $0x1  }
0x44: {  	v3 =	vperm.xlane v3, v2;
	v4 =	vadd.s32 v1, v4;
	_ =	sdelay $0x1  }
0x45: {  	v3 =	vadd.s32 v1, v3;
	_ =	sdelay $0x1  }
0x46: {  	s31 =	sor.u32 $0x1000, s25  }
0x47: {  	[hbm4b:s6+s1] =	stream.indirect_vreg.scatter [tilespmem:s31], [sflag:$0x5], $0x80, v4, vm0, $0x2000b8;
	[tilespmem:$0x10100] =	vst v63  }
0x48: {  	s29 =	sor.u32 $0x1800, s25  }
0x49: {  	[hbm4b:s6+s1] =	stream.indirect_vreg.scatter [tilespmem:s29], [sflag:$0x5], $0x80, v3, vm0, $0x2000b8;
	[tilespmem:$0x10100] =	vst v63  }
0x4a: {  	v3 =	vld [tilespmem:s26+$0x10020];
	_ =	sdelay $0x4  }
0x4b: {  	v58 =	vshll.u32 v3, $0x1  }
0x4c: {  	v3 =	vand.u32 $0x7, v3;
	v4 =	vand.u32 $0xFFFFFFF0, v58  }
0x4d: {  	v3 =	vor.u32 v3, v4  }
0x4e: {  	v4 =	vperm.xlane v3, v0;
	_ =	sdelay $0x1  }
0x4f: {  	v3 =	vperm.xlane v3, v2;
	v4 =	vadd.s32 v1, v4;
	_ =	sdelay $0x1  }
0x50: {  	v3 =	vadd.s32 v1, v3;
	_ =	sdelay $0x1  }
0x51: {  	s30 =	sor.u32 $0x2000, s25  }
0x52: {  	[hbm4b:s6+s1] =	stream.indirect_vreg.scatter [tilespmem:s30], [sflag:$0x5], $0x80, v4, vm0, $0x2000b8;
	[tilespmem:$0x10100] =	vst v63  }
0x53: {  	s31 =	sor.u32 $0x2800, s25  }
0x54: {  	[hbm4b:s6+s1] =	stream.indirect_vreg.scatter [tilespmem:s31], [sflag:$0x5], $0x80, v3, vm0, $0x2000b8;
	[tilespmem:$0x10100] =	vst v63  }
0x55: {  	v3 =	vld [tilespmem:s26+$0x10030];
	_ =	sdelay $0x4  }
0x56: {  	v59 =	vshll.u32 v3, $0x1  }
0x57: {  	v3 =	vand.u32 $0x7, v3;
	v4 =	vand.u32 $0xFFFFFFF0, v59  }
0x58: {  	v3 =	vor.u32 v3, v4  }
0x59: {  	v4 =	vperm.xlane v3, v0;
	_ =	sdelay $0x1  }
0x5a: {  	v3 =	vperm.xlane v3, v2;
	v4 =	vadd.s32 v1, v4;
	_ =	sdelay $0x1  }
0x5b: {  	v3 =	vadd.s32 v1, v3;
	_ =	sdelay $0x1  }
0x5c: {  	s29 =	sor.u32 $0x3000, s25  }
0x5d: {  	[hbm4b:s6+s1] =	stream.indirect_vreg.scatter [tilespmem:s29], [sflag:$0x5], $0x80, v4, vm0, $0x2000b8;
	[tilespmem:$0x10100] =	vst v63  }
0x5e: {  	s30 =	sor.u32 $0x3800, s25  }
0x5f: {  	[hbm4b:s6+s1] =	stream.indirect_vreg.scatter [tilespmem:s30], [sflag:$0x5], $0x80, v3, vm0, $0x2000b8;
	[tilespmem:$0x10100] =	vst v63  }
0x60: {  	v3 =	vld [tilespmem:s26+$0x10040];
	_ =	sdelay $0x4  }
0x61: {  	v60 =	vshll.u32 v3, $0x1  }
0x62: {  	v3 =	vand.u32 $0x7, v3;
	v4 =	vand.u32 $0xFFFFFFF0, v60  }
0x63: {  	v3 =	vor.u32 v3, v4  }
0x64: {  	v4 =	vperm.xlane v3, v0;
	_ =	sdelay $0x1  }
0x65: {  	v3 =	vperm.xlane v3, v2;
	v4 =	vadd.s32 v1, v4;
	_ =	sdelay $0x1  }
0x66: {  	v3 =	vadd.s32 v1, v3;
	_ =	sdelay $0x1  }
0x67: {  	s31 =	sor.u32 $0x4000, s25  }
0x68: {  	[hbm4b:s6+s1] =	stream.indirect_vreg.scatter [tilespmem:s31], [sflag:$0x5], $0x80, v4, vm0, $0x2000b8;
	[tilespmem:$0x10100] =	vst v63  }
0x69: {  	s29 =	sor.u32 $0x4800, s25  }
0x6a: {  	[hbm4b:s6+s1] =	stream.indirect_vreg.scatter [tilespmem:s29], [sflag:$0x5], $0x80, v3, vm0, $0x2000b8;
	[tilespmem:$0x10100] =	vst v63  }
0x6b: {  	v3 =	vld [tilespmem:s26+$0x10050];
	_ =	sdelay $0x4  }
0x6c: {  	v61 =	vshll.u32 v3, $0x1  }
0x6d: {  	v3 =	vand.u32 $0x7, v3;
	v4 =	vand.u32 $0xFFFFFFF0, v61  }
0x6e: {  	v3 =	vor.u32 v3, v4  }
0x6f: {  	v4 =	vperm.xlane v3, v0;
	_ =	sdelay $0x1  }
0x70: {  	v3 =	vperm.xlane v3, v2;
	v4 =	vadd.s32 v1, v4;
	_ =	sdelay $0x1  }
0x71: {  	v3 =	vadd.s32 v1, v3;
	_ =	sdelay $0x1  }
0x72: {  	s30 =	sor.u32 $0x5000, s25  }
0x73: {  	[hbm4b:s6+s1] =	stream.indirect_vreg.scatter [tilespmem:s30], [sflag:$0x5], $0x80, v4, vm0, $0x2000b8;
	[tilespmem:$0x10100] =	vst v63  }
0x74: {  	s31 =	sor.u32 $0x5800, s25  }
0x75: {  	[hbm4b:s6+s1] =	stream.indirect_vreg.scatter [tilespmem:s31], [sflag:$0x5], $0x80, v3, vm0, $0x2000b8;
	[tilespmem:$0x10100] =	vst v63  }
0x76: {  	v3 =	vld [tilespmem:s26+$0x10060];
	_ =	sdelay $0x4  }
0x77: {  	v62 =	vshll.u32 v3, $0x1  }
0x78: {  	v3 =	vand.u32 $0x7, v3;
	v4 =	vand.u32 $0xFFFFFFF0, v62  }
0x79: {  	v3 =	vor.u32 v3, v4  }
0x7a: {  	v4 =	vperm.xlane v3, v0;
	_ =	sdelay $0x1  }
0x7b: {  	v3 =	vperm.xlane v3, v2;
	v4 =	vadd.s32 v1, v4;
	_ =	sdelay $0x1  }
0x7c: {  	v3 =	vadd.s32 v1, v3;
	_ =	sdelay $0x1  }
0x7d: {  	s29 =	sor.u32 $0x6000, s25  }
0x7e: {  	[hbm4b:s6+s1] =	stream.indirect_vreg.scatter [tilespmem:s29], [sflag:$0x5], $0x80, v4, vm0, $0x2000b8;
	[tilespmem:$0x10100] =	vst v63  }
0x7f: {  	s30 =	sor.u32 $0x6800, s25  }
0x80: {  	[hbm4b:s6+s1] =	stream.indirect_vreg.scatter [tilespmem:s30], [sflag:$0x5], $0x80, v3, vm0, $0x2000b8;
	[tilespmem:$0x10100] =	vst v63  }
0x81: {  	v3 =	vld [tilespmem:s26+$0x10070];
	_ =	sdelay $0x4  }
0x82: {  	v63 =	vshll.u32 v3, $0x1  }
0x83: {  	v3 =	vand.u32 $0x7, v3;
	v4 =	vand.u32 $0xFFFFFFF0, v63  }
0x84: {  	v3 =	vor.u32 v3, v4  }
0x85: {  	v4 =	vperm.xlane v3, v0;
	_ =	sdelay $0x1  }
0x86: {  	v3 =	vperm.xlane v3, v2;
	v4 =	vadd.s32 v1, v4;
	_ =	sdelay $0x1  }
0x87: {  	p6 =	seq.s32 s11, s23;
	s26 =	sadd.s32 @!p2 $0x1, s24;
	v3 =	vadd.s32 v1, v3  }
0x88: {  	s23 =	sadd.s32 $0x1, s23;
	p0 =	por p6, p0;
	s26 =	smov.u32 @p2 s24  }
0x89: {  	s31 =	sor.u32 $0x7000, s25;
	s26 =	smov.u32 @p1 s24;
	s24 =	simm.s32 $0x1  }
0x8a: {  	[hbm4b:s6+s1] =	stream.indirect_vreg.scatter [tilespmem:s31], [sflag:$0x5], $0x80, v4, vm0, $0x2000b8;
	[tilespmem:$0x10100] =	vst v63  }
0x8b: {  	s25 =	sor.u32 $0x7800, s25;
	s24 =	simm.s32 @!p0 $0x0;
	p0 =	sne.s32 s8, s23  }
0x8c: {  	[hbm4b:s6+s1] =	stream.indirect_vreg.scatter [tilespmem:s25], [sflag:$0x5], $0x80, v3, vm0, $0x2000b8;
	[tilespmem:$0x10100] =	vst v63  }
.Ltmp0:
0x8d: {  	s28 =	simm.s32 @!p2 $0x1;
	(pc) =	sbr.rel @p0 .LBB2_2-.Ltmp0, $4  }
0x8e: {  	s28 =	simm.s32 @p2 $0x0;
	_ =	swait.ge [sflag:s16], $0x8000  }
0x8f: {  	s28 =	simm.s32 @p1 $0x0;
	[sflag:s16] =	ssyncset.done $0x0  }
0x90: {  	s21 =	sadd.s32 s21, s28;
	[sflag:s16] =	ssyncadd.s32 $0xFFFF8000  }
0x91: {  	s22 =	sadd.s32 s24, s22;
	s19 =	sadd.s32 s24, s19;
	_ =	strace $0x90000060  }
0x92: {  	s17 =	sadd.s32 $0x1, s17  }
0x93: {  	p0 =	sne.s32 s17, s12  }
.Ltmp1:
0x94: {  	_ = 	snop;
	(pc) =	sbr.rel @p0 .LBB2_1-.Ltmp1, $1  }
0x95: {  	_ =	sdelay $0x3  }
0x96: {  	_ =	sfence.sel $0x180000  }
0x97: {  	[bflag:$0x0] =	sbarrier.arrive $0xFFFF  }
0x98: {  	p0 =	sne.s32 s2, $0x0;
	_ =	strace $0x9000005A  }
0x99: {  	s0 =	sadd.s32 @!p0 $0x100000, s0;
	[bflag:$0x2] =	sbarrier.arrive $0xFFFF  }
0x9a: {  	[sflag:s0] =	ssyncadd.tile.s32 @!p0 $0x1;
	_ =	shalt  }
.Lfunc_end2:
_tile_overlayer_lowered:
.L_overlay_start_2:
0x9b: {  	(tag) =	ssettag $0x2  }
0x9c: {  	s0 =	rddreg [dreg:$0x0];
	s2 =	stileid.u32  }
0x9d: {  	s1 =	rddreg [dreg:$0x1];
	p0 =	sne.s32 s2, $0x0  }
0x9e: {  	s3 =	rddreg [dreg:$0x2];
	[bflag:$0x3] =	sbarrier.arrive $0xFFFF;
	s2 =	simm.s32 @!p0 $0x1C01  }
0x9f: {  	[timem:s3], [sflag:s2] =	dma.local @!p0 [hbm:s0], s1  }
0xa0: {  	s0 =	simm.s32 @!p0 $0x1  }
0xa1: {  	_ =	swait.ge @!p0 [sflag:s0], s1  }
0xa2: {  	s1 =	ssub.s32 @!p0 $0x0, s1;
	[sflag:s0] =	ssyncset.done @!p0 $0x0  }
0xa3: {  	[sflag:s0] =	ssyncadd.s32 @!p0 s1  }
0xa4: {  	[bflag:$0x3] =	sbarrier.arrive $0xFFFF  }
0xa5: {  	_ =	shalt  }

// kernel: scatter_offload_async_start
scs
__scs_entry_jumppad:
0x0: {  	(pc) =	sbr.rel $0x88, $3  }
0x1: {  	(tag) =	ssettag $0x0;
	lr =	simm.s32 $0x1  }
0x2: {  	[smem:$0x3F9B] =	sst lr;
	_ =	strace $0xD0000000  }
0x3: {  	_ = 	snop  }
0x4: {  	_ = 	snop  }
0x5: {  	_ = 	snop  }
0x6: {  	_ = 	snop  }
0x7: {  	_ = 	snop  }
__scs_overlays_trampoline_lowered:
0x8: {  	[smem:$0x3FAA] =	sst s0  }
0x9: {  	[smem:$0x3FAB] =	sst s1  }
0xa: {  	[smem:$0x3FAC] =	sst s2  }
0xb: {  	[smem:$0x3FAD] =	sst s3  }
0xc: {  	[smem:$0x3FAE] =	sst s4  }
0xd: {  	[smem:$0x3FAF] =	sst s5  }
0xe: {  	[smem:$0x3FB0] =	sst s6  }
0xf: {  	[smem:$0x3FB1] =	sst s7  }
0x10: {  	[smem:$0x3FB2] =	sst s8  }
0x11: {  	[smem:$0x3FB3] =	sst s9;
	s0 =	simm.s32 @!p0 $0x0  }
0x12: {  	s1 =	sld [smem:$0x3F99];
	s0 =	simm.s32 @p0 $0x1  }
0x13: {  	[smem:$0x3FB4] =	sst s0;
	s0 =	simm.s32 @!p1 $0x0  }
0x14: {  	s2 =	sld [smem:$0x3F98];
	s0 =	simm.s32 @p1 $0x1  }
0x15: {  	[smem:$0x3FB5] =	sst s0;
	s0 =	simm.s32 @!p2 $0x0  }
0x16: {  	s3 =	sld [smem:$0x3FDB];
	s0 =	simm.s32 @p2 $0x1  }
0x17: {  	s4 =	simm.s32 $0x1BF5;
	[smem:$0x3FB7] =	sst s0  }
0x18: {  	s0 =	sld [smem:$0x3F9A];
	_ =	swait.ge [sflag:s4], $0x0  }
0x19: {  	s7 =	sld [smem:$0x3F9B]  }
0x1a: {  	s8 =	sadd.s32 $0xFFFFE003, lr  }
0x1b: {  	s9 =	sadd.s32 $0xFFFFFEF7, lr;
	s5 =	simm.s32 $0xFFFFFFFF;
	p2 =	slt.u32 s8, $0xFFFFF086  }
0x1c: {  	p1 =	slt.u32 s9, $0xF7A;
	s5 =	simm.s32 @!p2 $0x0  }
0x1d: {  	s5 =	simm.s32 @p1 $0x1;
	p0 =	seq.s32 s7, s2  }
0x1e: {  	s7 =	smul.u32 @!p0 $0xF7A, s2;
	p2 =	seq.s32 @!p0 s5, $0x0  }
0x1f: {  	s9 =	smul.u32 $0xF7A, s1;
	s8 =	simm.s32 @!p0 $0x1BF5;
	p2 =	por !p2, p0  }
0x20: {  	[sflag:s8] =	ssyncset.s32 @!p0 $0xFFFFF086;
	s6 =	sadd.s32 @!p0 s3, s7;
	s7 =	simm.s32 @!p0 $0x108  }
0x21: {  	s3 =	sadd.s32 s3, s9;
	s6 =	sadd.s32 @!p0 $0x88, s6;
	s7 =	simm.s32 @p2 $0x1082  }
0x22: {  	[simem:s7], [sflag:s8] =	dma.local @!p0 [hbm:s6], $0xF7A  }
0x23: {  	s9 =	sor.u32 $0xD0000000, s2;
	s6 =	simm.s32 $0x108;
	_ =	swait.ge @!p0 [sflag:s8], $0x0  }
0x24: {  	s3 =	sadd.s32 $0x88, s3;
	s6 =	simm.s32 @!p1 $0x1082;
	[sflag:s4] =	ssyncset.s32 $0xFFFFF086  }
0x25: {  	[simem:s6], [sflag:s4] =	dma.local [hbm:s3], $0xF7A  }
0x26: {  	[smem:$0x3F9B] =	sst s1;
	(tag) =	ssettag s2;
	_ =	strace s9  }
0x27: {  	s1 =	sld [smem:$0x3FAB]  }
0x28: {  	s2 =	sld [smem:$0x3FAC]  }
0x29: {  	s4 =	sld [smem:$0x3FAE]  }
0x2a: {  	p0 =	seq.s32 s5, $0x0;
	s5 =	sld [smem:$0x3FAF]  }
0x2b: {  	s6 =	sld [smem:$0x3FB0]  }
0x2c: {  	s7 =	sld [smem:$0x3FB1]  }
0x2d: {  	s3 =	simm.s32 $0x108;
	s8 =	sld [smem:$0x3FB2]  }
0x2e: {  	s3 =	simm.s32 @!p0 $0x1082;
	s9 =	sld [smem:$0x3FB3]  }
0x2f: {  	lr =	sadd.s32 s0, s3;
	s0 =	sld [smem:$0x3FAA]  }
0x30: {  	s3 =	sld [smem:$0x3FAD]  }
0x31: {  	[smem:$0x3FB6] =	sst s10  }
0x32: {  	s10 =	sld [smem:$0x3FB4];
	_ =	sdelay $0x3  }
0x33: {  	p0 =	seq.s32 s10, $0x1;
	s10 =	sld [smem:$0x3FB6];
	_ =	sdelay $0x3  }
0x34: {  	[smem:$0x3FB6] =	sst s10  }
0x35: {  	s10 =	sld [smem:$0x3FB5];
	_ =	sdelay $0x3  }
0x36: {  	p1 =	seq.s32 s10, $0x1;
	s10 =	sld [smem:$0x3FB6];
	_ =	sdelay $0x3  }
0x37: {  	[smem:$0x3FB6] =	sst s10  }
0x38: {  	s10 =	sld [smem:$0x3FB7]  }
0x39: {  	_ = 	snop;
	(pc) =	sbr.ind lr, $3  }
0x3a: {  	_ = 	snop  }
0x3b: {  	_ = 	snop  }
0x3c: {  	p2 =	seq.s32 s10, $0x1;
	s10 =	sld [smem:$0x3FB6]  }
0x3d: {  	_ =	shalt  }
0x3e: {  	_ =	shalt  }
0x3f: {  	_ =	shalt  }
0x40: {  	_ =	shalt  }
0x41: {  	_ =	shalt  }
0x42: {  	_ =	shalt  }
0x43: {  	_ =	shalt  }
0x44: {  	_ =	shalt  }
0x45: {  	_ =	shalt  }
0x46: {  	_ =	shalt  }
0x47: {  	_ =	shalt  }
0x48: {  	_ =	shalt  }
0x49: {  	_ =	shalt  }
0x4a: {  	_ =	shalt  }
0x4b: {  	_ =	shalt  }
0x4c: {  	_ =	shalt  }
0x4d: {  	_ =	shalt  }
0x4e: {  	_ =	shalt  }
0x4f: {  	_ =	shalt  }
0x50: {  	_ =	shalt  }
0x51: {  	_ =	shalt  }
0x52: {  	_ =	shalt  }
0x53: {  	_ =	shalt  }
0x54: {  	_ =	shalt  }
0x55: {  	_ =	shalt  }
0x56: {  	_ =	shalt  }
0x57: {  	_ =	shalt  }
0x58: {  	_ =	shalt  }
0x59: {  	_ =	shalt  }
0x5a: {  	_ =	shalt  }
0x5b: {  	_ =	shalt  }
0x5c: {  	_ =	shalt  }
0x5d: {  	_ =	shalt  }
0x5e: {  	_ =	shalt  }
0x5f: {  	_ =	shalt  }
0x60: {  	_ =	shalt  }
0x61: {  	_ =	shalt  }
0x62: {  	_ =	shalt  }
0x63: {  	_ =	shalt  }
0x64: {  	_ =	shalt  }
0x65: {  	_ =	shalt  }
0x66: {  	_ =	shalt  }
0x67: {  	_ =	shalt  }
0x68: {  	_ =	shalt  }
0x69: {  	_ =	shalt  }
0x6a: {  	_ =	shalt  }
0x6b: {  	_ =	shalt  }
0x6c: {  	_ =	shalt  }
0x6d: {  	_ =	shalt  }
0x6e: {  	_ =	shalt  }
0x6f: {  	_ =	shalt  }
0x70: {  	_ =	shalt  }
0x71: {  	_ =	shalt  }
0x72: {  	_ =	shalt  }
0x73: {  	_ =	shalt  }
0x74: {  	_ =	shalt  }
0x75: {  	_ =	shalt  }
0x76: {  	_ =	shalt  }
0x77: {  	_ =	shalt  }
0x78: {  	_ =	shalt  }
0x79: {  	_ =	shalt  }
0x7a: {  	_ =	shalt  }
0x7b: {  	_ =	shalt  }
0x7c: {  	_ =	shalt  }
0x7d: {  	_ =	shalt  }
0x7e: {  	_ =	shalt  }
0x7f: {  	_ =	shalt  }
0x80: {  	_ =	shalt  }
0x81: {  	_ =	shalt  }
0x82: {  	_ =	shalt  }
0x83: {  	_ =	shalt  }
0x84: {  	_ =	shalt  }
0x85: {  	_ =	shalt  }
0x86: {  	_ =	shalt  }
0x87: {  	_ =	shalt  }
.Lfunc_end0:
.L_simem_size_0:
called_computation_lowered:
.L_overlay_start_0:
0x88: {  	s0 =	sld [smem:$0x3FD9]  }
0x89: {  	s1 =	sld [smem:$0x3FFE];
	_ =	sdelay $0x3  }
0x8a: {  	s0 =	sadd.s32 s1, s0  }
0x8b: {  	[smem:$0x3FC2] =	sst s0  }
0x8c: {  	_ = 	snop  }
0x8d: {  	(tm) =	ssettm $0x1  }
0x8e: {  	s15 =	sld [smem:$0x3FFB];
	_ =	sdelay $0x3  }
0x8f: {  	_ =	strace s15  }
0x90: {  	s0 =	sld [smem:$0x3FFC];
	_ =	sdelay $0x3  }
0x91: {  	_ =	strace s0  }
0x92: {  	s0 =	sld [smem:$0x3FFD];
	_ =	sdelay $0x3  }
0x93: {  	_ =	strace s0  }
0x94: {  	_ =	strace $0x8FFFFFFF  }
0x95: {  	s16 =	sld [smem:$0x3FDB];
	_ =	sdelay $0x1  }
0x96: {  	s17 =	simm.s32 $_scs_section_size  }
0x97: {  	s2 =	simm.s32 $_size__tile_overlayer_lowered;
	s3 =	simm.s32 $_tile_overlayer_lowered  }
0x98: {  	s20 =	simm.s32 $0x1BFF;
	s19 =	sshll.u32 s3, $0x1;
	s0 =	sadd.s32 s17, s16  }
0x99: {  	s4 =	simm.s32 $0x0;
	s18 =	sshll.u32 s2, $0x1;
	s2 =	sadd.s32 s19, s0  }
0x9a: {  	[timem:s4], [sflag:s20] =	dma.local [hbm:s2], s18  }
0x9b: {  	_ =	swait.ge [sflag:s20], s18  }
0x9c: {  	s1 =	ssub.s32 $0x0, s18;
	[sflag:s20] =	ssyncset.done $0x0  }
0x9d: {  	[sflag:s20] =	ssyncadd.s32 s1;
	_ =	sdelay $0x1  }
0x9e: {  	s21 =	simm.s32 $0x1B8B  }
0x9f: {  	_ =	swait.ge [sflag:s21], $0x1  }
0xa0: {  	[sflag:s21] =	ssyncset.done $0x0  }
0xa1: {  	s23 =	simm.s32 $0x1B8E;
	s22 =	sld [smem:$0x3FFE];
	[sflag:s21] =	ssyncadd.s32 $0xFFFFFFFF  }
0xa2: {  	s24 =	simm.s32 $execute0_lowered;
	[smem:$0x3FD2] =	sst s23  }
0xa3: {  	s2 =	sshll.u32 s24, $0x1;
	_ =	strace $0x80000049;
	[dreg:$0x1] =	wrdreg $0xFFFFFFFF  }
0xa4: {  	s25 =	simm.s32 $_size_execute0_lowered;
	s0 =	sadd.s32 s0, s2;
	[dreg:$0x0] =	wrdreg $0x0  }
0xa5: {  	s2 =	sshll.u32 s25, $0x1;
	[dreg:$0x2] =	wrdreg s0  }
0xa6: {  	[dreg:$0x3] =	wrdreg s2  }
0xa7: {  	[dreg:$0x4] =	wrdreg $0xC0  }
0xa8: {  	_ =	task [dreg:s4], $0x5FFFF  }
0xa9: {  	[dreg:$0x1] =	wrdreg $0xFFFFFFFF  }
0xaa: {  	[dreg:$0x0] =	wrdreg $0x60  }
0xab: {  	[dreg:$0x2] =	wrdreg s22  }
0xac: {  	[dreg:$0x3] =	wrdreg $0x9  }
0xad: {  	_ =	task.clear_ibuf [dreg:s4], $0x4FFFF;
	_ =	strace $0x90000049  }
0xae: {  	s26 =	simm.s32 $0x9;
	_ =	strace $0x8000004B  }
0xaf: {  	_ =	swait.ge [sflag:s26], $0x1  }
0xb0: {  	[sflag:s26] =	ssyncadd.s32 $0xFFFFFFFF  }
0xb1: {  	_ =	strace $0x9000004B  }
0xb2: {  	_ =	sfence  }
0xb3: {  	s28 =	sld [smem:$0x0];
	_ =	sdelay $0x1  }
0xb4: {  	s29 =	srdreg.scid  }
0xb5: {  	s30 =	sshll.u32 s29, $0xD;
	s31 =	sshrl.u32 s29, $0x2  }
0xb6: {  	s1 =	sand.u32 $0x1, s29;
	s2 =	sand.u32 $0x4000, s30;
	s0 =	sadd.s32 s31, s28  }
0xb7: {  	s1 =	sor.u32 s2, s1;
	s0 =	sshll.u32 s0, $0x11  }
0xb8: {  	s0 =	sor.u32 s0, s1  }
0xb9: {  	s0 =	sadd.s32 $0x8F2B, s0  }
0xba: {  	[sflag:s0] =	ssyncadd.remote.s32 $0x1  }
0xbb: {  	_ =	sfence.sel $0xFFFF  }
0xbc: {  	[dreg:$0x0] =	wrdreg $0xFFFFFFFF;
	(pc) =	sbr.abs _section_cstart, $3  }
0xbd: {  	[dreg:$0x1] =	wrdreg $0xFFFFFFFF  }
0xbe: {  	_ =	task.clear_ibuf [dreg:s4], $0x2FFFF;
	_ =	strace $0x9FFFFFFF  }
0xbf: {  	(tm) =	ssettm $0x7FFFFFFF  }
tec
execute0_lowered:
.L_overlay_start_1:
0x0: {  	(tag) =	ssettag $0x1  }
0x1: {  	s2 =	rddreg [dreg:$0x0]  }
0x2: {  	s0 =	rddreg [dreg:$0x1];
	_ =	strace $0x8000004A;
	s3 =	stileid.u32  }
0x3: {  	s4 =	simm.s32 $0x3E;
	s1 =	sadd.s32 $0x4A00, s2;
	p0 =	sne.s32 s3, $0x0  }
0x4: {  	[sflag:s4] =	ssyncpa.u1 $0x0;
	s5 =	simm.s32 @!p0 $0x1C3E;
	s6 =	simm.s32 @!p0 $0x0  }
0x5: {  	[spmem:s6], [sflag:s5] =	dma.local @!p0 [hbm:s1], $0x10  }
0x6: {  	s5 =	simm.s32 @!p0 $0x3E  }
0x7: {  	_ =	swait.ge @!p0 [sflag:s5], $0x10  }
0x8: {  	[sflag:s5] =	ssyncset.done @!p0 $0x0  }
0x9: {  	s26 =	simm.s32 $0x1;
	[sflag:s5] =	ssyncadd.s32 @!p0 $0xFFFFFFF0  }
0xa: {  	s29 =	simm.s32 $0x2;
	s7 =	simm.s32 $0x408;
	[bflag:$0x0] =	sbarrier.arrive $0xFFFF  }
0xb: {  	s28 =	sadd.s32 $0x1C00, s2;
	s30 =	sadd.s32 $0x4C00, s2;
	[sflag:s4] =	ssyncpa.u1 $0x1  }
0xc: {  	s3 =	sshll.u32 s3, $0x7;
	s2 =	simm.s32 $0x0;
	[sflag:s26] =	ssyncpa.u1 $0x0  }
0xd: {  	s4 =	sadd.s32 s28, s3;
	(ifvalue) =	ssetifvalue $0x80;
	[sflag:s29] =	ssyncpa.u1 $0x0  }
0xe: {  	[tilespmem:s7], [sflag:$0x2] =	stream.linear.gather [hbm4b:s4+s2], $0x400, $0x38;
	[tilespmem:$0x1008] =	vst v63  }
0xf: {  	s31 =	sadd.s32 s30, s3;
	s3 =	simm.s32 $0xC08  }
0x10: {  	[tilespmem:s3], [sflag:$0x2] =	stream.linear.gather [hbm4b:s31+s2], $0x400, $0x38;
	[tilespmem:$0x1008] =	vst v63  }
0x11: {  	_ =	swait.ge [sflag:s29], $0x800  }
0x12: {  	[sflag:s29] =	ssyncset.done $0x0  }
0x13: {  	[sflag:s29] =	ssyncadd.s32 $0xFFFFF800  }
0x14: {  	v0 =	vld.msk [tilespmem:s7+$0x0 ss:$0x1], $0xffff;
	_ =	sdelay $0x4  }
0x15: {  	v0 =	vmin.u32 v0, $0x80;
	_ =	sdelay $0x3  }
0x16: {  	vm0 =	vmmov $0xffff;
	s5 =	simm.s32 $0x418;
	s4 =	simm.s32 $0x0  }
0x17: {  	[spmem:s2] =	stream.indirect_vreg.scatter.add.s32 [tilespmem:s3], [sflag:$0x1], $0x1, v0, vm0, $0x4038;
	[tilespmem:$0x1008] =	vst v63  }
.LBB2_1:
0x18: {  	v0 =	vld.msk [tilespmem:s5+$0x0 ss:$0x1], $0xffff;
	s4 =	sadd.s32 $0x10, s4  }
0x19: {  	p1 =	slt.u32 s4, $0x3F0;
	_ =	sdelay $0x4  }
0x1a: {  	v0 =	vmin.u32 v0, $0x80  }
.Ltmp0:
0x1b: {  	(pc) =	sbr.rel @p1 .LBB2_1-.Ltmp0, $3  }
0x1c: {  	_ =	sdelay $0x1  }
0x1d: {  	s5 =	sadd.s32 $0x10, s5;
	s3 =	sadd.s32 $0x10, s3  }
0x1e: {  	[spmem:s2] =	stream.indirect_vreg.scatter.add.s32 [tilespmem:s3], [sflag:$0x1], $0x1, v0, vm0, $0x4038;
	[tilespmem:$0x1008] =	vst v63  }
0x1f: {  	s2 =	simm.s32 $0x1  }
0x20: {  	_ =	swait.ge [sflag:s2], $0x400  }
0x21: {  	[sflag:s2] =	ssyncset.done $0x0  }
0x22: {  	[sflag:s2] =	ssyncadd.s32 $0xFFFFFC00  }
0x23: {  	_ =	sfence.sel $0x180000  }
0x24: {  	s3 =	simm.s32 $0x2;
	[bflag:$0x0] =	sbarrier.arrive $0xFFFF  }
0x25: {  	[sflag:s3] =	ssyncpa.u1 $0x1  }
0x26: {  	[sflag:s2] =	ssyncpa.u1 $0x1  }
0x27: {  	_ =	sfence.stream.spmem  }
0x28: {  	s31 =	simm.s32 $0x3D;
	[bflag:$0x0] =	sbarrier.arrive $0xFFFF  }
0x29: {  	s2 =	simm.s32 @p0 $0x3D;
	[sflag:s31] =	ssyncpa.u1 $0x0  }
0x2a: {  	[sflag:s2] =	ssyncpa.u1 @p0 $0x1  }
0x2b: {  	[bflag:$0x0] =	sbarrier.arrive @p0 $0xFFFF  }
0x2c: {  	_ =	strace @p0 $0x9000004A  }
0x2d: {  	s3 =	simm.s32 @!p0 $0x1C3D;
	s2 =	simm.s32 @!p0 $0x0;
	[bflag:$0x2] =	sbarrier.arrive @p0 $0xFFFF  }
0x2e: {  	[hbm:s1], [sflag:s3] =	dma.local @!p0 [spmem:s2], $0x10  }
0x2f: {  	s1 =	simm.s32 @!p0 $0x3D  }
0x30: {  	_ =	swait.ge @!p0 [sflag:s1], $0x10  }
0x31: {  	[sflag:s1] =	ssyncset.done @!p0 $0x0  }
0x32: {  	[sflag:s1] =	ssyncadd.s32 @!p0 $0xFFFFFFF0  }
0x33: {  	[sflag:s1] =	ssyncpa.u1 @!p0 $0x1  }
0x34: {  	[bflag:$0x0] =	sbarrier.arrive @!p0 $0xFFFF  }
0x35: {  	_ =	strace @!p0 $0x9000004A  }
0x36: {  	s0 =	sadd.s32 @!p0 $0x100000, s0;
	[bflag:$0x2] =	sbarrier.arrive @!p0 $0xFFFF  }
0x37: {  	[sflag:s0] =	ssyncadd.tile.s32 @!p0 $0x1;
	_ =	shalt  }
.Lfunc_end2:
_tile_overlayer_lowered:
.L_overlay_start_2:
0x38: {  	(tag) =	ssettag $0x2  }
0x39: {  	s0 =	rddreg [dreg:$0x0];
	s2 =	stileid.u32  }
0x3a: {  	s1 =	rddreg [dreg:$0x1];
	p0 =	sne.s32 s2, $0x0  }
0x3b: {  	s3 =	rddreg [dreg:$0x2];
	[bflag:$0x3] =	sbarrier.arrive $0xFFFF;
	s2 =	simm.s32 @!p0 $0x1C01  }
0x3c: {  	[timem:s3], [sflag:s2] =	dma.local @!p0 [hbm:s0], s1  }
0x3d: {  	s0 =	simm.s32 @!p0 $0x1  }
0x3e: {  	_ =	swait.ge @!p0 [sflag:s0], s1  }
0x3f: {  	s1 =	ssub.s32 @!p0 $0x0, s1;
	[sflag:s0] =	ssyncset.done @!p0 $0x0  }
0x40: {  	[sflag:s0] =	ssyncadd.s32 @!p0 s1  }
0x41: {  	[bflag:$0x3] =	sbarrier.arrive $0xFFFF  }
0x42: {  	_ =	shalt  }

</sc_bundles>
